<compile_context>
chip_gen: v7x
topology: tpu7x:2x2x1
jax: 0.10.2.dev20260603
libtpu: 0.0.44.dev20260713+nightly
codegen_flags: <defaults>
</compile_context>

<pallas_src>
import functools

import jax
import jax.numpy as jnp
from jax import lax
from jax.experimental import pallas as pl
from jax.experimental.pallas import tpu as pltpu
from jax.experimental.pallas import tpu_sc as plsc

N = 16384
T = 16
L = 16
HN = N // 2
HNV = HN // L
PR = HN // 128
R = 2048
EPS = 1e-12


def _sc_zvalues(predsF, targetsF):
    mesh = plsc.VectorSubcoreMesh(core_axis_name="c", subcore_axis_name="s")

    @functools.partial(
        pl.kernel,
        out_type=jax.ShapeDtypeStruct((T * N,), jnp.float32),
        mesh=mesh,
        compiler_params=pltpu.CompilerParams(needs_layout_passes=False),
        scratch_types=[
            pltpu.VMEM((HN,), jnp.float32),
            pltpu.VMEM((HN,), jnp.float32),
            pltpu.VMEM((HN,), jnp.int32),
            pltpu.VMEM((HN,), jnp.int32),
            pltpu.VMEM((HN,), jnp.float32),
            pltpu.VMEM((HN,), jnp.float32),
            pltpu.VMEM((HN,), jnp.int32),
            pltpu.VMEM((PR, 128), jnp.int32),
            pltpu.VMEM((R,), jnp.int32),
            pltpu.VMEM((R,), jnp.int32),
            pltpu.VMEM((HN,), jnp.float32),
            pltpu.VMEM((HNV + L,), jnp.float32),
            pltpu.VMEM((L,), jnp.float32),
            pltpu.SemaphoreType.DMA,
            pltpu.VMEM_SHARED((8 * N,), jnp.int32),
            pltpu.VMEM_SHARED((8 * N,), jnp.float32),
            pltpu.VMEM_SHARED((16 * R,), jnp.int32),
            pltpu.VMEM_SHARED((16 * L,), jnp.float32),
        ],
    )
    def k(predsF_hbm, targetsF_hbm, z_hbm, tgt_v, val_a, key_a, key_b, val_b,
          e_v, aux_v, pos_v, hist, hist2, out_v, car_v, xch, sem,
          keyS, valS, histS, totS):
        c = lax.axis_index("c")
        s = lax.axis_index("s")
        tl = s % 8
        h = s // 8
        task = c * 8 + tl
        base_elem = task * N + h * HN
        sbase = tl * N
        slot = tl * 2 + h
        oslot = tl * 2 + (1 - h)

        pltpu.sync_copy(targetsF_hbm.at[pl.ds(base_elem, HN)], tgt_v)
        pltpu.sync_copy(predsF_hbm.at[pl.ds(base_elem, HN)], val_a)

        occ0, _ = plsc.scan_count(jnp.zeros((L,), jnp.int32))
        base0 = jnp.min(occ0)

        @plsc.parallel_loop(0, R // L)
        def _zh(j):
            hist[pl.ds(j * L, L)] = jnp.zeros((L,), jnp.int32)

        @plsc.parallel_loop(0, HNV,
                            carry=jnp.full((L,), -jnp.inf, jnp.float32))
        def mx(i, acc):
            tv = tgt_v[pl.ds(i * L, L)]
            u = plsc.bitcast(tv, jnp.uint32)
            neg = (u >> 31) != 0
            key = jnp.where(neg, u, u ^ jnp.uint32(0x7FFFFFFF))
            key_a[pl.ds(i * L, L)] = plsc.bitcast(key, jnp.int32)
            d = (key & jnp.uint32(0x7FF)).astype(jnp.int32)
            occ, lastm = plsc.scan_count(d)
            occ = occ - base0
            aux_v[pl.ds(i * L, L)] = (d + (occ << 11)
                                      + jnp.where(lastm, 1 << 15, 0))
            plsc.addupdate_scatter(hist, [d], occ + 1, mask=lastm)
            return jnp.maximum(acc, val_a[pl.ds(i * L, L)])

        pltpu.sync_copy(hist, histS.at[pl.ds(slot * R, R)])
        xch[...] = mx
        pltpu.sync_copy(xch, totS.at[pl.ds(slot * L, L)])
        plsc.subcore_barrier()
        pltpu.sync_copy(totS.at[pl.ds(oslot * L, L)], xch)
        smax = jnp.maximum(jnp.max(mx), jnp.max(xch[...]))

        def one_pass(shift, nbits, src_k, src_v, dst_k, dst_v,
                     skip_hist=False, last=False):
            dmask = jnp.uint32((1 << nbits) - 1)

            if not skip_hist:
                @plsc.parallel_loop(0, R // L)
                def _zh2(j):
                    hist[pl.ds(j * L, L)] = jnp.zeros((L,), jnp.int32)

                @plsc.parallel_loop(0, HNV)
                def _hb(i):
                    kk = plsc.bitcast(src_k[pl.ds(i * L, L)], jnp.uint32)
                    d = ((kk >> jnp.uint32(shift)) & dmask).astype(jnp.int32)
                    occ, lastm = plsc.scan_count(d)
                    occ = occ - base0
                    aux_v[pl.ds(i * L, L)] = (d + (occ << 11)
                                              + jnp.where(lastm, 1 << 15, 0))
                    plsc.addupdate_scatter(hist, [d], occ + 1, mask=lastm)

                pltpu.sync_copy(hist, histS.at[pl.ds(slot * R, R)])
                plsc.subcore_barrier()

            pltpu.sync_copy(histS.at[pl.ds(oslot * R, R)], hist2)

            def sb(j, carry):
                own = hist[pl.ds(j * L, L)]
                other = hist2[pl.ds(j * L, L)]
                tot = own + other
                cs = plsc.cumsum(tot)
                hist[pl.ds(j * L, L)] = cs - tot + carry + other * h
                return carry + jnp.sum(tot)

            lax.fori_loop(0, R // L, sb, sbase, unroll=4)

            if last:
                @plsc.parallel_loop(0, HNV)
                def _eb(i):
                    e_v[pl.ds(i * L, L)] = jnp.exp(
                        src_v[pl.ds(i * L, L)] - smax)

            def pb(i, _):
                aux = aux_v[pl.ds(i * L, L)]
                d = aux & 2047
                occ = (aux >> 11) & 15
                lastm = aux > 32767
                base = plsc.load_gather(hist, [d])
                pos_v[i >> 3, pl.ds((i & 7) * L, L)] = base + occ
                plsc.addupdate_scatter(hist, [d], occ + 1, mask=lastm)
                return 0

            lax.fori_loop(0, HNV, pb, 0, unroll=4)

            vsrc = e_v if last else src_v

            def fire(j, _):
                if not last:
                    pltpu.async_copy(src_k.at[pl.ds(j * 128, 128)],
                                     keyS.at[pos_v.at[j]], sem)
                pltpu.async_copy(vsrc.at[pl.ds(j * 128, 128)],
                                 valS.at[pos_v.at[j]], sem)
                return 0

            lax.fori_loop(0, PR, fire, 0)

            def drain(j, _):
                if not last:
                    pltpu.make_async_copy(src_k.at[pl.ds(j * 128, 128)],
                                          keyS.at[pos_v.at[j]], sem).wait()
                pltpu.make_async_copy(vsrc.at[pl.ds(j * 128, 128)],
                                      valS.at[pos_v.at[j]], sem).wait()
                return 0

            lax.fori_loop(0, PR, drain, 0)
            plsc.subcore_barrier()

            half_base = sbase + h * HN
            if not last:
                pltpu.sync_copy(keyS.at[pl.ds(half_base, HN)], dst_k)
            pltpu.sync_copy(valS.at[pl.ds(half_base, HN)], dst_v)

        one_pass(0, 11, key_a, val_a, key_b, val_b, skip_hist=True)
        one_pass(11, 11, key_b, val_b, key_a, val_a)
        one_pass(22, 10, key_a, val_a, key_b, val_b, last=True)

        @plsc.parallel_loop(0, HNV)
        def _sufA(i):
            e = val_b[pl.ds(i * L, L)]
            out_v[pl.ds(i * L, L)] = lax.rev(
                plsc.cumsum(lax.rev(e, (0,))), (0,))

        base_idx = lax.iota(jnp.int32, L) * L

        def sufB(mm, carry):
            m = HNV // L - 1 - mm
            tot = plsc.load_gather(out_v, [m * (L * L) + base_idx])
            sfx = lax.rev(plsc.cumsum(lax.rev(tot, (0,))), (0,))
            car_v[pl.ds(m * L, L)] = sfx - tot + carry
            return carry + jnp.max(sfx)

        etot = lax.fori_loop(0, HNV // L, sufB, jnp.float32(0.0))

        xch[...] = jnp.full((L,), etot, jnp.float32)
        pltpu.sync_copy(xch, totS.at[pl.ds(slot * L, L)])
        plsc.subcore_barrier()
        pltpu.sync_copy(totS.at[pl.ds(oslot * L, L)], xch)
        xv = xch[...]
        extra = xv[0] * (1 - h).astype(jnp.float32)

        @plsc.parallel_loop(0, HNV)
        def _sufC(i):
            cv = car_v[pl.ds(i, L)]
            out_v[pl.ds(i * L, L)] = out_v[pl.ds(i * L, L)] + (cv[0] + extra)

        pltpu.sync_copy(out_v, z_hbm.at[pl.ds(base_elem, HN)])

    return k(predsF, targetsF)


def _tc_finish(z, preds):

    def body(z_ref, p_ref, o_ref):
        lz = jnp.log(z_ref[...] + jnp.float32(EPS))
        o_ref[0, 0] = (jnp.sum(lz) - jnp.sum(p_ref[...])) / jnp.float32(N * T)

    out = pl.pallas_call(
        body,
        out_shape=jax.ShapeDtypeStruct((1, 1), jnp.float32),
        out_specs=pl.BlockSpec(memory_space=pltpu.SMEM),
    )(z, preds)
    return out[0, 0]


def kernel(preds, targets):
    predsF = preds.T.reshape(T * N)
    targetsF = targets.T.reshape(T * N)
    z = _sc_zvalues(predsF, targetsF)
    return _tc_finish(z, preds)

# --- scband reference (transcript-rebuilt; emitter-appended) ---
"""Pipeline reference for scband-list-mleloss-55061480735238 (READ-ONLY COPY).

The authoritative reference and input builder live on the scoring server;
editing this copy changes nothing except your own understanding.
"""

import jax, jax.numpy as jnp
import numpy as np

EPS = 1e-12

def setup_inputs(seed: int = 0) -> dict:
    key = jax.random.key(seed)
    k1, k2 = jax.random.split(key)
    preds = jax.random.normal(k1, (16384, 16), dtype=jnp.float32)
    targets = jax.random.normal(k2, (16384, 16), dtype=jnp.float32)
    return {"preds": preds, "targets": targets}

def _listmle_single(preds, targets):
    n_samples = preds.shape[0]
    # torch.sort(targets, descending=True, stable=True) -> permutation pi
    # stable descending == stable ascending argsort of -targets
    pi = jnp.argsort(-targets, stable=True)
    s_pi = preds[pi]
    s_max = jnp.max(s_pi)
    s_shift = s_pi - s_max
    exp_s = jnp.exp(s_shift)
    exp_s_rev = jnp.flip(exp_s, axis=0)
    Z_rev = jnp.cumsum(exp_s_rev, axis=0)
    Z = jnp.flip(Z_rev, axis=0) + EPS
    log_Z = jnp.log(Z)
    log_likelihood = jnp.sum(log_Z - s_pi)
    return log_likelihood / n_samples

def reference(preds, targets):
    # preds/targets: (N, n_tasks) with n_tasks > 1 -> per-task loss, then mean
    losses = jax.vmap(_listmle_single, in_axes=(1, 1))(preds, targets)
    return jnp.mean(losses)

if __name__ == "__main__":
    import jax
    _d = setup_inputs()
    print(jax.jit(kernel)(*tuple(_d.values())))

</pallas_src>

<mosaic_0001>
#map = affine_map<(d0, d1) -> (0)>
module attributes {stable_mosaic.version = 14 : i64} {
  func.func @k(%arg0: i32, %arg1: i32, %arg2: memref<262144xf32, #tpu.memory_space<hbm>>, %arg3: memref<262144xf32, #tpu.memory_space<hbm>>, %arg4: memref<262144xf32, #tpu.memory_space<hbm>>, %arg5: memref<8192xf32, #tpu.memory_space<vmem>>, %arg6: memref<8192xf32, #tpu.memory_space<vmem>>, %arg7: memref<8192xi32, #tpu.memory_space<vmem>>, %arg8: memref<8192xi32, #tpu.memory_space<vmem>>, %arg9: memref<8192xf32, #tpu.memory_space<vmem>>, %arg10: memref<8192xf32, #tpu.memory_space<vmem>>, %arg11: memref<8192xi32, #tpu.memory_space<vmem>>, %arg12: memref<64x128xi32, #tpu.memory_space<vmem>>, %arg13: memref<2048xi32, #tpu.memory_space<vmem>>, %arg14: memref<2048xi32, #tpu.memory_space<vmem>>, %arg15: memref<8192xf32, #tpu.memory_space<vmem>>, %arg16: memref<528xf32, #tpu.memory_space<vmem>>, %arg17: memref<16xf32, #tpu.memory_space<vmem>>, %arg18: memref<!tpu.dma_semaphore, #tpu.memory_space<semaphore_mem>>, %arg19: memref<131072xi32, #tpu.memory_space<vmem_shared>>, %arg20: memref<131072xf32, #tpu.memory_space<vmem_shared>>, %arg21: memref<32768xi32, #tpu.memory_space<vmem_shared>>, %arg22: memref<256xf32, #tpu.memory_space<vmem_shared>>) attributes {dimension_semantics = [#tpu.dimension_semantics<core_parallel>, #tpu.dimension_semantics<subcore_parallel>], iteration_bounds = array<i64: 2, 16>, scalar_prefetch = 0 : i64, scratch_operands = 18 : i64, tpu.core_type = #tpu.core_type<sc_vector_subcore>, window_params = [{transform_indices = #map}, {transform_indices = #map}, {transform_indices = #map}]} {
    %jit3A = arith.constant 8 : i32
    %eq3A = arith.constant 0 : i32
    %eq3A_0 = arith.cmpi eq, %jit3A, %eq3A : i32
    %jit3A_1 = arith.constant 1 : i32
    %select_n3A = arith.select %eq3A_0, %jit3A_1, %jit3A : i32
    %rem3A = arith.remsi %arg1, %select_n3A : i32
    %ne3A = arith.constant 0 : i32
    %ne3A_2 = arith.cmpi ne, %rem3A, %ne3A : i32
    %lt3A = arith.constant 0 : i32
    %lt3A_3 = arith.cmpi slt, %rem3A, %lt3A : i32
    %lt3A_4 = arith.constant 0 : i32
    %lt3A_5 = arith.cmpi slt, %select_n3A, %lt3A_4 : i32
    %ne3A_6 = arith.xori %lt3A_3, %lt3A_5 : i1
    %and3A = arith.andi %ne3A_6, %ne3A_2 : i1
    %add3A = arith.addi %rem3A, %select_n3A : i32
    %select_n3A_7 = arith.select %and3A, %add3A, %rem3A : i32
    %jit3A_8 = arith.constant 8 : i32
    %div3A = arith.divsi %arg1, %jit3A_8 : i32
    %sign3A = arith.constant 0 : i32
    %sign3A_9 = arith.cmpi sgt, %arg1, %sign3A : i32
    %sign3A_10 = arith.extui %sign3A_9 : i1 to i32
    %sign3A_11 = arith.constant 0 : i32
    %sign3A_12 = arith.cmpi slt, %arg1, %sign3A_11 : i32
    %sign3A_13 = arith.extui %sign3A_12 : i1 to i32
    %sign3A_14 = arith.subi %sign3A_10, %sign3A_13 : i32
    %sign3A_15 = arith.constant 0 : i32
    %sign3A_16 = arith.cmpi sgt, %jit3A_8, %sign3A_15 : i32
    %sign3A_17 = arith.extui %sign3A_16 : i1 to i32
    %sign3A_18 = arith.constant 0 : i32
    %sign3A_19 = arith.cmpi slt, %jit3A_8, %sign3A_18 : i32
    %sign3A_20 = arith.extui %sign3A_19 : i1 to i32
    %sign3A_21 = arith.subi %sign3A_17, %sign3A_20 : i32
    %ne3A_22 = arith.cmpi ne, %sign3A_14, %sign3A_21 : i32
    %rem3A_23 = arith.remsi %arg1, %jit3A_8 : i32
    %ne3A_24 = arith.constant 0 : i32
    %ne3A_25 = arith.cmpi ne, %rem3A_23, %ne3A_24 : i32
    %and3A_26 = arith.andi %ne3A_22, %ne3A_25 : i1
    %sub3A = arith.constant 1 : i32
    %sub3A_27 = arith.subi %div3A, %sub3A : i32
    %select_n3A_28 = arith.select %and3A_26, %sub3A_27, %div3A : i32
    %mul3A = arith.constant 8 : i32
    %mul3A_29 = arith.muli %arg0, %mul3A : i32
    %add3A_30 = arith.addi %mul3A_29, %select_n3A_7 : i32
    %mul3A_31 = arith.constant 16384 : i32
    %mul3A_32 = arith.muli %add3A_30, %mul3A_31 : i32
    %mul3A_33 = arith.constant 8192 : i32
    %mul3A_34 = arith.muli %select_n3A_28, %mul3A_33 : i32
    %add3A_35 = arith.addi %mul3A_32, %mul3A_34 : i32
    %mul3A_36 = arith.constant 16384 : i32
    %mul3A_37 = arith.muli %select_n3A_7, %mul3A_36 : i32
    %mul3A_38 = arith.constant 2 : i32
    %mul3A_39 = arith.muli %select_n3A_7, %mul3A_38 : i32
    %add3A_40 = arith.addi %mul3A_39, %select_n3A_28 : i32
    %mul3A_41 = arith.constant 2 : i32
    %mul3A_42 = arith.muli %select_n3A_7, %mul3A_41 : i32
    %sub3A_43 = arith.constant 1 : i32
    %sub3A_44 = arith.subi %sub3A_43, %select_n3A_28 : i32
    %add3A_45 = arith.addi %mul3A_42, %sub3A_44 : i32
    "tpu.region"() ({
      %run_scoped3A = tpu.sem_alloc : memref<!tpu.dma_semaphore, #tpu.memory_space<semaphore_mem>>
      %dma_start3A = tpu.memref_slice %arg3[%add3A_35] : memref<262144xf32, #tpu.memory_space<hbm>> -> memref<8192xf32, #tpu.memory_space<hbm>>
      %dma_start3A_230 = tpu.memref_slice %arg3[%add3A_35] : memref<262144xf32, #tpu.memory_space<hbm>> -> memref<8192xf32, #tpu.memory_space<hbm>>
      tpu.enqueue_dma source(%dma_start3A_230 : memref<8192xf32, #tpu.memory_space<hbm>>) target(%arg5 : memref<8192xf32, #tpu.memory_space<vmem>>) target_semaphore(%run_scoped3A : memref<!tpu.dma_semaphore, #tpu.memory_space<semaphore_mem>>)
      %dma_wait3A = tpu.memref_slice %arg3[%add3A_35] : memref<262144xf32, #tpu.memory_space<hbm>> -> memref<8192xf32, #tpu.memory_space<hbm>>
      %dma_wait3A_231 = tpu.memref_slice %arg3[%add3A_35] : memref<262144xf32, #tpu.memory_space<hbm>> -> memref<8192xf32, #tpu.memory_space<hbm>>
      tpu.wait_dma2 semaphore(%run_scoped3A : memref<!tpu.dma_semaphore, #tpu.memory_space<semaphore_mem>>) src(%dma_wait3A_231 : memref<8192xf32, #tpu.memory_space<hbm>>) dst(%arg5 : memref<8192xf32, #tpu.memory_space<vmem>>)
      tpu.yield
    }) : () -> ()
    "tpu.region"() ({
      %run_scoped3A = tpu.sem_alloc : memref<!tpu.dma_semaphore, #tpu.memory_space<semaphore_mem>>
      %dma_start3A = tpu.memref_slice %arg2[%add3A_35] : memref<262144xf32, #tpu.memory_space<hbm>> -> memref<8192xf32, #tpu.memory_space<hbm>>
      %dma_start3A_230 = tpu.memref_slice %arg2[%add3A_35] : memref<262144xf32, #tpu.memory_space<hbm>> -> memref<8192xf32, #tpu.memory_space<hbm>>
      tpu.enqueue_dma source(%dma_start3A_230 : memref<8192xf32, #tpu.memory_space<hbm>>) target(%arg6 : memref<8192xf32, #tpu.memory_space<vmem>>) target_semaphore(%run_scoped3A : memref<!tpu.dma_semaphore, #tpu.memory_space<semaphore_mem>>)
      %dma_wait3A = tpu.memref_slice %arg2[%add3A_35] : memref<262144xf32, #tpu.memory_space<hbm>> -> memref<8192xf32, #tpu.memory_space<hbm>>
      %dma_wait3A_231 = tpu.memref_slice %arg2[%add3A_35] : memref<262144xf32, #tpu.memory_space<hbm>> -> memref<8192xf32, #tpu.memory_space<hbm>>
      tpu.wait_dma2 semaphore(%run_scoped3A : memref<!tpu.dma_semaphore, #tpu.memory_space<semaphore_mem>>) src(%dma_wait3A_231 : memref<8192xf32, #tpu.memory_space<hbm>>) dst(%arg6 : memref<8192xf32, #tpu.memory_space<vmem>>)
      tpu.yield
    }) : () -> ()
    %broadcast_in_dim3A = arith.constant 0 : i32
    %broadcast_in_dim3A_46 = vector.broadcast %broadcast_in_dim3A : i32 to vector<16xi32>
    %broadcast_in_dim3A_47 = arith.constant true
    %broadcast_in_dim3A_48 = vector.broadcast %broadcast_in_dim3A_47 : i1 to vector<16xi1>
    %unique3A, %unique3A_49 = tpu.scan_count mask(%broadcast_in_dim3A_48 : vector<16xi1>) value(%broadcast_in_dim3A_46 : vector<16xi32>) : vector<16xi1>, vector<16xi32>
    %reduce_min3A = arith.constant true
    %reduce_min3A_50 = vector.broadcast %reduce_min3A : i1 to vector<16xi1>
    %reduce_min3A_51 = arith.constant -2147483648 : i32
    %reduce_min3A_52 = vector.broadcast %reduce_min3A_51 : i32 to vector<16xi32>
    %reduce_min3A_53 = arith.xori %unique3A_49, %reduce_min3A_52 : vector<16xi32>
    %reduce_min3A_54 = tpu.scan <min>, %reduce_min3A_53 masked %reduce_min3A_50 : vector<16xi32>, vector<16xi1> -> vector<16xi32>
    %reduce_min3A_55 = arith.xori %reduce_min3A_54, %reduce_min3A_52 : vector<16xi32>
    %reduce_min3A_56 = vector.extract %reduce_min3A_55[15] : i32 from vector<16xi32>
    %parallel_loop3A = arith.constant 0 : i32
    %parallel_loop3A_57 = arith.constant 128 : i32
    %parallel_loop3A_58 = arith.constant 1 : i32
    scf.for %parallel_loop3A_230 = %parallel_loop3A to %parallel_loop3A_57 step %parallel_loop3A_58  : i32 {
      %parallel_loop3A_231 = arith.constant 0 : i32
      %parallel_loop3A_232 = vector.broadcast %parallel_loop3A_231 : i32 to vector<16xi32>
      %parallel_loop3A_233 = arith.constant 16 : i32
      %parallel_loop3A_234 = arith.muli %parallel_loop3A_230, %parallel_loop3A_233 : i32
      %parallel_loop3A_235 = arith.index_cast %parallel_loop3A_234 : i32 to index
      %parallel_loop3A_236 = tpu.vector_load %arg13[%parallel_loop3A_235] {strides = array<i32>} : memref<2048xi32, #tpu.memory_space<vmem>>, vector<16xi32>,
      tpu.vector_store %arg13[%parallel_loop3A_235], %parallel_loop3A_232 {strides = array<i32>} : memref<2048xi32, #tpu.memory_space<vmem>>, vector<16xi32>,
    } {sc.loop_unroll_factor = 1 : i64, sc.parallel_access}
    %broadcast_in_dim3A_59 = arith.constant 0xFF800000 : f32
    %broadcast_in_dim3A_60 = vector.broadcast %broadcast_in_dim3A_59 : f32 to vector<16xf32>
    %parallel_loop3A_61 = arith.constant 0 : i32
    %parallel_loop3A_62 = arith.constant 512 : i32
    %parallel_loop3A_63 = arith.constant 1 : i32
    %parallel_loop3A_64 = scf.for %parallel_loop3A_230 = %parallel_loop3A_61 to %parallel_loop3A_62 step %parallel_loop3A_63 iter_args(%parallel_loop3A_231 = %broadcast_in_dim3A_60) -> (vector<16xf32>)  : i32 {
      %parallel_loop3A_232 = arith.constant 16 : i32
      %parallel_loop3A_233 = arith.muli %parallel_loop3A_230, %parallel_loop3A_232 : i32
      %parallel_loop3A_234 = arith.index_cast %parallel_loop3A_233 : i32 to index
      %parallel_loop3A_235 = tpu.vector_load %arg5[%parallel_loop3A_234] {strides = array<i32>} : memref<8192xf32, #tpu.memory_space<vmem>>, vector<16xf32>,
      %parallel_loop3A_236 = vector.bitcast %parallel_loop3A_235 : vector<16xf32> to vector<16xi32>
      %parallel_loop3A_237 = arith.constant 31 : i32
      %parallel_loop3A_238 = vector.broadcast %parallel_loop3A_237 : i32 to vector<16xi32>
      %parallel_loop3A_239 = arith.shrui %parallel_loop3A_236, %parallel_loop3A_238 : vector<16xi32>
      %parallel_loop3A_240 = arith.constant 0 : i32
      %parallel_loop3A_241 = vector.broadcast %parallel_loop3A_240 : i32 to vector<16xi32>
      %parallel_loop3A_242 = arith.cmpi ne, %parallel_loop3A_239, %parallel_loop3A_241 : vector<16xi32>
      %parallel_loop3A_243 = arith.constant 2147483647 : i32
      %parallel_loop3A_244 = vector.broadcast %parallel_loop3A_243 : i32 to vector<16xi32>
      %parallel_loop3A_245 = arith.xori %parallel_loop3A_236, %parallel_loop3A_244 : vector<16xi32>
      %parallel_loop3A_246 = arith.select %parallel_loop3A_242, %parallel_loop3A_236, %parallel_loop3A_245 : vector<16xi1>, vector<16xi32>
      %parallel_loop3A_247 = vector.bitcast %parallel_loop3A_246 : vector<16xi32> to vector<16xi32>
      %parallel_loop3A_248 = arith.constant 16 : i32
      %parallel_loop3A_249 = arith.muli %parallel_loop3A_230, %parallel_loop3A_248 : i32
      %parallel_loop3A_250 = arith.index_cast %parallel_loop3A_249 : i32 to index
      %parallel_loop3A_251 = tpu.vector_load %arg7[%parallel_loop3A_250] {strides = array<i32>} : memref<8192xi32, #tpu.memory_space<vmem>>, vector<16xi32>,
      tpu.vector_store %arg7[%parallel_loop3A_250], %parallel_loop3A_247 {strides = array<i32>} : memref<8192xi32, #tpu.memory_space<vmem>>, vector<16xi32>,
      %parallel_loop3A_252 = arith.constant 2047 : i32
      %parallel_loop3A_253 = vector.broadcast %parallel_loop3A_252 : i32 to vector<16xi32>
      %parallel_loop3A_254 = arith.andi %parallel_loop3A_246, %parallel_loop3A_253 : vector<16xi32>
      %parallel_loop3A_255 = arith.constant true
      %parallel_loop3A_256 = vector.broadcast %parallel_loop3A_255 : i1 to vector<16xi1>
      %parallel_loop3A_257, %parallel_loop3A_258 = tpu.scan_count mask(%parallel_loop3A_256 : vector<16xi1>) value(%parallel_loop3A_254 : vector<16xi32>) : vector<16xi1>, vector<16xi32>
      %parallel_loop3A_259 = vector.broadcast %reduce_min3A_56 : i32 to vector<16xi32>
      %parallel_loop3A_260 = arith.subi %parallel_loop3A_258, %parallel_loop3A_259 : vector<16xi32>
      %parallel_loop3A_261 = arith.constant 11 : i32
      %parallel_loop3A_262 = vector.broadcast %parallel_loop3A_261 : i32 to vector<16xi32>
      %parallel_loop3A_263 = arith.shli %parallel_loop3A_260, %parallel_loop3A_262 : vector<16xi32>
      %parallel_loop3A_264 = arith.addi %parallel_loop3A_254, %parallel_loop3A_263 : vector<16xi32>
      %parallel_loop3A_265 = arith.constant 32768 : i32
      %parallel_loop3A_266 = arith.constant 0 : i32
      %parallel_loop3A_267 = vector.broadcast %parallel_loop3A_265 : i32 to vector<16xi32>
      %parallel_loop3A_268 = vector.broadcast %parallel_loop3A_266 : i32 to vector<16xi32>
      %parallel_loop3A_269 = arith.select %parallel_loop3A_257, %parallel_loop3A_267, %parallel_loop3A_268 : vector<16xi1>, vector<16xi32>
      %parallel_loop3A_270 = arith.addi %parallel_loop3A_264, %parallel_loop3A_269 : vector<16xi32>
      %parallel_loop3A_271 = arith.constant 16 : i32
      %parallel_loop3A_272 = arith.muli %parallel_loop3A_230, %parallel_loop3A_271 : i32
      %parallel_loop3A_273 = arith.index_cast %parallel_loop3A_272 : i32 to index
      %parallel_loop3A_274 = tpu.vector_load %arg11[%parallel_loop3A_273] {strides = array<i32>} : memref<8192xi32, #tpu.memory_space<vmem>>, vector<16xi32>,
      tpu.vector_store %arg11[%parallel_loop3A_273], %parallel_loop3A_270 {strides = array<i32>} : memref<8192xi32, #tpu.memory_space<vmem>>, vector<16xi32>,
      %parallel_loop3A_275 = arith.constant 1 : i32
      %parallel_loop3A_276 = vector.broadcast %parallel_loop3A_275 : i32 to vector<16xi32>
      %parallel_loop3A_277 = arith.addi %parallel_loop3A_260, %parallel_loop3A_276 : vector<16xi32>
      tpu.vector_store_idx %arg13[%parallel_loop3A_254], %parallel_loop3A_277 masked %parallel_loop3A_257 {add = true} : memref<2048xi32, #tpu.memory_space<vmem>>[vector<16xi32>], vector<16xi32>, vector<16xi1>
      %parallel_loop3A_278 = arith.constant 16 : i32
      %parallel_loop3A_279 = arith.muli %parallel_loop3A_230, %parallel_loop3A_278 : i32
      %parallel_loop3A_280 = arith.index_cast %parallel_loop3A_279 : i32 to index
      %parallel_loop3A_281 = tpu.vector_load %arg6[%parallel_loop3A_280] {strides = array<i32>} : memref<8192xf32, #tpu.memory_space<vmem>>, vector<16xf32>,
      %parallel_loop3A_282 = arith.maximumf %parallel_loop3A_231, %parallel_loop3A_281 : vector<16xf32>
      scf.yield %parallel_loop3A_282 : vector<16xf32>
    } {sc.loop_unroll_factor = 1 : i64, sc.parallel_access}
    %mul3A_65 = arith.constant 2048 : i32
    %mul3A_66 = arith.muli %add3A_40, %mul3A_65 : i32
    "tpu.region"() ({
      %run_scoped3A = tpu.sem_alloc : memref<!tpu.dma_semaphore, #tpu.memory_space<semaphore_mem>>
      %dma_start3A = tpu.memref_slice %arg21[%mul3A_66] : memref<32768xi32, #tpu.memory_space<vmem_shared>> -> memref<2048xi32, #tpu.memory_space<vmem_shared>>
      %dma_start3A_230 = tpu.memref_slice %arg21[%mul3A_66] : memref<32768xi32, #tpu.memory_space<vmem_shared>> -> memref<2048xi32, #tpu.memory_space<vmem_shared>>
      tpu.enqueue_dma source(%arg13 : memref<2048xi32, #tpu.memory_space<vmem>>) target(%dma_start3A_230 : memref<2048xi32, #tpu.memory_space<vmem_shared>>) target_semaphore(%run_scoped3A : memref<!tpu.dma_semaphore, #tpu.memory_space<semaphore_mem>>)
      %dma_wait3A = tpu.memref_slice %arg21[%mul3A_66] : memref<32768xi32, #tpu.memory_space<vmem_shared>> -> memref<2048xi32, #tpu.memory_space<vmem_shared>>
      %dma_wait3A_231 = tpu.memref_slice %arg21[%mul3A_66] : memref<32768xi32, #tpu.memory_space<vmem_shared>> -> memref<2048xi32, #tpu.memory_space<vmem_shared>>
      tpu.wait_dma2 semaphore(%run_scoped3A : memref<!tpu.dma_semaphore, #tpu.memory_space<semaphore_mem>>) src(%arg13 : memref<2048xi32, #tpu.memory_space<vmem>>) dst(%dma_wait3A_231 : memref<2048xi32, #tpu.memory_space<vmem_shared>>)
      tpu.yield
    }) : () -> ()
    %swap3A = arith.constant 0 : index
    %swap3A_67 = tpu.vector_load %arg17[%swap3A] {strides = array<i32>} : memref<16xf32, #tpu.memory_space<vmem>>, vector<16xf32>,
    tpu.vector_store %arg17[%swap3A], %parallel_loop3A_64 {strides = array<i32>} : memref<16xf32, #tpu.memory_space<vmem>>, vector<16xf32>,
    %mul3A_68 = arith.constant 16 : i32
    %mul3A_69 = arith.muli %add3A_40, %mul3A_68 : i32
    "tpu.region"() ({
      %run_scoped3A = tpu.sem_alloc : memref<!tpu.dma_semaphore, #tpu.memory_space<semaphore_mem>>
      %dma_start3A = tpu.memref_slice %arg22[%mul3A_69] : memref<256xf32, #tpu.memory_space<vmem_shared>> -> memref<16xf32, #tpu.memory_space<vmem_shared>>
      %dma_start3A_230 = tpu.memref_slice %arg22[%mul3A_69] : memref<256xf32, #tpu.memory_space<vmem_shared>> -> memref<16xf32, #tpu.memory_space<vmem_shared>>
      tpu.enqueue_dma source(%arg17 : memref<16xf32, #tpu.memory_space<vmem>>) target(%dma_start3A_230 : memref<16xf32, #tpu.memory_space<vmem_shared>>) target_semaphore(%run_scoped3A : memref<!tpu.dma_semaphore, #tpu.memory_space<semaphore_mem>>)
      %dma_wait3A = tpu.memref_slice %arg22[%mul3A_69] : memref<256xf32, #tpu.memory_space<vmem_shared>> -> memref<16xf32, #tpu.memory_space<vmem_shared>>
      %dma_wait3A_231 = tpu.memref_slice %arg22[%mul3A_69] : memref<256xf32, #tpu.memory_space<vmem_shared>> -> memref<16xf32, #tpu.memory_space<vmem_shared>>
      tpu.wait_dma2 semaphore(%run_scoped3A : memref<!tpu.dma_semaphore, #tpu.memory_space<semaphore_mem>>) src(%arg17 : memref<16xf32, #tpu.memory_space<vmem>>) dst(%dma_wait3A_231 : memref<16xf32, #tpu.memory_space<vmem_shared>>)
      tpu.yield
    }) : () -> ()
    %barrier3A = arith.constant 0 : index
    tpu.barrier barrier_id(%barrier3A)
    %mul3A_70 = arith.constant 16 : i32
    %mul3A_71 = arith.muli %add3A_45, %mul3A_70 : i32
    "tpu.region"() ({
      %run_scoped3A = tpu.sem_alloc : memref<!tpu.dma_semaphore, #tpu.memory_space<semaphore_mem>>
      %dma_start3A = tpu.memref_slice %arg22[%mul3A_71] : memref<256xf32, #tpu.memory_space<vmem_shared>> -> memref<16xf32, #tpu.memory_space<vmem_shared>>
      %dma_start3A_230 = tpu.memref_slice %arg22[%mul3A_71] : memref<256xf32, #tpu.memory_space<vmem_shared>> -> memref<16xf32, #tpu.memory_space<vmem_shared>>
      tpu.enqueue_dma source(%dma_start3A_230 : memref<16xf32, #tpu.memory_space<vmem_shared>>) target(%arg17 : memref<16xf32, #tpu.memory_space<vmem>>) target_semaphore(%run_scoped3A : memref<!tpu.dma_semaphore, #tpu.memory_space<semaphore_mem>>)
      %dma_wait3A = tpu.memref_slice %arg22[%mul3A_71] : memref<256xf32, #tpu.memory_space<vmem_shared>> -> memref<16xf32, #tpu.memory_space<vmem_shared>>
      %dma_wait3A_231 = tpu.memref_slice %arg22[%mul3A_71] : memref<256xf32, #tpu.memory_space<vmem_shared>> -> memref<16xf32, #tpu.memory_space<vmem_shared>>
      tpu.wait_dma2 semaphore(%run_scoped3A : memref<!tpu.dma_semaphore, #tpu.memory_space<semaphore_mem>>) src(%dma_wait3A_231 : memref<16xf32, #tpu.memory_space<vmem_shared>>) dst(%arg17 : memref<16xf32, #tpu.memory_space<vmem>>)
      tpu.yield
    }) : () -> ()
    %reduce_max3A = arith.constant true
    %reduce_max3A_72 = vector.broadcast %reduce_max3A : i1 to vector<16xi1>
    %reduce_max3A_73 = tpu.scan <max>, %parallel_loop3A_64 masked %reduce_max3A_72 : vector<16xf32>, vector<16xi1> -> vector<16xf32>
    %reduce_max3A_74 = vector.extract %reduce_max3A_73[15] : f32 from vector<16xf32>
    %get3A = arith.constant 0 : index
    %get3A_75 = tpu.vector_load %arg17[%get3A] {strides = array<i32>} : memref<16xf32, #tpu.memory_space<vmem>>, vector<16xf32>,
    %reduce_max3A_76 = arith.constant true
    %reduce_max3A_77 = vector.broadcast %reduce_max3A_76 : i1 to vector<16xi1>
    %reduce_max3A_78 = tpu.scan <max>, %get3A_75 masked %reduce_max3A_77 : vector<16xf32>, vector<16xi1> -> vector<16xf32>
    %reduce_max3A_79 = vector.extract %reduce_max3A_78[15] : f32 from vector<16xf32>
    %max3A = arith.maximumf %reduce_max3A_74, %reduce_max3A_79 : f32
    %mul3A_80 = arith.constant 2048 : i32
    %mul3A_81 = arith.muli %add3A_45, %mul3A_80 : i32
    "tpu.region"() ({
      %run_scoped3A = tpu.sem_alloc : memref<!tpu.dma_semaphore, #tpu.memory_space<semaphore_mem>>
      %dma_start3A = tpu.memref_slice %arg21[%mul3A_81] : memref<32768xi32, #tpu.memory_space<vmem_shared>> -> memref<2048xi32, #tpu.memory_space<vmem_shared>>
      %dma_start3A_230 = tpu.memref_slice %arg21[%mul3A_81] : memref<32768xi32, #tpu.memory_space<vmem_shared>> -> memref<2048xi32, #tpu.memory_space<vmem_shared>>
      tpu.enqueue_dma source(%dma_start3A_230 : memref<2048xi32, #tpu.memory_space<vmem_shared>>) target(%arg14 : memref<2048xi32, #tpu.memory_space<vmem>>) target_semaphore(%run_scoped3A : memref<!tpu.dma_semaphore, #tpu.memory_space<semaphore_mem>>)
      %dma_wait3A = tpu.memref_slice %arg21[%mul3A_81] : memref<32768xi32, #tpu.memory_space<vmem_shared>> -> memref<2048xi32, #tpu.memory_space<vmem_shared>>
      %dma_wait3A_231 = tpu.memref_slice %arg21[%mul3A_81] : memref<32768xi32, #tpu.memory_space<vmem_shared>> -> memref<2048xi32, #tpu.memory_space<vmem_shared>>
      tpu.wait_dma2 semaphore(%run_scoped3A : memref<!tpu.dma_semaphore, #tpu.memory_space<semaphore_mem>>) src(%dma_wait3A_231 : memref<2048xi32, #tpu.memory_space<vmem_shared>>) dst(%arg14 : memref<2048xi32, #tpu.memory_space<vmem>>)
      tpu.yield
    }) : () -> ()
    %scan3A = arith.constant 0 : i32
    %scan3A_82 = arith.constant 128 : i32
    %scan3A_83 = arith.addi %scan3A, %scan3A_82 : i32
    %scan3A_84 = arith.constant 4 : i32
    %scan3A_85 = scf.for %scan3A_230 = %scan3A to %scan3A_83 step %scan3A_84 iter_args(%scan3A_231 = %mul3A_37) -> (i32)  : i32 {
      %mul3A_232 = arith.constant 16 : i32
      %mul3A_233 = arith.muli %scan3A_230, %mul3A_232 : i32
      %get3A_234 = arith.index_cast %mul3A_233 : i32 to index
      %get3A_235 = tpu.vector_load %arg13[%get3A_234] {strides = array<i32>} : memref<2048xi32, #tpu.memory_space<vmem>>, vector<16xi32>,
      %mul3A_236 = arith.constant 16 : i32
      %mul3A_237 = arith.muli %scan3A_230, %mul3A_236 : i32
      %get3A_238 = arith.index_cast %mul3A_237 : i32 to index
      %get3A_239 = tpu.vector_load %arg14[%get3A_238] {strides = array<i32>} : memref<2048xi32, #tpu.memory_space<vmem>>, vector<16xi32>,
      %add3A_240 = arith.addi %get3A_235, %get3A_239 : vector<16xi32>
      %broadcast_in_dim3A_241 = arith.constant true
      %broadcast_in_dim3A_242 = vector.broadcast %broadcast_in_dim3A_241 : i1 to vector<16xi1>
      %masked_cumsum3A = tpu.scan <sum>, %add3A_240 masked %broadcast_in_dim3A_242 : vector<16xi32>, vector<16xi1> -> vector<16xi32>
      %sub3A_243 = arith.subi %masked_cumsum3A, %add3A_240 : vector<16xi32>
      %add3A_244 = vector.broadcast %scan3A_231 : i32 to vector<16xi32>
      %add3A_245 = arith.addi %sub3A_243, %add3A_244 : vector<16xi32>
      %mul3A_246 = vector.broadcast %select_n3A_28 : i32 to vector<16xi32>
      %mul3A_247 = arith.muli %get3A_239, %mul3A_246 : vector<16xi32>
      %add3A_248 = arith.addi %add3A_245, %mul3A_247 : vector<16xi32>
      %mul3A_249 = arith.constant 16 : i32
      %mul3A_250 = arith.muli %scan3A_230, %mul3A_249 : i32
      %swap3A_251 = arith.index_cast %mul3A_250 : i32 to index
      %swap3A_252 = tpu.vector_load %arg13[%swap3A_251] {strides = array<i32>} : memref<2048xi32, #tpu.memory_space<vmem>>, vector<16xi32>,
      tpu.vector_store %arg13[%swap3A_251], %add3A_248 {strides = array<i32>} : memref<2048xi32, #tpu.memory_space<vmem>>, vector<16xi32>,
      %reduce_sum3A = arith.constant true
      %reduce_sum3A_253 = vector.broadcast %reduce_sum3A : i1 to vector<16xi1>
      %reduce_sum3A_254 = tpu.scan <sum>, %add3A_240 masked %reduce_sum3A_253 : vector<16xi32>, vector<16xi1> -> vector<16xi32>
      %reduce_sum3A_255 = vector.extract %reduce_sum3A_254[15] : i32 from vector<16xi32>
      %add3A_256 = arith.addi %scan3A_231, %reduce_sum3A_255 : i32
      %scan3A_257 = arith.constant 1 : i32
      %scan3A_258 = arith.addi %scan3A_230, %scan3A_257 : i32
      %mul3A_259 = arith.constant 16 : i32
      %mul3A_260 = arith.muli %scan3A_258, %mul3A_259 : i32
      %get3A_261 = arith.index_cast %mul3A_260 : i32 to index
      %get3A_262 = tpu.vector_load %arg13[%get3A_261] {strides = array<i32>} : memref<2048xi32, #tpu.memory_space<vmem>>, vector<16xi32>,
      %mul3A_263 = arith.constant 16 : i32
      %mul3A_264 = arith.muli %scan3A_258, %mul3A_263 : i32
      %get3A_265 = arith.index_cast %mul3A_264 : i32 to index
      %get3A_266 = tpu.vector_load %arg14[%get3A_265] {strides = array<i32>} : memref<2048xi32, #tpu.memory_space<vmem>>, vector<16xi32>,
      %add3A_267 = arith.addi %get3A_262, %get3A_266 : vector<16xi32>
      %broadcast_in_dim3A_268 = arith.constant true
      %broadcast_in_dim3A_269 = vector.broadcast %broadcast_in_dim3A_268 : i1 to vector<16xi1>
      %masked_cumsum3A_270 = tpu.scan <sum>, %add3A_267 masked %broadcast_in_dim3A_269 : vector<16xi32>, vector<16xi1> -> vector<16xi32>
      %sub3A_271 = arith.subi %masked_cumsum3A_270, %add3A_267 : vector<16xi32>
      %add3A_272 = vector.broadcast %add3A_256 : i32 to vector<16xi32>
      %add3A_273 = arith.addi %sub3A_271, %add3A_272 : vector<16xi32>
      %mul3A_274 = vector.broadcast %select_n3A_28 : i32 to vector<16xi32>
      %mul3A_275 = arith.muli %get3A_266, %mul3A_274 : vector<16xi32>
      %add3A_276 = arith.addi %add3A_273, %mul3A_275 : vector<16xi32>
      %mul3A_277 = arith.constant 16 : i32
      %mul3A_278 = arith.muli %scan3A_258, %mul3A_277 : i32
      %swap3A_279 = arith.index_cast %mul3A_278 : i32 to index
      %swap3A_280 = tpu.vector_load %arg13[%swap3A_279] {strides = array<i32>} : memref<2048xi32, #tpu.memory_space<vmem>>, vector<16xi32>,
      tpu.vector_store %arg13[%swap3A_279], %add3A_276 {strides = array<i32>} : memref<2048xi32, #tpu.memory_space<vmem>>, vector<16xi32>,
      %reduce_sum3A_281 = arith.constant true
      %reduce_sum3A_282 = vector.broadcast %reduce_sum3A_281 : i1 to vector<16xi1>
      %reduce_sum3A_283 = tpu.scan <sum>, %add3A_267 masked %reduce_sum3A_282 : vector<16xi32>, vector<16xi1> -> vector<16xi32>
      %reduce_sum3A_284 = vector.extract %reduce_sum3A_283[15] : i32 from vector<16xi32>
      %add3A_285 = arith.addi %add3A_256, %reduce_sum3A_284 : i32
      %scan3A_286 = arith.constant 2 : i32
      %scan3A_287 = arith.addi %scan3A_230, %scan3A_286 : i32
      %mul3A_288 = arith.constant 16 : i32
      %mul3A_289 = arith.muli %scan3A_287, %mul3A_288 : i32
      %get3A_290 = arith.index_cast %mul3A_289 : i32 to index
      %get3A_291 = tpu.vector_load %arg13[%get3A_290] {strides = array<i32>} : memref<2048xi32, #tpu.memory_space<vmem>>, vector<16xi32>,
      %mul3A_292 = arith.constant 16 : i32
      %mul3A_293 = arith.muli %scan3A_287, %mul3A_292 : i32
      %get3A_294 = arith.index_cast %mul3A_293 : i32 to index
      %get3A_295 = tpu.vector_load %arg14[%get3A_294] {strides = array<i32>} : memref<2048xi32, #tpu.memory_space<vmem>>, vector<16xi32>,
      %add3A_296 = arith.addi %get3A_291, %get3A_295 : vector<16xi32>
      %broadcast_in_dim3A_297 = arith.constant true
      %broadcast_in_dim3A_298 = vector.broadcast %broadcast_in_dim3A_297 : i1 to vector<16xi1>
      %masked_cumsum3A_299 = tpu.scan <sum>, %add3A_296 masked %broadcast_in_dim3A_298 : vector<16xi32>, vector<16xi1> -> vector<16xi32>
      %sub3A_300 = arith.subi %masked_cumsum3A_299, %add3A_296 : vector<16xi32>
      %add3A_301 = vector.broadcast %add3A_285 : i32 to vector<16xi32>
      %add3A_302 = arith.addi %sub3A_300, %add3A_301 : vector<16xi32>
      %mul3A_303 = vector.broadcast %select_n3A_28 : i32 to vector<16xi32>
      %mul3A_304 = arith.muli %get3A_295, %mul3A_303 : vector<16xi32>
      %add3A_305 = arith.addi %add3A_302, %mul3A_304 : vector<16xi32>
      %mul3A_306 = arith.constant 16 : i32
      %mul3A_307 = arith.muli %scan3A_287, %mul3A_306 : i32
      %swap3A_308 = arith.index_cast %mul3A_307 : i32 to index
      %swap3A_309 = tpu.vector_load %arg13[%swap3A_308] {strides = array<i32>} : memref<2048xi32, #tpu.memory_space<vmem>>, vector<16xi32>,
      tpu.vector_store %arg13[%swap3A_308], %add3A_305 {strides = array<i32>} : memref<2048xi32, #tpu.memory_space<vmem>>, vector<16xi32>,
      %reduce_sum3A_310 = arith.constant true
      %reduce_sum3A_311 = vector.broadcast %reduce_sum3A_310 : i1 to vector<16xi1>
      %reduce_sum3A_312 = tpu.scan <sum>, %add3A_296 masked %reduce_sum3A_311 : vector<16xi32>, vector<16xi1> -> vector<16xi32>
      %reduce_sum3A_313 = vector.extract %reduce_sum3A_312[15] : i32 from vector<16xi32>
      %add3A_314 = arith.addi %add3A_285, %reduce_sum3A_313 : i32
      %scan3A_315 = arith.constant 3 : i32
      %scan3A_316 = arith.addi %scan3A_230, %scan3A_315 : i32
      %mul3A_317 = arith.constant 16 : i32
      %mul3A_318 = arith.muli %scan3A_316, %mul3A_317 : i32
      %get3A_319 = arith.index_cast %mul3A_318 : i32 to index
      %get3A_320 = tpu.vector_load %arg13[%get3A_319] {strides = array<i32>} : memref<2048xi32, #tpu.memory_space<vmem>>, vector<16xi32>,
      %mul3A_321 = arith.constant 16 : i32
      %mul3A_322 = arith.muli %scan3A_316, %mul3A_321 : i32
      %get3A_323 = arith.index_cast %mul3A_322 : i32 to index
      %get3A_324 = tpu.vector_load %arg14[%get3A_323] {strides = array<i32>} : memref<2048xi32, #tpu.memory_space<vmem>>, vector<16xi32>,
      %add3A_325 = arith.addi %get3A_320, %get3A_324 : vector<16xi32>
      %broadcast_in_dim3A_326 = arith.constant true
      %broadcast_in_dim3A_327 = vector.broadcast %broadcast_in_dim3A_326 : i1 to vector<16xi1>
      %masked_cumsum3A_328 = tpu.scan <sum>, %add3A_325 masked %broadcast_in_dim3A_327 : vector<16xi32>, vector<16xi1> -> vector<16xi32>
      %sub3A_329 = arith.subi %masked_cumsum3A_328, %add3A_325 : vector<16xi32>
      %add3A_330 = vector.broadcast %add3A_314 : i32 to vector<16xi32>
      %add3A_331 = arith.addi %sub3A_329, %add3A_330 : vector<16xi32>
      %mul3A_332 = vector.broadcast %select_n3A_28 : i32 to vector<16xi32>
      %mul3A_333 = arith.muli %get3A_324, %mul3A_332 : vector<16xi32>
      %add3A_334 = arith.addi %add3A_331, %mul3A_333 : vector<16xi32>
      %mul3A_335 = arith.constant 16 : i32
      %mul3A_336 = arith.muli %scan3A_316, %mul3A_335 : i32
      %swap3A_337 = arith.index_cast %mul3A_336 : i32 to index
      %swap3A_338 = tpu.vector_load %arg13[%swap3A_337] {strides = array<i32>} : memref<2048xi32, #tpu.memory_space<vmem>>, vector<16xi32>,
      tpu.vector_store %arg13[%swap3A_337], %add3A_334 {strides = array<i32>} : memref<2048xi32, #tpu.memory_space<vmem>>, vector<16xi32>,
      %reduce_sum3A_339 = arith.constant true
      %reduce_sum3A_340 = vector.broadcast %reduce_sum3A_339 : i1 to vector<16xi1>
      %reduce_sum3A_341 = tpu.scan <sum>, %add3A_325 masked %reduce_sum3A_340 : vector<16xi32>, vector<16xi1> -> vector<16xi32>
      %reduce_sum3A_342 = vector.extract %reduce_sum3A_341[15] : i32 from vector<16xi32>
      %add3A_343 = arith.addi %add3A_314, %reduce_sum3A_342 : i32
      scf.yield %add3A_343 : i32
    }
    %scan3A_86 = arith.constant 128 : i32
    %scan3A_87 = arith.constant 0 : i32
    %scan3A_88 = arith.constant 0 : i32
    %scan3A_89 = arith.constant 512 : i32
    %scan3A_90 = arith.addi %scan3A_88, %scan3A_89 : i32
    %scan3A_91 = arith.constant 4 : i32
    %scan3A_92 = scf.for %scan3A_230 = %scan3A_88 to %scan3A_90 step %scan3A_91 iter_args(%scan3A_231 = %scan3A_87) -> (i32)  : i32 {
      %mul3A_232 = arith.constant 16 : i32
      %mul3A_233 = arith.muli %scan3A_230, %mul3A_232 : i32
      %get3A_234 = arith.index_cast %mul3A_233 : i32 to index
      %get3A_235 = tpu.vector_load %arg11[%get3A_234] {strides = array<i32>} : memref<8192xi32, #tpu.memory_space<vmem>>, vector<16xi32>,
      %and3A_236 = arith.constant 2047 : i32
      %and3A_237 = vector.broadcast %and3A_236 : i32 to vector<16xi32>
      %and3A_238 = arith.andi %get3A_235, %and3A_237 : vector<16xi32>
      %shift_right_arithmetic3A = arith.constant 11 : i32
      %shift_right_arithmetic3A_239 = vector.broadcast %shift_right_arithmetic3A : i32 to vector<16xi32>
      %shift_right_arithmetic3A_240 = arith.shrsi %get3A_235, %shift_right_arithmetic3A_239 : vector<16xi32>
      %and3A_241 = arith.constant 15 : i32
      %and3A_242 = vector.broadcast %and3A_241 : i32 to vector<16xi32>
      %and3A_243 = arith.andi %shift_right_arithmetic3A_240, %and3A_242 : vector<16xi32>
      %gt3A = arith.constant 32767 : i32
      %gt3A_244 = vector.broadcast %gt3A : i32 to vector<16xi32>
      %gt3A_245 = arith.cmpi sgt, %get3A_235, %gt3A_244 : vector<16xi32>
      %gather3A = tpu.vector_load_idx %arg13[%and3A_238] : memref<2048xi32, #tpu.memory_space<vmem>>[vector<16xi32>], vector<16xi32>,
      %add3A_246 = arith.addi %gather3A, %and3A_243 : vector<16xi32>
      %shift_right_arithmetic3A_247 = arith.constant 3 : i32
      %shift_right_arithmetic3A_248 = arith.shrsi %scan3A_230, %shift_right_arithmetic3A_247 : i32
      %and3A_249 = arith.constant 7 : i32
      %and3A_250 = arith.andi %scan3A_230, %and3A_249 : i32
      %mul3A_251 = arith.constant 16 : i32
      %mul3A_252 = arith.muli %and3A_250, %mul3A_251 : i32
      %swap3A_253 = arith.index_cast %shift_right_arithmetic3A_248 : i32 to index
      %swap3A_254 = arith.index_cast %mul3A_252 : i32 to index
      %swap3A_255 = tpu.vector_load %arg12[%swap3A_253, %swap3A_254] {strides = array<i32>} : memref<64x128xi32, #tpu.memory_space<vmem>>, vector<16xi32>,
      tpu.vector_store %arg12[%swap3A_253, %swap3A_254], %add3A_246 {strides = array<i32>} : memref<64x128xi32, #tpu.memory_space<vmem>>, vector<16xi32>,
      %add3A_256 = arith.constant 1 : i32
      %add3A_257 = vector.broadcast %add3A_256 : i32 to vector<16xi32>
      %add3A_258 = arith.addi %and3A_243, %add3A_257 : vector<16xi32>
      tpu.vector_store_idx %arg13[%and3A_238], %add3A_258 masked %gt3A_245 {add = true} : memref<2048xi32, #tpu.memory_space<vmem>>[vector<16xi32>], vector<16xi32>, vector<16xi1>
      %scan3A_259 = arith.constant 0 : i32
      %scan3A_260 = arith.constant 1 : i32
      %scan3A_261 = arith.addi %scan3A_230, %scan3A_260 : i32
      %mul3A_262 = arith.constant 16 : i32
      %mul3A_263 = arith.muli %scan3A_261, %mul3A_262 : i32
      %get3A_264 = arith.index_cast %mul3A_263 : i32 to index
      %get3A_265 = tpu.vector_load %arg11[%get3A_264] {strides = array<i32>} : memref<8192xi32, #tpu.memory_space<vmem>>, vector<16xi32>,
      %and3A_266 = arith.constant 2047 : i32
      %and3A_267 = vector.broadcast %and3A_266 : i32 to vector<16xi32>
      %and3A_268 = arith.andi %get3A_265, %and3A_267 : vector<16xi32>
      %shift_right_arithmetic3A_269 = arith.constant 11 : i32
      %shift_right_arithmetic3A_270 = vector.broadcast %shift_right_arithmetic3A_269 : i32 to vector<16xi32>
      %shift_right_arithmetic3A_271 = arith.shrsi %get3A_265, %shift_right_arithmetic3A_270 : vector<16xi32>
      %and3A_272 = arith.constant 15 : i32
      %and3A_273 = vector.broadcast %and3A_272 : i32 to vector<16xi32>
      %and3A_274 = arith.andi %shift_right_arithmetic3A_271, %and3A_273 : vector<16xi32>
      %gt3A_275 = arith.constant 32767 : i32
      %gt3A_276 = vector.broadcast %gt3A_275 : i32 to vector<16xi32>
      %gt3A_277 = arith.cmpi sgt, %get3A_265, %gt3A_276 : vector<16xi32>
      %gather3A_278 = tpu.vector_load_idx %arg13[%and3A_268] : memref<2048xi32, #tpu.memory_space<vmem>>[vector<16xi32>], vector<16xi32>,
      %add3A_279 = arith.addi %gather3A_278, %and3A_274 : vector<16xi32>
      %shift_right_arithmetic3A_280 = arith.constant 3 : i32
      %shift_right_arithmetic3A_281 = arith.shrsi %scan3A_261, %shift_right_arithmetic3A_280 : i32
      %and3A_282 = arith.constant 7 : i32
      %and3A_283 = arith.andi %scan3A_261, %and3A_282 : i32
      %mul3A_284 = arith.constant 16 : i32
      %mul3A_285 = arith.muli %and3A_283, %mul3A_284 : i32
      %swap3A_286 = arith.index_cast %shift_right_arithmetic3A_281 : i32 to index
      %swap3A_287 = arith.index_cast %mul3A_285 : i32 to index
      %swap3A_288 = tpu.vector_load %arg12[%swap3A_286, %swap3A_287] {strides = array<i32>} : memref<64x128xi32, #tpu.memory_space<vmem>>, vector<16xi32>,
      tpu.vector_store %arg12[%swap3A_286, %swap3A_287], %add3A_279 {strides = array<i32>} : memref<64x128xi32, #tpu.memory_space<vmem>>, vector<16xi32>,
      %add3A_289 = arith.constant 1 : i32
      %add3A_290 = vector.broadcast %add3A_289 : i32 to vector<16xi32>
      %add3A_291 = arith.addi %and3A_274, %add3A_290 : vector<16xi32>
      tpu.vector_store_idx %arg13[%and3A_268], %add3A_291 masked %gt3A_277 {add = true} : memref<2048xi32, #tpu.memory_space<vmem>>[vector<16xi32>], vector<16xi32>, vector<16xi1>
      %scan3A_292 = arith.constant 0 : i32
      %scan3A_293 = arith.constant 2 : i32
      %scan3A_294 = arith.addi %scan3A_230, %scan3A_293 : i32
      %mul3A_295 = arith.constant 16 : i32
      %mul3A_296 = arith.muli %scan3A_294, %mul3A_295 : i32
      %get3A_297 = arith.index_cast %mul3A_296 : i32 to index
      %get3A_298 = tpu.vector_load %arg11[%get3A_297] {strides = array<i32>} : memref<8192xi32, #tpu.memory_space<vmem>>, vector<16xi32>,
      %and3A_299 = arith.constant 2047 : i32
      %and3A_300 = vector.broadcast %and3A_299 : i32 to vector<16xi32>
      %and3A_301 = arith.andi %get3A_298, %and3A_300 : vector<16xi32>
      %shift_right_arithmetic3A_302 = arith.constant 11 : i32
      %shift_right_arithmetic3A_303 = vector.broadcast %shift_right_arithmetic3A_302 : i32 to vector<16xi32>
      %shift_right_arithmetic3A_304 = arith.shrsi %get3A_298, %shift_right_arithmetic3A_303 : vector<16xi32>
      %and3A_305 = arith.constant 15 : i32
      %and3A_306 = vector.broadcast %and3A_305 : i32 to vector<16xi32>
      %and3A_307 = arith.andi %shift_right_arithmetic3A_304, %and3A_306 : vector<16xi32>
      %gt3A_308 = arith.constant 32767 : i32
      %gt3A_309 = vector.broadcast %gt3A_308 : i32 to vector<16xi32>
      %gt3A_310 = arith.cmpi sgt, %get3A_298, %gt3A_309 : vector<16xi32>
      %gather3A_311 = tpu.vector_load_idx %arg13[%and3A_301] : memref<2048xi32, #tpu.memory_space<vmem>>[vector<16xi32>], vector<16xi32>,
      %add3A_312 = arith.addi %gather3A_311, %and3A_307 : vector<16xi32>
      %shift_right_arithmetic3A_313 = arith.constant 3 : i32
      %shift_right_arithmetic3A_314 = arith.shrsi %scan3A_294, %shift_right_arithmetic3A_313 : i32
      %and3A_315 = arith.constant 7 : i32
      %and3A_316 = arith.andi %scan3A_294, %and3A_315 : i32
      %mul3A_317 = arith.constant 16 : i32
      %mul3A_318 = arith.muli %and3A_316, %mul3A_317 : i32
      %swap3A_319 = arith.index_cast %shift_right_arithmetic3A_314 : i32 to index
      %swap3A_320 = arith.index_cast %mul3A_318 : i32 to index
      %swap3A_321 = tpu.vector_load %arg12[%swap3A_319, %swap3A_320] {strides = array<i32>} : memref<64x128xi32, #tpu.memory_space<vmem>>, vector<16xi32>,
      tpu.vector_store %arg12[%swap3A_319, %swap3A_320], %add3A_312 {strides = array<i32>} : memref<64x128xi32, #tpu.memory_space<vmem>>, vector<16xi32>,
      %add3A_322 = arith.constant 1 : i32
      %add3A_323 = vector.broadcast %add3A_322 : i32 to vector<16xi32>
      %add3A_324 = arith.addi %and3A_307, %add3A_323 : vector<16xi32>
      tpu.vector_store_idx %arg13[%and3A_301], %add3A_324 masked %gt3A_310 {add = true} : memref<2048xi32, #tpu.memory_space<vmem>>[vector<16xi32>], vector<16xi32>, vector<16xi1>
      %scan3A_325 = arith.constant 0 : i32
      %scan3A_326 = arith.constant 3 : i32
      %scan3A_327 = arith.addi %scan3A_230, %scan3A_326 : i32
      %mul3A_328 = arith.constant 16 : i32
      %mul3A_329 = arith.muli %scan3A_327, %mul3A_328 : i32
      %get3A_330 = arith.index_cast %mul3A_329 : i32 to index
      %get3A_331 = tpu.vector_load %arg11[%get3A_330] {strides = array<i32>} : memref<8192xi32, #tpu.memory_space<vmem>>, vector<16xi32>,
      %and3A_332 = arith.constant 2047 : i32
      %and3A_333 = vector.broadcast %and3A_332 : i32 to vector<16xi32>
      %and3A_334 = arith.andi %get3A_331, %and3A_333 : vector<16xi32>
      %shift_right_arithmetic3A_335 = arith.constant 11 : i32
      %shift_right_arithmetic3A_336 = vector.broadcast %shift_right_arithmetic3A_335 : i32 to vector<16xi32>
      %shift_right_arithmetic3A_337 = arith.shrsi %get3A_331, %shift_right_arithmetic3A_336 : vector<16xi32>
      %and3A_338 = arith.constant 15 : i32
      %and3A_339 = vector.broadcast %and3A_338 : i32 to vector<16xi32>
      %and3A_340 = arith.andi %shift_right_arithmetic3A_337, %and3A_339 : vector<16xi32>
      %gt3A_341 = arith.constant 32767 : i32
      %gt3A_342 = vector.broadcast %gt3A_341 : i32 to vector<16xi32>
      %gt3A_343 = arith.cmpi sgt, %get3A_331, %gt3A_342 : vector<16xi32>
      %gather3A_344 = tpu.vector_load_idx %arg13[%and3A_334] : memref<2048xi32, #tpu.memory_space<vmem>>[vector<16xi32>], vector<16xi32>,
      %add3A_345 = arith.addi %gather3A_344, %and3A_340 : vector<16xi32>
      %shift_right_arithmetic3A_346 = arith.constant 3 : i32
      %shift_right_arithmetic3A_347 = arith.shrsi %scan3A_327, %shift_right_arithmetic3A_346 : i32
      %and3A_348 = arith.constant 7 : i32
      %and3A_349 = arith.andi %scan3A_327, %and3A_348 : i32
      %mul3A_350 = arith.constant 16 : i32
      %mul3A_351 = arith.muli %and3A_349, %mul3A_350 : i32
      %swap3A_352 = arith.index_cast %shift_right_arithmetic3A_347 : i32 to index
      %swap3A_353 = arith.index_cast %mul3A_351 : i32 to index
      %swap3A_354 = tpu.vector_load %arg12[%swap3A_352, %swap3A_353] {strides = array<i32>} : memref<64x128xi32, #tpu.memory_space<vmem>>, vector<16xi32>,
      tpu.vector_store %arg12[%swap3A_352, %swap3A_353], %add3A_345 {strides = array<i32>} : memref<64x128xi32, #tpu.memory_space<vmem>>, vector<16xi32>,
      %add3A_355 = arith.constant 1 : i32
      %add3A_356 = vector.broadcast %add3A_355 : i32 to vector<16xi32>
      %add3A_357 = arith.addi %and3A_340, %add3A_356 : vector<16xi32>
      tpu.vector_store_idx %arg13[%and3A_334], %add3A_357 masked %gt3A_343 {add = true} : memref<2048xi32, #tpu.memory_space<vmem>>[vector<16xi32>], vector<16xi32>, vector<16xi1>
      %scan3A_358 = arith.constant 0 : i32
      scf.yield %scan3A_358 : i32
    }
    %scan3A_93 = arith.constant 512 : i32
    %scan3A_94 = arith.constant 0 : i32
    %scan3A_95 = arith.constant 0 : i32
    %scan3A_96 = arith.constant 64 : i32
    %scan3A_97 = arith.addi %scan3A_95, %scan3A_96 : i32
    %scan3A_98 = arith.constant 1 : i32
    %scan3A_99 = scf.for %scan3A_230 = %scan3A_95 to %scan3A_97 step %scan3A_98 iter_args(%scan3A_231 = %scan3A_94) -> (i32)  : i32 {
      %mul3A_232 = arith.constant 128 : i32
      %mul3A_233 = arith.muli %scan3A_230, %mul3A_232 : i32
      %dma_start3A = tpu.memref_slice %arg7[%mul3A_233] : memref<8192xi32, #tpu.memory_space<vmem>> -> memref<128xi32, #tpu.memory_space<vmem>>
      %dma_start3A_234 = arith.constant 0 : i32
      %dma_start3A_235 = tpu.memref_slice %arg12[%scan3A_230, %dma_start3A_234] : memref<64x128xi32, #tpu.memory_space<vmem>> -> memref<1x128xi32, #tpu.memory_space<vmem>>
      %dma_start3A_236 = tpu.memref_squeeze %dma_start3A_235 : memref<1x128xi32, #tpu.memory_space<vmem>> -> memref<128xi32, #tpu.memory_space<vmem>>
      %dma_start3A_237 = arith.constant 0 : i32
      %dma_start3A_238 = tpu.memref_slice %arg19[%dma_start3A_237] : memref<131072xi32, #tpu.memory_space<vmem_shared>> -> memref<131072xi32, #tpu.memory_space<vmem_shared>>
      tpu.enqueue_indirect_dma source(%dma_start3A : memref<128xi32, #tpu.memory_space<vmem>>) target(%dma_start3A_238 : memref<131072xi32, #tpu.memory_space<vmem_shared>>) offsets(%dma_start3A_236 : memref<128xi32, #tpu.memory_space<vmem>>) semaphore(%arg18 : memref<!tpu.dma_semaphore, #tpu.memory_space<semaphore_mem>>)
      %mul3A_239 = arith.constant 128 : i32
      %mul3A_240 = arith.muli %scan3A_230, %mul3A_239 : i32
      %dma_start3A_241 = tpu.memref_slice %arg6[%mul3A_240] : memref<8192xf32, #tpu.memory_space<vmem>> -> memref<128xf32, #tpu.memory_space<vmem>>
      %dma_start3A_242 = arith.constant 0 : i32
      %dma_start3A_243 = tpu.memref_slice %arg12[%scan3A_230, %dma_start3A_242] : memref<64x128xi32, #tpu.memory_space<vmem>> -> memref<1x128xi32, #tpu.memory_space<vmem>>
      %dma_start3A_244 = tpu.memref_squeeze %dma_start3A_243 : memref<1x128xi32, #tpu.memory_space<vmem>> -> memref<128xi32, #tpu.memory_space<vmem>>
      %dma_start3A_245 = arith.constant 0 : i32
      %dma_start3A_246 = tpu.memref_slice %arg20[%dma_start3A_245] : memref<131072xf32, #tpu.memory_space<vmem_shared>> -> memref<131072xf32, #tpu.memory_space<vmem_shared>>
      tpu.enqueue_indirect_dma source(%dma_start3A_241 : memref<128xf32, #tpu.memory_space<vmem>>) target(%dma_start3A_246 : memref<131072xf32, #tpu.memory_space<vmem_shared>>) offsets(%dma_start3A_244 : memref<128xi32, #tpu.memory_space<vmem>>) semaphore(%arg18 : memref<!tpu.dma_semaphore, #tpu.memory_space<semaphore_mem>>)
      %scan3A_247 = arith.constant 0 : i32
      scf.yield %scan3A_247 : i32
    }
    %scan3A_100 = arith.constant 64 : i32
    %scan3A_101 = arith.constant 0 : i32
    %scan3A_102 = arith.constant 0 : i32
    %scan3A_103 = arith.constant 64 : i32
    %scan3A_104 = arith.addi %scan3A_102, %scan3A_103 : i32
    %scan3A_105 = arith.constant 1 : i32
    %scan3A_106 = scf.for %scan3A_230 = %scan3A_102 to %scan3A_104 step %scan3A_105 iter_args(%scan3A_231 = %scan3A_101) -> (i32)  : i32 {
      %mul3A_232 = arith.constant 128 : i32
      %mul3A_233 = arith.muli %scan3A_230, %mul3A_232 : i32
      %dma_wait3A = tpu.memref_slice %arg7[%mul3A_233] : memref<8192xi32, #tpu.memory_space<vmem>> -> memref<128xi32, #tpu.memory_space<vmem>>
      %dma_wait3A_234 = arith.constant 0 : i32
      %dma_wait3A_235 = tpu.memref_slice %arg12[%scan3A_230, %dma_wait3A_234] : memref<64x128xi32, #tpu.memory_space<vmem>> -> memref<1x128xi32, #tpu.memory_space<vmem>>
      %dma_wait3A_236 = tpu.memref_squeeze %dma_wait3A_235 : memref<1x128xi32, #tpu.memory_space<vmem>> -> memref<128xi32, #tpu.memory_space<vmem>>
      %dma_wait3A_237 = arith.constant 0 : i32
      %dma_wait3A_238 = tpu.memref_slice %arg19[%dma_wait3A_237] : memref<131072xi32, #tpu.memory_space<vmem_shared>> -> memref<131072xi32, #tpu.memory_space<vmem_shared>>
      tpu.wait_indirect_dma semaphore(%arg18 : memref<!tpu.dma_semaphore, #tpu.memory_space<semaphore_mem>>) src(%dma_wait3A : memref<128xi32, #tpu.memory_space<vmem>>) dst(%dma_wait3A_238 : memref<131072xi32, #tpu.memory_space<vmem_shared>>)
      %mul3A_239 = arith.constant 128 : i32
      %mul3A_240 = arith.muli %scan3A_230, %mul3A_239 : i32
      %dma_wait3A_241 = tpu.memref_slice %arg6[%mul3A_240] : memref<8192xf32, #tpu.memory_space<vmem>> -> memref<128xf32, #tpu.memory_space<vmem>>
      %dma_wait3A_242 = arith.constant 0 : i32
      %dma_wait3A_243 = tpu.memref_slice %arg12[%scan3A_230, %dma_wait3A_242] : memref<64x128xi32, #tpu.memory_space<vmem>> -> memref<1x128xi32, #tpu.memory_space<vmem>>
      %dma_wait3A_244 = tpu.memref_squeeze %dma_wait3A_243 : memref<1x128xi32, #tpu.memory_space<vmem>> -> memref<128xi32, #tpu.memory_space<vmem>>
      %dma_wait3A_245 = arith.constant 0 : i32
      %dma_wait3A_246 = tpu.memref_slice %arg20[%dma_wait3A_245] : memref<131072xf32, #tpu.memory_space<vmem_shared>> -> memref<131072xf32, #tpu.memory_space<vmem_shared>>
      tpu.wait_indirect_dma semaphore(%arg18 : memref<!tpu.dma_semaphore, #tpu.memory_space<semaphore_mem>>) src(%dma_wait3A_241 : memref<128xf32, #tpu.memory_space<vmem>>) dst(%dma_wait3A_246 : memref<131072xf32, #tpu.memory_space<vmem_shared>>)
      %scan3A_247 = arith.constant 0 : i32
      scf.yield %scan3A_247 : i32
    }
    %scan3A_107 = arith.constant 64 : i32
    %barrier3A_108 = arith.constant 0 : index
    tpu.barrier barrier_id(%barrier3A_108)
    %mul3A_109 = arith.constant 8192 : i32
    %mul3A_110 = arith.muli %select_n3A_28, %mul3A_109 : i32
    %add3A_111 = arith.addi %mul3A_37, %mul3A_110 : i32
    "tpu.region"() ({
      %run_scoped3A = tpu.sem_alloc : memref<!tpu.dma_semaphore, #tpu.memory_space<semaphore_mem>>
      %dma_start3A = tpu.memref_slice %arg19[%add3A_111] : memref<131072xi32, #tpu.memory_space<vmem_shared>> -> memref<8192xi32, #tpu.memory_space<vmem_shared>>
      %dma_start3A_230 = tpu.memref_slice %arg19[%add3A_111] : memref<131072xi32, #tpu.memory_space<vmem_shared>> -> memref<8192xi32, #tpu.memory_space<vmem_shared>>
      tpu.enqueue_dma source(%dma_start3A_230 : memref<8192xi32, #tpu.memory_space<vmem_shared>>) target(%arg8 : memref<8192xi32, #tpu.memory_space<vmem>>) target_semaphore(%run_scoped3A : memref<!tpu.dma_semaphore, #tpu.memory_space<semaphore_mem>>)
      %dma_wait3A = tpu.memref_slice %arg19[%add3A_111] : memref<131072xi32, #tpu.memory_space<vmem_shared>> -> memref<8192xi32, #tpu.memory_space<vmem_shared>>
      %dma_wait3A_231 = tpu.memref_slice %arg19[%add3A_111] : memref<131072xi32, #tpu.memory_space<vmem_shared>> -> memref<8192xi32, #tpu.memory_space<vmem_shared>>
      tpu.wait_dma2 semaphore(%run_scoped3A : memref<!tpu.dma_semaphore, #tpu.memory_space<semaphore_mem>>) src(%dma_wait3A_231 : memref<8192xi32, #tpu.memory_space<vmem_shared>>) dst(%arg8 : memref<8192xi32, #tpu.memory_space<vmem>>)
      tpu.yield
    }) : () -> ()
    "tpu.region"() ({
      %run_scoped3A = tpu.sem_alloc : memref<!tpu.dma_semaphore, #tpu.memory_space<semaphore_mem>>
      %dma_start3A = tpu.memref_slice %arg20[%add3A_111] : memref<131072xf32, #tpu.memory_space<vmem_shared>> -> memref<8192xf32, #tpu.memory_space<vmem_shared>>
      %dma_start3A_230 = tpu.memref_slice %arg20[%add3A_111] : memref<131072xf32, #tpu.memory_space<vmem_shared>> -> memref<8192xf32, #tpu.memory_space<vmem_shared>>
      tpu.enqueue_dma source(%dma_start3A_230 : memref<8192xf32, #tpu.memory_space<vmem_shared>>) target(%arg9 : memref<8192xf32, #tpu.memory_space<vmem>>) target_semaphore(%run_scoped3A : memref<!tpu.dma_semaphore, #tpu.memory_space<semaphore_mem>>)
      %dma_wait3A = tpu.memref_slice %arg20[%add3A_111] : memref<131072xf32, #tpu.memory_space<vmem_shared>> -> memref<8192xf32, #tpu.memory_space<vmem_shared>>
      %dma_wait3A_231 = tpu.memref_slice %arg20[%add3A_111] : memref<131072xf32, #tpu.memory_space<vmem_shared>> -> memref<8192xf32, #tpu.memory_space<vmem_shared>>
      tpu.wait_dma2 semaphore(%run_scoped3A : memref<!tpu.dma_semaphore, #tpu.memory_space<semaphore_mem>>) src(%dma_wait3A_231 : memref<8192xf32, #tpu.memory_space<vmem_shared>>) dst(%arg9 : memref<8192xf32, #tpu.memory_space<vmem>>)
      tpu.yield
    }) : () -> ()
    %parallel_loop3A_112 = arith.constant 0 : i32
    %parallel_loop3A_113 = arith.constant 128 : i32
    %parallel_loop3A_114 = arith.constant 1 : i32
    scf.for %parallel_loop3A_230 = %parallel_loop3A_112 to %parallel_loop3A_113 step %parallel_loop3A_114  : i32 {
      %parallel_loop3A_231 = arith.constant 0 : i32
      %parallel_loop3A_232 = vector.broadcast %parallel_loop3A_231 : i32 to vector<16xi32>
      %parallel_loop3A_233 = arith.constant 16 : i32
      %parallel_loop3A_234 = arith.muli %parallel_loop3A_230, %parallel_loop3A_233 : i32
      %parallel_loop3A_235 = arith.index_cast %parallel_loop3A_234 : i32 to index
      %parallel_loop3A_236 = tpu.vector_load %arg13[%parallel_loop3A_235] {strides = array<i32>} : memref<2048xi32, #tpu.memory_space<vmem>>, vector<16xi32>,
      tpu.vector_store %arg13[%parallel_loop3A_235], %parallel_loop3A_232 {strides = array<i32>} : memref<2048xi32, #tpu.memory_space<vmem>>, vector<16xi32>,
    } {sc.loop_unroll_factor = 1 : i64, sc.parallel_access}
    %parallel_loop3A_115 = arith.constant 0 : i32
    %parallel_loop3A_116 = arith.constant 512 : i32
    %parallel_loop3A_117 = arith.constant 1 : i32
    %parallel_loop3A_118 = arith.constant 2047 : i32
    scf.for %parallel_loop3A_230 = %parallel_loop3A_115 to %parallel_loop3A_116 step %parallel_loop3A_117  : i32 {
      %parallel_loop3A_231 = arith.constant 16 : i32
      %parallel_loop3A_232 = arith.muli %parallel_loop3A_230, %parallel_loop3A_231 : i32
      %parallel_loop3A_233 = arith.index_cast %parallel_loop3A_232 : i32 to index
      %parallel_loop3A_234 = tpu.vector_load %arg8[%parallel_loop3A_233] {strides = array<i32>} : memref<8192xi32, #tpu.memory_space<vmem>>, vector<16xi32>,
      %parallel_loop3A_235 = vector.bitcast %parallel_loop3A_234 : vector<16xi32> to vector<16xi32>
      %parallel_loop3A_236 = arith.constant 11 : i32
      %parallel_loop3A_237 = vector.broadcast %parallel_loop3A_236 : i32 to vector<16xi32>
      %parallel_loop3A_238 = arith.shrui %parallel_loop3A_235, %parallel_loop3A_237 : vector<16xi32>
      %parallel_loop3A_239 = vector.broadcast %parallel_loop3A_118 : i32 to vector<16xi32>
      %parallel_loop3A_240 = arith.andi %parallel_loop3A_238, %parallel_loop3A_239 : vector<16xi32>
      %parallel_loop3A_241 = arith.constant true
      %parallel_loop3A_242 = vector.broadcast %parallel_loop3A_241 : i1 to vector<16xi1>
      %parallel_loop3A_243, %parallel_loop3A_244 = tpu.scan_count mask(%parallel_loop3A_242 : vector<16xi1>) value(%parallel_loop3A_240 : vector<16xi32>) : vector<16xi1>, vector<16xi32>
      %parallel_loop3A_245 = vector.broadcast %reduce_min3A_56 : i32 to vector<16xi32>
      %parallel_loop3A_246 = arith.subi %parallel_loop3A_244, %parallel_loop3A_245 : vector<16xi32>
      %parallel_loop3A_247 = arith.constant 11 : i32
      %parallel_loop3A_248 = vector.broadcast %parallel_loop3A_247 : i32 to vector<16xi32>
      %parallel_loop3A_249 = arith.shli %parallel_loop3A_246, %parallel_loop3A_248 : vector<16xi32>
      %parallel_loop3A_250 = arith.addi %parallel_loop3A_240, %parallel_loop3A_249 : vector<16xi32>
      %parallel_loop3A_251 = arith.constant 32768 : i32
      %parallel_loop3A_252 = arith.constant 0 : i32
      %parallel_loop3A_253 = vector.broadcast %parallel_loop3A_251 : i32 to vector<16xi32>
      %parallel_loop3A_254 = vector.broadcast %parallel_loop3A_252 : i32 to vector<16xi32>
      %parallel_loop3A_255 = arith.select %parallel_loop3A_243, %parallel_loop3A_253, %parallel_loop3A_254 : vector<16xi1>, vector<16xi32>
      %parallel_loop3A_256 = arith.addi %parallel_loop3A_250, %parallel_loop3A_255 : vector<16xi32>
      %parallel_loop3A_257 = arith.constant 16 : i32
      %parallel_loop3A_258 = arith.muli %parallel_loop3A_230, %parallel_loop3A_257 : i32
      %parallel_loop3A_259 = arith.index_cast %parallel_loop3A_258 : i32 to index
      %parallel_loop3A_260 = tpu.vector_load %arg11[%parallel_loop3A_259] {strides = array<i32>} : memref<8192xi32, #tpu.memory_space<vmem>>, vector<16xi32>,
      tpu.vector_store %arg11[%parallel_loop3A_259], %parallel_loop3A_256 {strides = array<i32>} : memref<8192xi32, #tpu.memory_space<vmem>>, vector<16xi32>,
      %parallel_loop3A_261 = arith.constant 1 : i32
      %parallel_loop3A_262 = vector.broadcast %parallel_loop3A_261 : i32 to vector<16xi32>
      %parallel_loop3A_263 = arith.addi %parallel_loop3A_246, %parallel_loop3A_262 : vector<16xi32>
      tpu.vector_store_idx %arg13[%parallel_loop3A_240], %parallel_loop3A_263 masked %parallel_loop3A_243 {add = true} : memref<2048xi32, #tpu.memory_space<vmem>>[vector<16xi32>], vector<16xi32>, vector<16xi1>
    } {sc.loop_unroll_factor = 1 : i64, sc.parallel_access}
    %mul3A_119 = arith.constant 2048 : i32
    %mul3A_120 = arith.muli %add3A_40, %mul3A_119 : i32
    "tpu.region"() ({
      %run_scoped3A = tpu.sem_alloc : memref<!tpu.dma_semaphore, #tpu.memory_space<semaphore_mem>>
      %dma_start3A = tpu.memref_slice %arg21[%mul3A_120] : memref<32768xi32, #tpu.memory_space<vmem_shared>> -> memref<2048xi32, #tpu.memory_space<vmem_shared>>
      %dma_start3A_230 = tpu.memref_slice %arg21[%mul3A_120] : memref<32768xi32, #tpu.memory_space<vmem_shared>> -> memref<2048xi32, #tpu.memory_space<vmem_shared>>
      tpu.enqueue_dma source(%arg13 : memref<2048xi32, #tpu.memory_space<vmem>>) target(%dma_start3A_230 : memref<2048xi32, #tpu.memory_space<vmem_shared>>) target_semaphore(%run_scoped3A : memref<!tpu.dma_semaphore, #tpu.memory_space<semaphore_mem>>)
      %dma_wait3A = tpu.memref_slice %arg21[%mul3A_120] : memref<32768xi32, #tpu.memory_space<vmem_shared>> -> memref<2048xi32, #tpu.memory_space<vmem_shared>>
      %dma_wait3A_231 = tpu.memref_slice %arg21[%mul3A_120] : memref<32768xi32, #tpu.memory_space<vmem_shared>> -> memref<2048xi32, #tpu.memory_space<vmem_shared>>
      tpu.wait_dma2 semaphore(%run_scoped3A : memref<!tpu.dma_semaphore, #tpu.memory_space<semaphore_mem>>) src(%arg13 : memref<2048xi32, #tpu.memory_space<vmem>>) dst(%dma_wait3A_231 : memref<2048xi32, #tpu.memory_space<vmem_shared>>)
      tpu.yield
    }) : () -> ()
    %barrier3A_121 = arith.constant 0 : index
    tpu.barrier barrier_id(%barrier3A_121)
    %mul3A_122 = arith.constant 2048 : i32
    %mul3A_123 = arith.muli %add3A_45, %mul3A_122 : i32
    "tpu.region"() ({
      %run_scoped3A = tpu.sem_alloc : memref<!tpu.dma_semaphore, #tpu.memory_space<semaphore_mem>>
      %dma_start3A = tpu.memref_slice %arg21[%mul3A_123] : memref<32768xi32, #tpu.memory_space<vmem_shared>> -> memref<2048xi32, #tpu.memory_space<vmem_shared>>
      %dma_start3A_230 = tpu.memref_slice %arg21[%mul3A_123] : memref<32768xi32, #tpu.memory_space<vmem_shared>> -> memref<2048xi32, #tpu.memory_space<vmem_shared>>
      tpu.enqueue_dma source(%dma_start3A_230 : memref<2048xi32, #tpu.memory_space<vmem_shared>>) target(%arg14 : memref<2048xi32, #tpu.memory_space<vmem>>) target_semaphore(%run_scoped3A : memref<!tpu.dma_semaphore, #tpu.memory_space<semaphore_mem>>)
      %dma_wait3A = tpu.memref_slice %arg21[%mul3A_123] : memref<32768xi32, #tpu.memory_space<vmem_shared>> -> memref<2048xi32, #tpu.memory_space<vmem_shared>>
      %dma_wait3A_231 = tpu.memref_slice %arg21[%mul3A_123] : memref<32768xi32, #tpu.memory_space<vmem_shared>> -> memref<2048xi32, #tpu.memory_space<vmem_shared>>
      tpu.wait_dma2 semaphore(%run_scoped3A : memref<!tpu.dma_semaphore, #tpu.memory_space<semaphore_mem>>) src(%dma_wait3A_231 : memref<2048xi32, #tpu.memory_space<vmem_shared>>) dst(%arg14 : memref<2048xi32, #tpu.memory_space<vmem>>)
      tpu.yield
    }) : () -> ()
    %scan3A_124 = arith.constant 0 : i32
    %scan3A_125 = arith.constant 128 : i32
    %scan3A_126 = arith.addi %scan3A_124, %scan3A_125 : i32
    %scan3A_127 = arith.constant 4 : i32
    %scan3A_128 = scf.for %scan3A_230 = %scan3A_124 to %scan3A_126 step %scan3A_127 iter_args(%scan3A_231 = %mul3A_37) -> (i32)  : i32 {
      %mul3A_232 = arith.constant 16 : i32
      %mul3A_233 = arith.muli %scan3A_230, %mul3A_232 : i32
      %get3A_234 = arith.index_cast %mul3A_233 : i32 to index
      %get3A_235 = tpu.vector_load %arg13[%get3A_234] {strides = array<i32>} : memref<2048xi32, #tpu.memory_space<vmem>>, vector<16xi32>,
      %mul3A_236 = arith.constant 16 : i32
      %mul3A_237 = arith.muli %scan3A_230, %mul3A_236 : i32
      %get3A_238 = arith.index_cast %mul3A_237 : i32 to index
      %get3A_239 = tpu.vector_load %arg14[%get3A_238] {strides = array<i32>} : memref<2048xi32, #tpu.memory_space<vmem>>, vector<16xi32>,
      %add3A_240 = arith.addi %get3A_235, %get3A_239 : vector<16xi32>
      %broadcast_in_dim3A_241 = arith.constant true
      %broadcast_in_dim3A_242 = vector.broadcast %broadcast_in_dim3A_241 : i1 to vector<16xi1>
      %masked_cumsum3A = tpu.scan <sum>, %add3A_240 masked %broadcast_in_dim3A_242 : vector<16xi32>, vector<16xi1> -> vector<16xi32>
      %sub3A_243 = arith.subi %masked_cumsum3A, %add3A_240 : vector<16xi32>
      %add3A_244 = vector.broadcast %scan3A_231 : i32 to vector<16xi32>
      %add3A_245 = arith.addi %sub3A_243, %add3A_244 : vector<16xi32>
      %mul3A_246 = vector.broadcast %select_n3A_28 : i32 to vector<16xi32>
      %mul3A_247 = arith.muli %get3A_239, %mul3A_246 : vector<16xi32>
      %add3A_248 = arith.addi %add3A_245, %mul3A_247 : vector<16xi32>
      %mul3A_249 = arith.constant 16 : i32
      %mul3A_250 = arith.muli %scan3A_230, %mul3A_249 : i32
      %swap3A_251 = arith.index_cast %mul3A_250 : i32 to index
      %swap3A_252 = tpu.vector_load %arg13[%swap3A_251] {strides = array<i32>} : memref<2048xi32, #tpu.memory_space<vmem>>, vector<16xi32>,
      tpu.vector_store %arg13[%swap3A_251], %add3A_248 {strides = array<i32>} : memref<2048xi32, #tpu.memory_space<vmem>>, vector<16xi32>,
      %reduce_sum3A = arith.constant true
      %reduce_sum3A_253 = vector.broadcast %reduce_sum3A : i1 to vector<16xi1>
      %reduce_sum3A_254 = tpu.scan <sum>, %add3A_240 masked %reduce_sum3A_253 : vector<16xi32>, vector<16xi1> -> vector<16xi32>
      %reduce_sum3A_255 = vector.extract %reduce_sum3A_254[15] : i32 from vector<16xi32>
      %add3A_256 = arith.addi %scan3A_231, %reduce_sum3A_255 : i32
      %scan3A_257 = arith.constant 1 : i32
      %scan3A_258 = arith.addi %scan3A_230, %scan3A_257 : i32
      %mul3A_259 = arith.constant 16 : i32
      %mul3A_260 = arith.muli %scan3A_258, %mul3A_259 : i32
      %get3A_261 = arith.index_cast %mul3A_260 : i32 to index
      %get3A_262 = tpu.vector_load %arg13[%get3A_261] {strides = array<i32>} : memref<2048xi32, #tpu.memory_space<vmem>>, vector<16xi32>,
      %mul3A_263 = arith.constant 16 : i32
      %mul3A_264 = arith.muli %scan3A_258, %mul3A_263 : i32
      %get3A_265 = arith.index_cast %mul3A_264 : i32 to index
      %get3A_266 = tpu.vector_load %arg14[%get3A_265] {strides = array<i32>} : memref<2048xi32, #tpu.memory_space<vmem>>, vector<16xi32>,
      %add3A_267 = arith.addi %get3A_262, %get3A_266 : vector<16xi32>
      %broadcast_in_dim3A_268 = arith.constant true
      %broadcast_in_dim3A_269 = vector.broadcast %broadcast_in_dim3A_268 : i1 to vector<16xi1>
      %masked_cumsum3A_270 = tpu.scan <sum>, %add3A_267 masked %broadcast_in_dim3A_269 : vector<16xi32>, vector<16xi1> -> vector<16xi32>
      %sub3A_271 = arith.subi %masked_cumsum3A_270, %add3A_267 : vector<16xi32>
      %add3A_272 = vector.broadcast %add3A_256 : i32 to vector<16xi32>
      %add3A_273 = arith.addi %sub3A_271, %add3A_272 : vector<16xi32>
      %mul3A_274 = vector.broadcast %select_n3A_28 : i32 to vector<16xi32>
      %mul3A_275 = arith.muli %get3A_266, %mul3A_274 : vector<16xi32>
      %add3A_276 = arith.addi %add3A_273, %mul3A_275 : vector<16xi32>
      %mul3A_277 = arith.constant 16 : i32
      %mul3A_278 = arith.muli %scan3A_258, %mul3A_277 : i32
      %swap3A_279 = arith.index_cast %mul3A_278 : i32 to index
      %swap3A_280 = tpu.vector_load %arg13[%swap3A_279] {strides = array<i32>} : memref<2048xi32, #tpu.memory_space<vmem>>, vector<16xi32>,
      tpu.vector_store %arg13[%swap3A_279], %add3A_276 {strides = array<i32>} : memref<2048xi32, #tpu.memory_space<vmem>>, vector<16xi32>,
      %reduce_sum3A_281 = arith.constant true
      %reduce_sum3A_282 = vector.broadcast %reduce_sum3A_281 : i1 to vector<16xi1>
      %reduce_sum3A_283 = tpu.scan <sum>, %add3A_267 masked %reduce_sum3A_282 : vector<16xi32>, vector<16xi1> -> vector<16xi32>
      %reduce_sum3A_284 = vector.extract %reduce_sum3A_283[15] : i32 from vector<16xi32>
      %add3A_285 = arith.addi %add3A_256, %reduce_sum3A_284 : i32
      %scan3A_286 = arith.constant 2 : i32
      %scan3A_287 = arith.addi %scan3A_230, %scan3A_286 : i32
      %mul3A_288 = arith.constant 16 : i32
      %mul3A_289 = arith.muli %scan3A_287, %mul3A_288 : i32
      %get3A_290 = arith.index_cast %mul3A_289 : i32 to index
      %get3A_291 = tpu.vector_load %arg13[%get3A_290] {strides = array<i32>} : memref<2048xi32, #tpu.memory_space<vmem>>, vector<16xi32>,
      %mul3A_292 = arith.constant 16 : i32
      %mul3A_293 = arith.muli %scan3A_287, %mul3A_292 : i32
      %get3A_294 = arith.index_cast %mul3A_293 : i32 to index
      %get3A_295 = tpu.vector_load %arg14[%get3A_294] {strides = array<i32>} : memref<2048xi32, #tpu.memory_space<vmem>>, vector<16xi32>,
      %add3A_296 = arith.addi %get3A_291, %get3A_295 : vector<16xi32>
      %broadcast_in_dim3A_297 = arith.constant true
      %broadcast_in_dim3A_298 = vector.broadcast %broadcast_in_dim3A_297 : i1 to vector<16xi1>
      %masked_cumsum3A_299 = tpu.scan <sum>, %add3A_296 masked %broadcast_in_dim3A_298 : vector<16xi32>, vector<16xi1> -> vector<16xi32>
      %sub3A_300 = arith.subi %masked_cumsum3A_299, %add3A_296 : vector<16xi32>
      %add3A_301 = vector.broadcast %add3A_285 : i32 to vector<16xi32>
      %add3A_302 = arith.addi %sub3A_300, %add3A_301 : vector<16xi32>
      %mul3A_303 = vector.broadcast %select_n3A_28 : i32 to vector<16xi32>
      %mul3A_304 = arith.muli %get3A_295, %mul3A_303 : vector<16xi32>
      %add3A_305 = arith.addi %add3A_302, %mul3A_304 : vector<16xi32>
      %mul3A_306 = arith.constant 16 : i32
      %mul3A_307 = arith.muli %scan3A_287, %mul3A_306 : i32
      %swap3A_308 = arith.index_cast %mul3A_307 : i32 to index
      %swap3A_309 = tpu.vector_load %arg13[%swap3A_308] {strides = array<i32>} : memref<2048xi32, #tpu.memory_space<vmem>>, vector<16xi32>,
      tpu.vector_store %arg13[%swap3A_308], %add3A_305 {strides = array<i32>} : memref<2048xi32, #tpu.memory_space<vmem>>, vector<16xi32>,
      %reduce_sum3A_310 = arith.constant true
      %reduce_sum3A_311 = vector.broadcast %reduce_sum3A_310 : i1 to vector<16xi1>
      %reduce_sum3A_312 = tpu.scan <sum>, %add3A_296 masked %reduce_sum3A_311 : vector<16xi32>, vector<16xi1> -> vector<16xi32>
      %reduce_sum3A_313 = vector.extract %reduce_sum3A_312[15] : i32 from vector<16xi32>
      %add3A_314 = arith.addi %add3A_285, %reduce_sum3A_313 : i32
      %scan3A_315 = arith.constant 3 : i32
      %scan3A_316 = arith.addi %scan3A_230, %scan3A_315 : i32
      %mul3A_317 = arith.constant 16 : i32
      %mul3A_318 = arith.muli %scan3A_316, %mul3A_317 : i32
      %get3A_319 = arith.index_cast %mul3A_318 : i32 to index
      %get3A_320 = tpu.vector_load %arg13[%get3A_319] {strides = array<i32>} : memref<2048xi32, #tpu.memory_space<vmem>>, vector<16xi32>,
      %mul3A_321 = arith.constant 16 : i32
      %mul3A_322 = arith.muli %scan3A_316, %mul3A_321 : i32
      %get3A_323 = arith.index_cast %mul3A_322 : i32 to index
      %get3A_324 = tpu.vector_load %arg14[%get3A_323] {strides = array<i32>} : memref<2048xi32, #tpu.memory_space<vmem>>, vector<16xi32>,
      %add3A_325 = arith.addi %get3A_320, %get3A_324 : vector<16xi32>
      %broadcast_in_dim3A_326 = arith.constant true
      %broadcast_in_dim3A_327 = vector.broadcast %broadcast_in_dim3A_326 : i1 to vector<16xi1>
      %masked_cumsum3A_328 = tpu.scan <sum>, %add3A_325 masked %broadcast_in_dim3A_327 : vector<16xi32>, vector<16xi1> -> vector<16xi32>
      %sub3A_329 = arith.subi %masked_cumsum3A_328, %add3A_325 : vector<16xi32>
      %add3A_330 = vector.broadcast %add3A_314 : i32 to vector<16xi32>
      %add3A_331 = arith.addi %sub3A_329, %add3A_330 : vector<16xi32>
      %mul3A_332 = vector.broadcast %select_n3A_28 : i32 to vector<16xi32>
      %mul3A_333 = arith.muli %get3A_324, %mul3A_332 : vector<16xi32>
      %add3A_334 = arith.addi %add3A_331, %mul3A_333 : vector<16xi32>
      %mul3A_335 = arith.constant 16 : i32
      %mul3A_336 = arith.muli %scan3A_316, %mul3A_335 : i32
      %swap3A_337 = arith.index_cast %mul3A_336 : i32 to index
      %swap3A_338 = tpu.vector_load %arg13[%swap3A_337] {strides = array<i32>} : memref<2048xi32, #tpu.memory_space<vmem>>, vector<16xi32>,
      tpu.vector_store %arg13[%swap3A_337], %add3A_334 {strides = array<i32>} : memref<2048xi32, #tpu.memory_space<vmem>>, vector<16xi32>,
      %reduce_sum3A_339 = arith.constant true
      %reduce_sum3A_340 = vector.broadcast %reduce_sum3A_339 : i1 to vector<16xi1>
      %reduce_sum3A_341 = tpu.scan <sum>, %add3A_325 masked %reduce_sum3A_340 : vector<16xi32>, vector<16xi1> -> vector<16xi32>
      %reduce_sum3A_342 = vector.extract %reduce_sum3A_341[15] : i32 from vector<16xi32>
      %add3A_343 = arith.addi %add3A_314, %reduce_sum3A_342 : i32
      scf.yield %add3A_343 : i32
    }
    %scan3A_129 = arith.constant 128 : i32
    %scan3A_130 = arith.constant 0 : i32
    %scan3A_131 = arith.constant 0 : i32
    %scan3A_132 = arith.constant 512 : i32
    %scan3A_133 = arith.addi %scan3A_131, %scan3A_132 : i32
    %scan3A_134 = arith.constant 4 : i32
    %scan3A_135 = scf.for %scan3A_230 = %scan3A_131 to %scan3A_133 step %scan3A_134 iter_args(%scan3A_231 = %scan3A_130) -> (i32)  : i32 {
      %mul3A_232 = arith.constant 16 : i32
      %mul3A_233 = arith.muli %scan3A_230, %mul3A_232 : i32
      %get3A_234 = arith.index_cast %mul3A_233 : i32 to index
      %get3A_235 = tpu.vector_load %arg11[%get3A_234] {strides = array<i32>} : memref<8192xi32, #tpu.memory_space<vmem>>, vector<16xi32>,
      %and3A_236 = arith.constant 2047 : i32
      %and3A_237 = vector.broadcast %and3A_236 : i32 to vector<16xi32>
      %and3A_238 = arith.andi %get3A_235, %and3A_237 : vector<16xi32>
      %shift_right_arithmetic3A = arith.constant 11 : i32
      %shift_right_arithmetic3A_239 = vector.broadcast %shift_right_arithmetic3A : i32 to vector<16xi32>
      %shift_right_arithmetic3A_240 = arith.shrsi %get3A_235, %shift_right_arithmetic3A_239 : vector<16xi32>
      %and3A_241 = arith.constant 15 : i32
      %and3A_242 = vector.broadcast %and3A_241 : i32 to vector<16xi32>
      %and3A_243 = arith.andi %shift_right_arithmetic3A_240, %and3A_242 : vector<16xi32>
      %gt3A = arith.constant 32767 : i32
      %gt3A_244 = vector.broadcast %gt3A : i32 to vector<16xi32>
      %gt3A_245 = arith.cmpi sgt, %get3A_235, %gt3A_244 : vector<16xi32>
      %gather3A = tpu.vector_load_idx %arg13[%and3A_238] : memref<2048xi32, #tpu.memory_space<vmem>>[vector<16xi32>], vector<16xi32>,
      %add3A_246 = arith.addi %gather3A, %and3A_243 : vector<16xi32>
      %shift_right_arithmetic3A_247 = arith.constant 3 : i32
      %shift_right_arithmetic3A_248 = arith.shrsi %scan3A_230, %shift_right_arithmetic3A_247 : i32
      %and3A_249 = arith.constant 7 : i32
      %and3A_250 = arith.andi %scan3A_230, %and3A_249 : i32
      %mul3A_251 = arith.constant 16 : i32
      %mul3A_252 = arith.muli %and3A_250, %mul3A_251 : i32
      %swap3A_253 = arith.index_cast %shift_right_arithmetic3A_248 : i32 to index
      %swap3A_254 = arith.index_cast %mul3A_252 : i32 to index
      %swap3A_255 = tpu.vector_load %arg12[%swap3A_253, %swap3A_254] {strides = array<i32>} : memref<64x128xi32, #tpu.memory_space<vmem>>, vector<16xi32>,
      tpu.vector_store %arg12[%swap3A_253, %swap3A_254], %add3A_246 {strides = array<i32>} : memref<64x128xi32, #tpu.memory_space<vmem>>, vector<16xi32>,
      %add3A_256 = arith.constant 1 : i32
      %add3A_257 = vector.broadcast %add3A_256 : i32 to vector<16xi32>
      %add3A_258 = arith.addi %and3A_243, %add3A_257 : vector<16xi32>
      tpu.vector_store_idx %arg13[%and3A_238], %add3A_258 masked %gt3A_245 {add = true} : memref<2048xi32, #tpu.memory_space<vmem>>[vector<16xi32>], vector<16xi32>, vector<16xi1>
      %scan3A_259 = arith.constant 0 : i32
      %scan3A_260 = arith.constant 1 : i32
      %scan3A_261 = arith.addi %scan3A_230, %scan3A_260 : i32
      %mul3A_262 = arith.constant 16 : i32
      %mul3A_263 = arith.muli %scan3A_261, %mul3A_262 : i32
      %get3A_264 = arith.index_cast %mul3A_263 : i32 to index
      %get3A_265 = tpu.vector_load %arg11[%get3A_264] {strides = array<i32>} : memref<8192xi32, #tpu.memory_space<vmem>>, vector<16xi32>,
      %and3A_266 = arith.constant 2047 : i32
      %and3A_267 = vector.broadcast %and3A_266 : i32 to vector<16xi32>
      %and3A_268 = arith.andi %get3A_265, %and3A_267 : vector<16xi32>
      %shift_right_arithmetic3A_269 = arith.constant 11 : i32
      %shift_right_arithmetic3A_270 = vector.broadcast %shift_right_arithmetic3A_269 : i32 to vector<16xi32>
      %shift_right_arithmetic3A_271 = arith.shrsi %get3A_265, %shift_right_arithmetic3A_270 : vector<16xi32>
      %and3A_272 = arith.constant 15 : i32
      %and3A_273 = vector.broadcast %and3A_272 : i32 to vector<16xi32>
      %and3A_274 = arith.andi %shift_right_arithmetic3A_271, %and3A_273 : vector<16xi32>
      %gt3A_275 = arith.constant 32767 : i32
      %gt3A_276 = vector.broadcast %gt3A_275 : i32 to vector<16xi32>
      %gt3A_277 = arith.cmpi sgt, %get3A_265, %gt3A_276 : vector<16xi32>
      %gather3A_278 = tpu.vector_load_idx %arg13[%and3A_268] : memref<2048xi32, #tpu.memory_space<vmem>>[vector<16xi32>], vector<16xi32>,
      %add3A_279 = arith.addi %gather3A_278, %and3A_274 : vector<16xi32>
      %shift_right_arithmetic3A_280 = arith.constant 3 : i32
      %shift_right_arithmetic3A_281 = arith.shrsi %scan3A_261, %shift_right_arithmetic3A_280 : i32
      %and3A_282 = arith.constant 7 : i32
      %and3A_283 = arith.andi %scan3A_261, %and3A_282 : i32
      %mul3A_284 = arith.constant 16 : i32
      %mul3A_285 = arith.muli %and3A_283, %mul3A_284 : i32
      %swap3A_286 = arith.index_cast %shift_right_arithmetic3A_281 : i32 to index
      %swap3A_287 = arith.index_cast %mul3A_285 : i32 to index
      %swap3A_288 = tpu.vector_load %arg12[%swap3A_286, %swap3A_287] {strides = array<i32>} : memref<64x128xi32, #tpu.memory_space<vmem>>, vector<16xi32>,
      tpu.vector_store %arg12[%swap3A_286, %swap3A_287], %add3A_279 {strides = array<i32>} : memref<64x128xi32, #tpu.memory_space<vmem>>, vector<16xi32>,
      %add3A_289 = arith.constant 1 : i32
      %add3A_290 = vector.broadcast %add3A_289 : i32 to vector<16xi32>
      %add3A_291 = arith.addi %and3A_274, %add3A_290 : vector<16xi32>
      tpu.vector_store_idx %arg13[%and3A_268], %add3A_291 masked %gt3A_277 {add = true} : memref<2048xi32, #tpu.memory_space<vmem>>[vector<16xi32>], vector<16xi32>, vector<16xi1>
      %scan3A_292 = arith.constant 0 : i32
      %scan3A_293 = arith.constant 2 : i32
      %scan3A_294 = arith.addi %scan3A_230, %scan3A_293 : i32
      %mul3A_295 = arith.constant 16 : i32
      %mul3A_296 = arith.muli %scan3A_294, %mul3A_295 : i32
      %get3A_297 = arith.index_cast %mul3A_296 : i32 to index
      %get3A_298 = tpu.vector_load %arg11[%get3A_297] {strides = array<i32>} : memref<8192xi32, #tpu.memory_space<vmem>>, vector<16xi32>,
      %and3A_299 = arith.constant 2047 : i32
      %and3A_300 = vector.broadcast %and3A_299 : i32 to vector<16xi32>
      %and3A_301 = arith.andi %get3A_298, %and3A_300 : vector<16xi32>
      %shift_right_arithmetic3A_302 = arith.constant 11 : i32
      %shift_right_arithmetic3A_303 = vector.broadcast %shift_right_arithmetic3A_302 : i32 to vector<16xi32>
      %shift_right_arithmetic3A_304 = arith.shrsi %get3A_298, %shift_right_arithmetic3A_303 : vector<16xi32>
      %and3A_305 = arith.constant 15 : i32
      %and3A_306 = vector.broadcast %and3A_305 : i32 to vector<16xi32>
      %and3A_307 = arith.andi %shift_right_arithmetic3A_304, %and3A_306 : vector<16xi32>
      %gt3A_308 = arith.constant 32767 : i32
      %gt3A_309 = vector.broadcast %gt3A_308 : i32 to vector<16xi32>
      %gt3A_310 = arith.cmpi sgt, %get3A_298, %gt3A_309 : vector<16xi32>
      %gather3A_311 = tpu.vector_load_idx %arg13[%and3A_301] : memref<2048xi32, #tpu.memory_space<vmem>>[vector<16xi32>], vector<16xi32>,
      %add3A_312 = arith.addi %gather3A_311, %and3A_307 : vector<16xi32>
      %shift_right_arithmetic3A_313 = arith.constant 3 : i32
      %shift_right_arithmetic3A_314 = arith.shrsi %scan3A_294, %shift_right_arithmetic3A_313 : i32
      %and3A_315 = arith.constant 7 : i32
      %and3A_316 = arith.andi %scan3A_294, %and3A_315 : i32
      %mul3A_317 = arith.constant 16 : i32
      %mul3A_318 = arith.muli %and3A_316, %mul3A_317 : i32
      %swap3A_319 = arith.index_cast %shift_right_arithmetic3A_314 : i32 to index
      %swap3A_320 = arith.index_cast %mul3A_318 : i32 to index
      %swap3A_321 = tpu.vector_load %arg12[%swap3A_319, %swap3A_320] {strides = array<i32>} : memref<64x128xi32, #tpu.memory_space<vmem>>, vector<16xi32>,
      tpu.vector_store %arg12[%swap3A_319, %swap3A_320], %add3A_312 {strides = array<i32>} : memref<64x128xi32, #tpu.memory_space<vmem>>, vector<16xi32>,
      %add3A_322 = arith.constant 1 : i32
      %add3A_323 = vector.broadcast %add3A_322 : i32 to vector<16xi32>
      %add3A_324 = arith.addi %and3A_307, %add3A_323 : vector<16xi32>
      tpu.vector_store_idx %arg13[%and3A_301], %add3A_324 masked %gt3A_310 {add = true} : memref<2048xi32, #tpu.memory_space<vmem>>[vector<16xi32>], vector<16xi32>, vector<16xi1>
      %scan3A_325 = arith.constant 0 : i32
      %scan3A_326 = arith.constant 3 : i32
      %scan3A_327 = arith.addi %scan3A_230, %scan3A_326 : i32
      %mul3A_328 = arith.constant 16 : i32
      %mul3A_329 = arith.muli %scan3A_327, %mul3A_328 : i32
      %get3A_330 = arith.index_cast %mul3A_329 : i32 to index
      %get3A_331 = tpu.vector_load %arg11[%get3A_330] {strides = array<i32>} : memref<8192xi32, #tpu.memory_space<vmem>>, vector<16xi32>,
      %and3A_332 = arith.constant 2047 : i32
      %and3A_333 = vector.broadcast %and3A_332 : i32 to vector<16xi32>
      %and3A_334 = arith.andi %get3A_331, %and3A_333 : vector<16xi32>
      %shift_right_arithmetic3A_335 = arith.constant 11 : i32
      %shift_right_arithmetic3A_336 = vector.broadcast %shift_right_arithmetic3A_335 : i32 to vector<16xi32>
      %shift_right_arithmetic3A_337 = arith.shrsi %get3A_331, %shift_right_arithmetic3A_336 : vector<16xi32>
      %and3A_338 = arith.constant 15 : i32
      %and3A_339 = vector.broadcast %and3A_338 : i32 to vector<16xi32>
      %and3A_340 = arith.andi %shift_right_arithmetic3A_337, %and3A_339 : vector<16xi32>
      %gt3A_341 = arith.constant 32767 : i32
      %gt3A_342 = vector.broadcast %gt3A_341 : i32 to vector<16xi32>
      %gt3A_343 = arith.cmpi sgt, %get3A_331, %gt3A_342 : vector<16xi32>
      %gather3A_344 = tpu.vector_load_idx %arg13[%and3A_334] : memref<2048xi32, #tpu.memory_space<vmem>>[vector<16xi32>], vector<16xi32>,
      %add3A_345 = arith.addi %gather3A_344, %and3A_340 : vector<16xi32>
      %shift_right_arithmetic3A_346 = arith.constant 3 : i32
      %shift_right_arithmetic3A_347 = arith.shrsi %scan3A_327, %shift_right_arithmetic3A_346 : i32
      %and3A_348 = arith.constant 7 : i32
      %and3A_349 = arith.andi %scan3A_327, %and3A_348 : i32
      %mul3A_350 = arith.constant 16 : i32
      %mul3A_351 = arith.muli %and3A_349, %mul3A_350 : i32
      %swap3A_352 = arith.index_cast %shift_right_arithmetic3A_347 : i32 to index
      %swap3A_353 = arith.index_cast %mul3A_351 : i32 to index
      %swap3A_354 = tpu.vector_load %arg12[%swap3A_352, %swap3A_353] {strides = array<i32>} : memref<64x128xi32, #tpu.memory_space<vmem>>, vector<16xi32>,
      tpu.vector_store %arg12[%swap3A_352, %swap3A_353], %add3A_345 {strides = array<i32>} : memref<64x128xi32, #tpu.memory_space<vmem>>, vector<16xi32>,
      %add3A_355 = arith.constant 1 : i32
      %add3A_356 = vector.broadcast %add3A_355 : i32 to vector<16xi32>
      %add3A_357 = arith.addi %and3A_340, %add3A_356 : vector<16xi32>
      tpu.vector_store_idx %arg13[%and3A_334], %add3A_357 masked %gt3A_343 {add = true} : memref<2048xi32, #tpu.memory_space<vmem>>[vector<16xi32>], vector<16xi32>, vector<16xi1>
      %scan3A_358 = arith.constant 0 : i32
      scf.yield %scan3A_358 : i32
    }
    %scan3A_136 = arith.constant 512 : i32
    %scan3A_137 = arith.constant 0 : i32
    %scan3A_138 = arith.constant 0 : i32
    %scan3A_139 = arith.constant 64 : i32
    %scan3A_140 = arith.addi %scan3A_138, %scan3A_139 : i32
    %scan3A_141 = arith.constant 1 : i32
    %scan3A_142 = scf.for %scan3A_230 = %scan3A_138 to %scan3A_140 step %scan3A_141 iter_args(%scan3A_231 = %scan3A_137) -> (i32)  : i32 {
      %mul3A_232 = arith.constant 128 : i32
      %mul3A_233 = arith.muli %scan3A_230, %mul3A_232 : i32
      %dma_start3A = tpu.memref_slice %arg8[%mul3A_233] : memref<8192xi32, #tpu.memory_space<vmem>> -> memref<128xi32, #tpu.memory_space<vmem>>
      %dma_start3A_234 = arith.constant 0 : i32
      %dma_start3A_235 = tpu.memref_slice %arg12[%scan3A_230, %dma_start3A_234] : memref<64x128xi32, #tpu.memory_space<vmem>> -> memref<1x128xi32, #tpu.memory_space<vmem>>
      %dma_start3A_236 = tpu.memref_squeeze %dma_start3A_235 : memref<1x128xi32, #tpu.memory_space<vmem>> -> memref<128xi32, #tpu.memory_space<vmem>>
      %dma_start3A_237 = arith.constant 0 : i32
      %dma_start3A_238 = tpu.memref_slice %arg19[%dma_start3A_237] : memref<131072xi32, #tpu.memory_space<vmem_shared>> -> memref<131072xi32, #tpu.memory_space<vmem_shared>>
      tpu.enqueue_indirect_dma source(%dma_start3A : memref<128xi32, #tpu.memory_space<vmem>>) target(%dma_start3A_238 : memref<131072xi32, #tpu.memory_space<vmem_shared>>) offsets(%dma_start3A_236 : memref<128xi32, #tpu.memory_space<vmem>>) semaphore(%arg18 : memref<!tpu.dma_semaphore, #tpu.memory_space<semaphore_mem>>)
      %mul3A_239 = arith.constant 128 : i32
      %mul3A_240 = arith.muli %scan3A_230, %mul3A_239 : i32
      %dma_start3A_241 = tpu.memref_slice %arg9[%mul3A_240] : memref<8192xf32, #tpu.memory_space<vmem>> -> memref<128xf32, #tpu.memory_space<vmem>>
      %dma_start3A_242 = arith.constant 0 : i32
      %dma_start3A_243 = tpu.memref_slice %arg12[%scan3A_230, %dma_start3A_242] : memref<64x128xi32, #tpu.memory_space<vmem>> -> memref<1x128xi32, #tpu.memory_space<vmem>>
      %dma_start3A_244 = tpu.memref_squeeze %dma_start3A_243 : memref<1x128xi32, #tpu.memory_space<vmem>> -> memref<128xi32, #tpu.memory_space<vmem>>
      %dma_start3A_245 = arith.constant 0 : i32
      %dma_start3A_246 = tpu.memref_slice %arg20[%dma_start3A_245] : memref<131072xf32, #tpu.memory_space<vmem_shared>> -> memref<131072xf32, #tpu.memory_space<vmem_shared>>
      tpu.enqueue_indirect_dma source(%dma_start3A_241 : memref<128xf32, #tpu.memory_space<vmem>>) target(%dma_start3A_246 : memref<131072xf32, #tpu.memory_space<vmem_shared>>) offsets(%dma_start3A_244 : memref<128xi32, #tpu.memory_space<vmem>>) semaphore(%arg18 : memref<!tpu.dma_semaphore, #tpu.memory_space<semaphore_mem>>)
      %scan3A_247 = arith.constant 0 : i32
      scf.yield %scan3A_247 : i32
    }
    %scan3A_143 = arith.constant 64 : i32
    %scan3A_144 = arith.constant 0 : i32
    %scan3A_145 = arith.constant 0 : i32
    %scan3A_146 = arith.constant 64 : i32
    %scan3A_147 = arith.addi %scan3A_145, %scan3A_146 : i32
    %scan3A_148 = arith.constant 1 : i32
    %scan3A_149 = scf.for %scan3A_230 = %scan3A_145 to %scan3A_147 step %scan3A_148 iter_args(%scan3A_231 = %scan3A_144) -> (i32)  : i32 {
      %mul3A_232 = arith.constant 128 : i32
      %mul3A_233 = arith.muli %scan3A_230, %mul3A_232 : i32
      %dma_wait3A = tpu.memref_slice %arg8[%mul3A_233] : memref<8192xi32, #tpu.memory_space<vmem>> -> memref<128xi32, #tpu.memory_space<vmem>>
      %dma_wait3A_234 = arith.constant 0 : i32
      %dma_wait3A_235 = tpu.memref_slice %arg12[%scan3A_230, %dma_wait3A_234] : memref<64x128xi32, #tpu.memory_space<vmem>> -> memref<1x128xi32, #tpu.memory_space<vmem>>
      %dma_wait3A_236 = tpu.memref_squeeze %dma_wait3A_235 : memref<1x128xi32, #tpu.memory_space<vmem>> -> memref<128xi32, #tpu.memory_space<vmem>>
      %dma_wait3A_237 = arith.constant 0 : i32
      %dma_wait3A_238 = tpu.memref_slice %arg19[%dma_wait3A_237] : memref<131072xi32, #tpu.memory_space<vmem_shared>> -> memref<131072xi32, #tpu.memory_space<vmem_shared>>
      tpu.wait_indirect_dma semaphore(%arg18 : memref<!tpu.dma_semaphore, #tpu.memory_space<semaphore_mem>>) src(%dma_wait3A : memref<128xi32, #tpu.memory_space<vmem>>) dst(%dma_wait3A_238 : memref<131072xi32, #tpu.memory_space<vmem_shared>>)
      %mul3A_239 = arith.constant 128 : i32
      %mul3A_240 = arith.muli %scan3A_230, %mul3A_239 : i32
      %dma_wait3A_241 = tpu.memref_slice %arg9[%mul3A_240] : memref<8192xf32, #tpu.memory_space<vmem>> -> memref<128xf32, #tpu.memory_space<vmem>>
      %dma_wait3A_242 = arith.constant 0 : i32
      %dma_wait3A_243 = tpu.memref_slice %arg12[%scan3A_230, %dma_wait3A_242] : memref<64x128xi32, #tpu.memory_space<vmem>> -> memref<1x128xi32, #tpu.memory_space<vmem>>
      %dma_wait3A_244 = tpu.memref_squeeze %dma_wait3A_243 : memref<1x128xi32, #tpu.memory_space<vmem>> -> memref<128xi32, #tpu.memory_space<vmem>>
      %dma_wait3A_245 = arith.constant 0 : i32
      %dma_wait3A_246 = tpu.memref_slice %arg20[%dma_wait3A_245] : memref<131072xf32, #tpu.memory_space<vmem_shared>> -> memref<131072xf32, #tpu.memory_space<vmem_shared>>
      tpu.wait_indirect_dma semaphore(%arg18 : memref<!tpu.dma_semaphore, #tpu.memory_space<semaphore_mem>>) src(%dma_wait3A_241 : memref<128xf32, #tpu.memory_space<vmem>>) dst(%dma_wait3A_246 : memref<131072xf32, #tpu.memory_space<vmem_shared>>)
      %scan3A_247 = arith.constant 0 : i32
      scf.yield %scan3A_247 : i32
    }
    %scan3A_150 = arith.constant 64 : i32
    %barrier3A_151 = arith.constant 0 : index
    tpu.barrier barrier_id(%barrier3A_151)
    %mul3A_152 = arith.constant 8192 : i32
    %mul3A_153 = arith.muli %select_n3A_28, %mul3A_152 : i32
    %add3A_154 = arith.addi %mul3A_37, %mul3A_153 : i32
    "tpu.region"() ({
      %run_scoped3A = tpu.sem_alloc : memref<!tpu.dma_semaphore, #tpu.memory_space<semaphore_mem>>
      %dma_start3A = tpu.memref_slice %arg19[%add3A_154] : memref<131072xi32, #tpu.memory_space<vmem_shared>> -> memref<8192xi32, #tpu.memory_space<vmem_shared>>
      %dma_start3A_230 = tpu.memref_slice %arg19[%add3A_154] : memref<131072xi32, #tpu.memory_space<vmem_shared>> -> memref<8192xi32, #tpu.memory_space<vmem_shared>>
      tpu.enqueue_dma source(%dma_start3A_230 : memref<8192xi32, #tpu.memory_space<vmem_shared>>) target(%arg7 : memref<8192xi32, #tpu.memory_space<vmem>>) target_semaphore(%run_scoped3A : memref<!tpu.dma_semaphore, #tpu.memory_space<semaphore_mem>>)
      %dma_wait3A = tpu.memref_slice %arg19[%add3A_154] : memref<131072xi32, #tpu.memory_space<vmem_shared>> -> memref<8192xi32, #tpu.memory_space<vmem_shared>>
      %dma_wait3A_231 = tpu.memref_slice %arg19[%add3A_154] : memref<131072xi32, #tpu.memory_space<vmem_shared>> -> memref<8192xi32, #tpu.memory_space<vmem_shared>>
      tpu.wait_dma2 semaphore(%run_scoped3A : memref<!tpu.dma_semaphore, #tpu.memory_space<semaphore_mem>>) src(%dma_wait3A_231 : memref<8192xi32, #tpu.memory_space<vmem_shared>>) dst(%arg7 : memref<8192xi32, #tpu.memory_space<vmem>>)
      tpu.yield
    }) : () -> ()
    "tpu.region"() ({
      %run_scoped3A = tpu.sem_alloc : memref<!tpu.dma_semaphore, #tpu.memory_space<semaphore_mem>>
      %dma_start3A = tpu.memref_slice %arg20[%add3A_154] : memref<131072xf32, #tpu.memory_space<vmem_shared>> -> memref<8192xf32, #tpu.memory_space<vmem_shared>>
      %dma_start3A_230 = tpu.memref_slice %arg20[%add3A_154] : memref<131072xf32, #tpu.memory_space<vmem_shared>> -> memref<8192xf32, #tpu.memory_space<vmem_shared>>
      tpu.enqueue_dma source(%dma_start3A_230 : memref<8192xf32, #tpu.memory_space<vmem_shared>>) target(%arg6 : memref<8192xf32, #tpu.memory_space<vmem>>) target_semaphore(%run_scoped3A : memref<!tpu.dma_semaphore, #tpu.memory_space<semaphore_mem>>)
      %dma_wait3A = tpu.memref_slice %arg20[%add3A_154] : memref<131072xf32, #tpu.memory_space<vmem_shared>> -> memref<8192xf32, #tpu.memory_space<vmem_shared>>
      %dma_wait3A_231 = tpu.memref_slice %arg20[%add3A_154] : memref<131072xf32, #tpu.memory_space<vmem_shared>> -> memref<8192xf32, #tpu.memory_space<vmem_shared>>
      tpu.wait_dma2 semaphore(%run_scoped3A : memref<!tpu.dma_semaphore, #tpu.memory_space<semaphore_mem>>) src(%dma_wait3A_231 : memref<8192xf32, #tpu.memory_space<vmem_shared>>) dst(%arg6 : memref<8192xf32, #tpu.memory_space<vmem>>)
      tpu.yield
    }) : () -> ()
    %parallel_loop3A_155 = arith.constant 0 : i32
    %parallel_loop3A_156 = arith.constant 128 : i32
    %parallel_loop3A_157 = arith.constant 1 : i32
    scf.for %parallel_loop3A_230 = %parallel_loop3A_155 to %parallel_loop3A_156 step %parallel_loop3A_157  : i32 {
      %parallel_loop3A_231 = arith.constant 0 : i32
      %parallel_loop3A_232 = vector.broadcast %parallel_loop3A_231 : i32 to vector<16xi32>
      %parallel_loop3A_233 = arith.constant 16 : i32
      %parallel_loop3A_234 = arith.muli %parallel_loop3A_230, %parallel_loop3A_233 : i32
      %parallel_loop3A_235 = arith.index_cast %parallel_loop3A_234 : i32 to index
      %parallel_loop3A_236 = tpu.vector_load %arg13[%parallel_loop3A_235] {strides = array<i32>} : memref<2048xi32, #tpu.memory_space<vmem>>, vector<16xi32>,
      tpu.vector_store %arg13[%parallel_loop3A_235], %parallel_loop3A_232 {strides = array<i32>} : memref<2048xi32, #tpu.memory_space<vmem>>, vector<16xi32>,
    } {sc.loop_unroll_factor = 1 : i64, sc.parallel_access}
    %parallel_loop3A_158 = arith.constant 0 : i32
    %parallel_loop3A_159 = arith.constant 512 : i32
    %parallel_loop3A_160 = arith.constant 1 : i32
    %parallel_loop3A_161 = arith.constant 1023 : i32
    scf.for %parallel_loop3A_230 = %parallel_loop3A_158 to %parallel_loop3A_159 step %parallel_loop3A_160  : i32 {
      %parallel_loop3A_231 = arith.constant 16 : i32
      %parallel_loop3A_232 = arith.muli %parallel_loop3A_230, %parallel_loop3A_231 : i32
      %parallel_loop3A_233 = arith.index_cast %parallel_loop3A_232 : i32 to index
      %parallel_loop3A_234 = tpu.vector_load %arg7[%parallel_loop3A_233] {strides = array<i32>} : memref<8192xi32, #tpu.memory_space<vmem>>, vector<16xi32>,
      %parallel_loop3A_235 = vector.bitcast %parallel_loop3A_234 : vector<16xi32> to vector<16xi32>
      %parallel_loop3A_236 = arith.constant 22 : i32
      %parallel_loop3A_237 = vector.broadcast %parallel_loop3A_236 : i32 to vector<16xi32>
      %parallel_loop3A_238 = arith.shrui %parallel_loop3A_235, %parallel_loop3A_237 : vector<16xi32>
      %parallel_loop3A_239 = vector.broadcast %parallel_loop3A_161 : i32 to vector<16xi32>
      %parallel_loop3A_240 = arith.andi %parallel_loop3A_238, %parallel_loop3A_239 : vector<16xi32>
      %parallel_loop3A_241 = arith.constant true
      %parallel_loop3A_242 = vector.broadcast %parallel_loop3A_241 : i1 to vector<16xi1>
      %parallel_loop3A_243, %parallel_loop3A_244 = tpu.scan_count mask(%parallel_loop3A_242 : vector<16xi1>) value(%parallel_loop3A_240 : vector<16xi32>) : vector<16xi1>, vector<16xi32>
      %parallel_loop3A_245 = vector.broadcast %reduce_min3A_56 : i32 to vector<16xi32>
      %parallel_loop3A_246 = arith.subi %parallel_loop3A_244, %parallel_loop3A_245 : vector<16xi32>
      %parallel_loop3A_247 = arith.constant 11 : i32
      %parallel_loop3A_248 = vector.broadcast %parallel_loop3A_247 : i32 to vector<16xi32>
      %parallel_loop3A_249 = arith.shli %parallel_loop3A_246, %parallel_loop3A_248 : vector<16xi32>
      %parallel_loop3A_250 = arith.addi %parallel_loop3A_240, %parallel_loop3A_249 : vector<16xi32>
      %parallel_loop3A_251 = arith.constant 32768 : i32
      %parallel_loop3A_252 = arith.constant 0 : i32
      %parallel_loop3A_253 = vector.broadcast %parallel_loop3A_251 : i32 to vector<16xi32>
      %parallel_loop3A_254 = vector.broadcast %parallel_loop3A_252 : i32 to vector<16xi32>
      %parallel_loop3A_255 = arith.select %parallel_loop3A_243, %parallel_loop3A_253, %parallel_loop3A_254 : vector<16xi1>, vector<16xi32>
      %parallel_loop3A_256 = arith.addi %parallel_loop3A_250, %parallel_loop3A_255 : vector<16xi32>
      %parallel_loop3A_257 = arith.constant 16 : i32
      %parallel_loop3A_258 = arith.muli %parallel_loop3A_230, %parallel_loop3A_257 : i32
      %parallel_loop3A_259 = arith.index_cast %parallel_loop3A_258 : i32 to index
      %parallel_loop3A_260 = tpu.vector_load %arg11[%parallel_loop3A_259] {strides = array<i32>} : memref<8192xi32, #tpu.memory_space<vmem>>, vector<16xi32>,
      tpu.vector_store %arg11[%parallel_loop3A_259], %parallel_loop3A_256 {strides = array<i32>} : memref<8192xi32, #tpu.memory_space<vmem>>, vector<16xi32>,
      %parallel_loop3A_261 = arith.constant 1 : i32
      %parallel_loop3A_262 = vector.broadcast %parallel_loop3A_261 : i32 to vector<16xi32>
      %parallel_loop3A_263 = arith.addi %parallel_loop3A_246, %parallel_loop3A_262 : vector<16xi32>
      tpu.vector_store_idx %arg13[%parallel_loop3A_240], %parallel_loop3A_263 masked %parallel_loop3A_243 {add = true} : memref<2048xi32, #tpu.memory_space<vmem>>[vector<16xi32>], vector<16xi32>, vector<16xi1>
    } {sc.loop_unroll_factor = 1 : i64, sc.parallel_access}
    %mul3A_162 = arith.constant 2048 : i32
    %mul3A_163 = arith.muli %add3A_40, %mul3A_162 : i32
    "tpu.region"() ({
      %run_scoped3A = tpu.sem_alloc : memref<!tpu.dma_semaphore, #tpu.memory_space<semaphore_mem>>
      %dma_start3A = tpu.memref_slice %arg21[%mul3A_163] : memref<32768xi32, #tpu.memory_space<vmem_shared>> -> memref<2048xi32, #tpu.memory_space<vmem_shared>>
      %dma_start3A_230 = tpu.memref_slice %arg21[%mul3A_163] : memref<32768xi32, #tpu.memory_space<vmem_shared>> -> memref<2048xi32, #tpu.memory_space<vmem_shared>>
      tpu.enqueue_dma source(%arg13 : memref<2048xi32, #tpu.memory_space<vmem>>) target(%dma_start3A_230 : memref<2048xi32, #tpu.memory_space<vmem_shared>>) target_semaphore(%run_scoped3A : memref<!tpu.dma_semaphore, #tpu.memory_space<semaphore_mem>>)
      %dma_wait3A = tpu.memref_slice %arg21[%mul3A_163] : memref<32768xi32, #tpu.memory_space<vmem_shared>> -> memref<2048xi32, #tpu.memory_space<vmem_shared>>
      %dma_wait3A_231 = tpu.memref_slice %arg21[%mul3A_163] : memref<32768xi32, #tpu.memory_space<vmem_shared>> -> memref<2048xi32, #tpu.memory_space<vmem_shared>>
      tpu.wait_dma2 semaphore(%run_scoped3A : memref<!tpu.dma_semaphore, #tpu.memory_space<semaphore_mem>>) src(%arg13 : memref<2048xi32, #tpu.memory_space<vmem>>) dst(%dma_wait3A_231 : memref<2048xi32, #tpu.memory_space<vmem_shared>>)
      tpu.yield
    }) : () -> ()
    %barrier3A_164 = arith.constant 0 : index
    tpu.barrier barrier_id(%barrier3A_164)
    %mul3A_165 = arith.constant 2048 : i32
    %mul3A_166 = arith.muli %add3A_45, %mul3A_165 : i32
    "tpu.region"() ({
      %run_scoped3A = tpu.sem_alloc : memref<!tpu.dma_semaphore, #tpu.memory_space<semaphore_mem>>
      %dma_start3A = tpu.memref_slice %arg21[%mul3A_166] : memref<32768xi32, #tpu.memory_space<vmem_shared>> -> memref<2048xi32, #tpu.memory_space<vmem_shared>>
      %dma_start3A_230 = tpu.memref_slice %arg21[%mul3A_166] : memref<32768xi32, #tpu.memory_space<vmem_shared>> -> memref<2048xi32, #tpu.memory_space<vmem_shared>>
      tpu.enqueue_dma source(%dma_start3A_230 : memref<2048xi32, #tpu.memory_space<vmem_shared>>) target(%arg14 : memref<2048xi32, #tpu.memory_space<vmem>>) target_semaphore(%run_scoped3A : memref<!tpu.dma_semaphore, #tpu.memory_space<semaphore_mem>>)
      %dma_wait3A = tpu.memref_slice %arg21[%mul3A_166] : memref<32768xi32, #tpu.memory_space<vmem_shared>> -> memref<2048xi32, #tpu.memory_space<vmem_shared>>
      %dma_wait3A_231 = tpu.memref_slice %arg21[%mul3A_166] : memref<32768xi32, #tpu.memory_space<vmem_shared>> -> memref<2048xi32, #tpu.memory_space<vmem_shared>>
      tpu.wait_dma2 semaphore(%run_scoped3A : memref<!tpu.dma_semaphore, #tpu.memory_space<semaphore_mem>>) src(%dma_wait3A_231 : memref<2048xi32, #tpu.memory_space<vmem_shared>>) dst(%arg14 : memref<2048xi32, #tpu.memory_space<vmem>>)
      tpu.yield
    }) : () -> ()
    %scan3A_167 = arith.constant 0 : i32
    %scan3A_168 = arith.constant 128 : i32
    %scan3A_169 = arith.addi %scan3A_167, %scan3A_168 : i32
    %scan3A_170 = arith.constant 4 : i32
    %scan3A_171 = scf.for %scan3A_230 = %scan3A_167 to %scan3A_169 step %scan3A_170 iter_args(%scan3A_231 = %mul3A_37) -> (i32)  : i32 {
      %mul3A_232 = arith.constant 16 : i32
      %mul3A_233 = arith.muli %scan3A_230, %mul3A_232 : i32
      %get3A_234 = arith.index_cast %mul3A_233 : i32 to index
      %get3A_235 = tpu.vector_load %arg13[%get3A_234] {strides = array<i32>} : memref<2048xi32, #tpu.memory_space<vmem>>, vector<16xi32>,
      %mul3A_236 = arith.constant 16 : i32
      %mul3A_237 = arith.muli %scan3A_230, %mul3A_236 : i32
      %get3A_238 = arith.index_cast %mul3A_237 : i32 to index
      %get3A_239 = tpu.vector_load %arg14[%get3A_238] {strides = array<i32>} : memref<2048xi32, #tpu.memory_space<vmem>>, vector<16xi32>,
      %add3A_240 = arith.addi %get3A_235, %get3A_239 : vector<16xi32>
      %broadcast_in_dim3A_241 = arith.constant true
      %broadcast_in_dim3A_242 = vector.broadcast %broadcast_in_dim3A_241 : i1 to vector<16xi1>
      %masked_cumsum3A = tpu.scan <sum>, %add3A_240 masked %broadcast_in_dim3A_242 : vector<16xi32>, vector<16xi1> -> vector<16xi32>
      %sub3A_243 = arith.subi %masked_cumsum3A, %add3A_240 : vector<16xi32>
      %add3A_244 = vector.broadcast %scan3A_231 : i32 to vector<16xi32>
      %add3A_245 = arith.addi %sub3A_243, %add3A_244 : vector<16xi32>
      %mul3A_246 = vector.broadcast %select_n3A_28 : i32 to vector<16xi32>
      %mul3A_247 = arith.muli %get3A_239, %mul3A_246 : vector<16xi32>
      %add3A_248 = arith.addi %add3A_245, %mul3A_247 : vector<16xi32>
      %mul3A_249 = arith.constant 16 : i32
      %mul3A_250 = arith.muli %scan3A_230, %mul3A_249 : i32
      %swap3A_251 = arith.index_cast %mul3A_250 : i32 to index
      %swap3A_252 = tpu.vector_load %arg13[%swap3A_251] {strides = array<i32>} : memref<2048xi32, #tpu.memory_space<vmem>>, vector<16xi32>,
      tpu.vector_store %arg13[%swap3A_251], %add3A_248 {strides = array<i32>} : memref<2048xi32, #tpu.memory_space<vmem>>, vector<16xi32>,
      %reduce_sum3A = arith.constant true
      %reduce_sum3A_253 = vector.broadcast %reduce_sum3A : i1 to vector<16xi1>
      %reduce_sum3A_254 = tpu.scan <sum>, %add3A_240 masked %reduce_sum3A_253 : vector<16xi32>, vector<16xi1> -> vector<16xi32>
      %reduce_sum3A_255 = vector.extract %reduce_sum3A_254[15] : i32 from vector<16xi32>
      %add3A_256 = arith.addi %scan3A_231, %reduce_sum3A_255 : i32
      %scan3A_257 = arith.constant 1 : i32
      %scan3A_258 = arith.addi %scan3A_230, %scan3A_257 : i32
      %mul3A_259 = arith.constant 16 : i32
      %mul3A_260 = arith.muli %scan3A_258, %mul3A_259 : i32
      %get3A_261 = arith.index_cast %mul3A_260 : i32 to index
      %get3A_262 = tpu.vector_load %arg13[%get3A_261] {strides = array<i32>} : memref<2048xi32, #tpu.memory_space<vmem>>, vector<16xi32>,
      %mul3A_263 = arith.constant 16 : i32
      %mul3A_264 = arith.muli %scan3A_258, %mul3A_263 : i32
      %get3A_265 = arith.index_cast %mul3A_264 : i32 to index
      %get3A_266 = tpu.vector_load %arg14[%get3A_265] {strides = array<i32>} : memref<2048xi32, #tpu.memory_space<vmem>>, vector<16xi32>,
      %add3A_267 = arith.addi %get3A_262, %get3A_266 : vector<16xi32>
      %broadcast_in_dim3A_268 = arith.constant true
      %broadcast_in_dim3A_269 = vector.broadcast %broadcast_in_dim3A_268 : i1 to vector<16xi1>
      %masked_cumsum3A_270 = tpu.scan <sum>, %add3A_267 masked %broadcast_in_dim3A_269 : vector<16xi32>, vector<16xi1> -> vector<16xi32>
      %sub3A_271 = arith.subi %masked_cumsum3A_270, %add3A_267 : vector<16xi32>
      %add3A_272 = vector.broadcast %add3A_256 : i32 to vector<16xi32>
      %add3A_273 = arith.addi %sub3A_271, %add3A_272 : vector<16xi32>
      %mul3A_274 = vector.broadcast %select_n3A_28 : i32 to vector<16xi32>
      %mul3A_275 = arith.muli %get3A_266, %mul3A_274 : vector<16xi32>
      %add3A_276 = arith.addi %add3A_273, %mul3A_275 : vector<16xi32>
      %mul3A_277 = arith.constant 16 : i32
      %mul3A_278 = arith.muli %scan3A_258, %mul3A_277 : i32
      %swap3A_279 = arith.index_cast %mul3A_278 : i32 to index
      %swap3A_280 = tpu.vector_load %arg13[%swap3A_279] {strides = array<i32>} : memref<2048xi32, #tpu.memory_space<vmem>>, vector<16xi32>,
      tpu.vector_store %arg13[%swap3A_279], %add3A_276 {strides = array<i32>} : memref<2048xi32, #tpu.memory_space<vmem>>, vector<16xi32>,
      %reduce_sum3A_281 = arith.constant true
      %reduce_sum3A_282 = vector.broadcast %reduce_sum3A_281 : i1 to vector<16xi1>
      %reduce_sum3A_283 = tpu.scan <sum>, %add3A_267 masked %reduce_sum3A_282 : vector<16xi32>, vector<16xi1> -> vector<16xi32>
      %reduce_sum3A_284 = vector.extract %reduce_sum3A_283[15] : i32 from vector<16xi32>
      %add3A_285 = arith.addi %add3A_256, %reduce_sum3A_284 : i32
      %scan3A_286 = arith.constant 2 : i32
      %scan3A_287 = arith.addi %scan3A_230, %scan3A_286 : i32
      %mul3A_288 = arith.constant 16 : i32
      %mul3A_289 = arith.muli %scan3A_287, %mul3A_288 : i32
      %get3A_290 = arith.index_cast %mul3A_289 : i32 to index
      %get3A_291 = tpu.vector_load %arg13[%get3A_290] {strides = array<i32>} : memref<2048xi32, #tpu.memory_space<vmem>>, vector<16xi32>,
      %mul3A_292 = arith.constant 16 : i32
      %mul3A_293 = arith.muli %scan3A_287, %mul3A_292 : i32
      %get3A_294 = arith.index_cast %mul3A_293 : i32 to index
      %get3A_295 = tpu.vector_load %arg14[%get3A_294] {strides = array<i32>} : memref<2048xi32, #tpu.memory_space<vmem>>, vector<16xi32>,
      %add3A_296 = arith.addi %get3A_291, %get3A_295 : vector<16xi32>
      %broadcast_in_dim3A_297 = arith.constant true
      %broadcast_in_dim3A_298 = vector.broadcast %broadcast_in_dim3A_297 : i1 to vector<16xi1>
      %masked_cumsum3A_299 = tpu.scan <sum>, %add3A_296 masked %broadcast_in_dim3A_298 : vector<16xi32>, vector<16xi1> -> vector<16xi32>
      %sub3A_300 = arith.subi %masked_cumsum3A_299, %add3A_296 : vector<16xi32>
      %add3A_301 = vector.broadcast %add3A_285 : i32 to vector<16xi32>
      %add3A_302 = arith.addi %sub3A_300, %add3A_301 : vector<16xi32>
      %mul3A_303 = vector.broadcast %select_n3A_28 : i32 to vector<16xi32>
      %mul3A_304 = arith.muli %get3A_295, %mul3A_303 : vector<16xi32>
      %add3A_305 = arith.addi %add3A_302, %mul3A_304 : vector<16xi32>
      %mul3A_306 = arith.constant 16 : i32
      %mul3A_307 = arith.muli %scan3A_287, %mul3A_306 : i32
      %swap3A_308 = arith.index_cast %mul3A_307 : i32 to index
      %swap3A_309 = tpu.vector_load %arg13[%swap3A_308] {strides = array<i32>} : memref<2048xi32, #tpu.memory_space<vmem>>, vector<16xi32>,
      tpu.vector_store %arg13[%swap3A_308], %add3A_305 {strides = array<i32>} : memref<2048xi32, #tpu.memory_space<vmem>>, vector<16xi32>,
      %reduce_sum3A_310 = arith.constant true
      %reduce_sum3A_311 = vector.broadcast %reduce_sum3A_310 : i1 to vector<16xi1>
      %reduce_sum3A_312 = tpu.scan <sum>, %add3A_296 masked %reduce_sum3A_311 : vector<16xi32>, vector<16xi1> -> vector<16xi32>
      %reduce_sum3A_313 = vector.extract %reduce_sum3A_312[15] : i32 from vector<16xi32>
      %add3A_314 = arith.addi %add3A_285, %reduce_sum3A_313 : i32
      %scan3A_315 = arith.constant 3 : i32
      %scan3A_316 = arith.addi %scan3A_230, %scan3A_315 : i32
      %mul3A_317 = arith.constant 16 : i32
      %mul3A_318 = arith.muli %scan3A_316, %mul3A_317 : i32
      %get3A_319 = arith.index_cast %mul3A_318 : i32 to index
      %get3A_320 = tpu.vector_load %arg13[%get3A_319] {strides = array<i32>} : memref<2048xi32, #tpu.memory_space<vmem>>, vector<16xi32>,
      %mul3A_321 = arith.constant 16 : i32
      %mul3A_322 = arith.muli %scan3A_316, %mul3A_321 : i32
      %get3A_323 = arith.index_cast %mul3A_322 : i32 to index
      %get3A_324 = tpu.vector_load %arg14[%get3A_323] {strides = array<i32>} : memref<2048xi32, #tpu.memory_space<vmem>>, vector<16xi32>,
      %add3A_325 = arith.addi %get3A_320, %get3A_324 : vector<16xi32>
      %broadcast_in_dim3A_326 = arith.constant true
      %broadcast_in_dim3A_327 = vector.broadcast %broadcast_in_dim3A_326 : i1 to vector<16xi1>
      %masked_cumsum3A_328 = tpu.scan <sum>, %add3A_325 masked %broadcast_in_dim3A_327 : vector<16xi32>, vector<16xi1> -> vector<16xi32>
      %sub3A_329 = arith.subi %masked_cumsum3A_328, %add3A_325 : vector<16xi32>
      %add3A_330 = vector.broadcast %add3A_314 : i32 to vector<16xi32>
      %add3A_331 = arith.addi %sub3A_329, %add3A_330 : vector<16xi32>
      %mul3A_332 = vector.broadcast %select_n3A_28 : i32 to vector<16xi32>
      %mul3A_333 = arith.muli %get3A_324, %mul3A_332 : vector<16xi32>
      %add3A_334 = arith.addi %add3A_331, %mul3A_333 : vector<16xi32>
      %mul3A_335 = arith.constant 16 : i32
      %mul3A_336 = arith.muli %scan3A_316, %mul3A_335 : i32
      %swap3A_337 = arith.index_cast %mul3A_336 : i32 to index
      %swap3A_338 = tpu.vector_load %arg13[%swap3A_337] {strides = array<i32>} : memref<2048xi32, #tpu.memory_space<vmem>>, vector<16xi32>,
      tpu.vector_store %arg13[%swap3A_337], %add3A_334 {strides = array<i32>} : memref<2048xi32, #tpu.memory_space<vmem>>, vector<16xi32>,
      %reduce_sum3A_339 = arith.constant true
      %reduce_sum3A_340 = vector.broadcast %reduce_sum3A_339 : i1 to vector<16xi1>
      %reduce_sum3A_341 = tpu.scan <sum>, %add3A_325 masked %reduce_sum3A_340 : vector<16xi32>, vector<16xi1> -> vector<16xi32>
      %reduce_sum3A_342 = vector.extract %reduce_sum3A_341[15] : i32 from vector<16xi32>
      %add3A_343 = arith.addi %add3A_314, %reduce_sum3A_342 : i32
      scf.yield %add3A_343 : i32
    }
    %scan3A_172 = arith.constant 128 : i32
    %parallel_loop3A_173 = arith.constant 0 : i32
    %parallel_loop3A_174 = arith.constant 512 : i32
    %parallel_loop3A_175 = arith.constant 1 : i32
    scf.for %parallel_loop3A_230 = %parallel_loop3A_173 to %parallel_loop3A_174 step %parallel_loop3A_175  : i32 {
      %parallel_loop3A_231 = arith.constant 16 : i32
      %parallel_loop3A_232 = arith.muli %parallel_loop3A_230, %parallel_loop3A_231 : i32
      %parallel_loop3A_233 = arith.index_cast %parallel_loop3A_232 : i32 to index
      %parallel_loop3A_234 = tpu.vector_load %arg6[%parallel_loop3A_233] {strides = array<i32>} : memref<8192xf32, #tpu.memory_space<vmem>>, vector<16xf32>,
      %parallel_loop3A_235 = vector.broadcast %max3A : f32 to vector<16xf32>
      %parallel_loop3A_236 = arith.subf %parallel_loop3A_234, %parallel_loop3A_235 : vector<16xf32>
      %parallel_loop3A_237 = math.exp %parallel_loop3A_236 : vector<16xf32>
      %parallel_loop3A_238 = arith.constant 16 : i32
      %parallel_loop3A_239 = arith.muli %parallel_loop3A_230, %parallel_loop3A_238 : i32
      %parallel_loop3A_240 = arith.index_cast %parallel_loop3A_239 : i32 to index
      %parallel_loop3A_241 = tpu.vector_load %arg10[%parallel_loop3A_240] {strides = array<i32>} : memref<8192xf32, #tpu.memory_space<vmem>>, vector<16xf32>,
      tpu.vector_store %arg10[%parallel_loop3A_240], %parallel_loop3A_237 {strides = array<i32>} : memref<8192xf32, #tpu.memory_space<vmem>>, vector<16xf32>,
    } {sc.loop_unroll_factor = 1 : i64, sc.parallel_access}
    %scan3A_176 = arith.constant 0 : i32
    %scan3A_177 = arith.constant 0 : i32
    %scan3A_178 = arith.constant 512 : i32
    %scan3A_179 = arith.addi %scan3A_177, %scan3A_178 : i32
    %scan3A_180 = arith.constant 4 : i32
    %scan3A_181 = scf.for %scan3A_230 = %scan3A_177 to %scan3A_179 step %scan3A_180 iter_args(%scan3A_231 = %scan3A_176) -> (i32)  : i32 {
      %mul3A_232 = arith.constant 16 : i32
      %mul3A_233 = arith.muli %scan3A_230, %mul3A_232 : i32
      %get3A_234 = arith.index_cast %mul3A_233 : i32 to index
      %get3A_235 = tpu.vector_load %arg11[%get3A_234] {strides = array<i32>} : memref<8192xi32, #tpu.memory_space<vmem>>, vector<16xi32>,
      %and3A_236 = arith.constant 2047 : i32
      %and3A_237 = vector.broadcast %and3A_236 : i32 to vector<16xi32>
      %and3A_238 = arith.andi %get3A_235, %and3A_237 : vector<16xi32>
      %shift_right_arithmetic3A = arith.constant 11 : i32
      %shift_right_arithmetic3A_239 = vector.broadcast %shift_right_arithmetic3A : i32 to vector<16xi32>
      %shift_right_arithmetic3A_240 = arith.shrsi %get3A_235, %shift_right_arithmetic3A_239 : vector<16xi32>
      %and3A_241 = arith.constant 15 : i32
      %and3A_242 = vector.broadcast %and3A_241 : i32 to vector<16xi32>
      %and3A_243 = arith.andi %shift_right_arithmetic3A_240, %and3A_242 : vector<16xi32>
      %gt3A = arith.constant 32767 : i32
      %gt3A_244 = vector.broadcast %gt3A : i32 to vector<16xi32>
      %gt3A_245 = arith.cmpi sgt, %get3A_235, %gt3A_244 : vector<16xi32>
      %gather3A = tpu.vector_load_idx %arg13[%and3A_238] : memref<2048xi32, #tpu.memory_space<vmem>>[vector<16xi32>], vector<16xi32>,
      %add3A_246 = arith.addi %gather3A, %and3A_243 : vector<16xi32>
      %shift_right_arithmetic3A_247 = arith.constant 3 : i32
      %shift_right_arithmetic3A_248 = arith.shrsi %scan3A_230, %shift_right_arithmetic3A_247 : i32
      %and3A_249 = arith.constant 7 : i32
      %and3A_250 = arith.andi %scan3A_230, %and3A_249 : i32
      %mul3A_251 = arith.constant 16 : i32
      %mul3A_252 = arith.muli %and3A_250, %mul3A_251 : i32
      %swap3A_253 = arith.index_cast %shift_right_arithmetic3A_248 : i32 to index
      %swap3A_254 = arith.index_cast %mul3A_252 : i32 to index
      %swap3A_255 = tpu.vector_load %arg12[%swap3A_253, %swap3A_254] {strides = array<i32>} : memref<64x128xi32, #tpu.memory_space<vmem>>, vector<16xi32>,
      tpu.vector_store %arg12[%swap3A_253, %swap3A_254], %add3A_246 {strides = array<i32>} : memref<64x128xi32, #tpu.memory_space<vmem>>, vector<16xi32>,
      %add3A_256 = arith.constant 1 : i32
      %add3A_257 = vector.broadcast %add3A_256 : i32 to vector<16xi32>
      %add3A_258 = arith.addi %and3A_243, %add3A_257 : vector<16xi32>
      tpu.vector_store_idx %arg13[%and3A_238], %add3A_258 masked %gt3A_245 {add = true} : memref<2048xi32, #tpu.memory_space<vmem>>[vector<16xi32>], vector<16xi32>, vector<16xi1>
      %scan3A_259 = arith.constant 0 : i32
      %scan3A_260 = arith.constant 1 : i32
      %scan3A_261 = arith.addi %scan3A_230, %scan3A_260 : i32
      %mul3A_262 = arith.constant 16 : i32
      %mul3A_263 = arith.muli %scan3A_261, %mul3A_262 : i32
      %get3A_264 = arith.index_cast %mul3A_263 : i32 to index
      %get3A_265 = tpu.vector_load %arg11[%get3A_264] {strides = array<i32>} : memref<8192xi32, #tpu.memory_space<vmem>>, vector<16xi32>,
      %and3A_266 = arith.constant 2047 : i32
      %and3A_267 = vector.broadcast %and3A_266 : i32 to vector<16xi32>
      %and3A_268 = arith.andi %get3A_265, %and3A_267 : vector<16xi32>
      %shift_right_arithmetic3A_269 = arith.constant 11 : i32
      %shift_right_arithmetic3A_270 = vector.broadcast %shift_right_arithmetic3A_269 : i32 to vector<16xi32>
      %shift_right_arithmetic3A_271 = arith.shrsi %get3A_265, %shift_right_arithmetic3A_270 : vector<16xi32>
      %and3A_272 = arith.constant 15 : i32
      %and3A_273 = vector.broadcast %and3A_272 : i32 to vector<16xi32>
      %and3A_274 = arith.andi %shift_right_arithmetic3A_271, %and3A_273 : vector<16xi32>
      %gt3A_275 = arith.constant 32767 : i32
      %gt3A_276 = vector.broadcast %gt3A_275 : i32 to vector<16xi32>
      %gt3A_277 = arith.cmpi sgt, %get3A_265, %gt3A_276 : vector<16xi32>
      %gather3A_278 = tpu.vector_load_idx %arg13[%and3A_268] : memref<2048xi32, #tpu.memory_space<vmem>>[vector<16xi32>], vector<16xi32>,
      %add3A_279 = arith.addi %gather3A_278, %and3A_274 : vector<16xi32>
      %shift_right_arithmetic3A_280 = arith.constant 3 : i32
      %shift_right_arithmetic3A_281 = arith.shrsi %scan3A_261, %shift_right_arithmetic3A_280 : i32
      %and3A_282 = arith.constant 7 : i32
      %and3A_283 = arith.andi %scan3A_261, %and3A_282 : i32
      %mul3A_284 = arith.constant 16 : i32
      %mul3A_285 = arith.muli %and3A_283, %mul3A_284 : i32
      %swap3A_286 = arith.index_cast %shift_right_arithmetic3A_281 : i32 to index
      %swap3A_287 = arith.index_cast %mul3A_285 : i32 to index
      %swap3A_288 = tpu.vector_load %arg12[%swap3A_286, %swap3A_287] {strides = array<i32>} : memref<64x128xi32, #tpu.memory_space<vmem>>, vector<16xi32>,
      tpu.vector_store %arg12[%swap3A_286, %swap3A_287], %add3A_279 {strides = array<i32>} : memref<64x128xi32, #tpu.memory_space<vmem>>, vector<16xi32>,
      %add3A_289 = arith.constant 1 : i32
      %add3A_290 = vector.broadcast %add3A_289 : i32 to vector<16xi32>
      %add3A_291 = arith.addi %and3A_274, %add3A_290 : vector<16xi32>
      tpu.vector_store_idx %arg13[%and3A_268], %add3A_291 masked %gt3A_277 {add = true} : memref<2048xi32, #tpu.memory_space<vmem>>[vector<16xi32>], vector<16xi32>, vector<16xi1>
      %scan3A_292 = arith.constant 0 : i32
      %scan3A_293 = arith.constant 2 : i32
      %scan3A_294 = arith.addi %scan3A_230, %scan3A_293 : i32
      %mul3A_295 = arith.constant 16 : i32
      %mul3A_296 = arith.muli %scan3A_294, %mul3A_295 : i32
      %get3A_297 = arith.index_cast %mul3A_296 : i32 to index
      %get3A_298 = tpu.vector_load %arg11[%get3A_297] {strides = array<i32>} : memref<8192xi32, #tpu.memory_space<vmem>>, vector<16xi32>,
      %and3A_299 = arith.constant 2047 : i32
      %and3A_300 = vector.broadcast %and3A_299 : i32 to vector<16xi32>
      %and3A_301 = arith.andi %get3A_298, %and3A_300 : vector<16xi32>
      %shift_right_arithmetic3A_302 = arith.constant 11 : i32
      %shift_right_arithmetic3A_303 = vector.broadcast %shift_right_arithmetic3A_302 : i32 to vector<16xi32>
      %shift_right_arithmetic3A_304 = arith.shrsi %get3A_298, %shift_right_arithmetic3A_303 : vector<16xi32>
      %and3A_305 = arith.constant 15 : i32
      %and3A_306 = vector.broadcast %and3A_305 : i32 to vector<16xi32>
      %and3A_307 = arith.andi %shift_right_arithmetic3A_304, %and3A_306 : vector<16xi32>
      %gt3A_308 = arith.constant 32767 : i32
      %gt3A_309 = vector.broadcast %gt3A_308 : i32 to vector<16xi32>
      %gt3A_310 = arith.cmpi sgt, %get3A_298, %gt3A_309 : vector<16xi32>
      %gather3A_311 = tpu.vector_load_idx %arg13[%and3A_301] : memref<2048xi32, #tpu.memory_space<vmem>>[vector<16xi32>], vector<16xi32>,
      %add3A_312 = arith.addi %gather3A_311, %and3A_307 : vector<16xi32>
      %shift_right_arithmetic3A_313 = arith.constant 3 : i32
      %shift_right_arithmetic3A_314 = arith.shrsi %scan3A_294, %shift_right_arithmetic3A_313 : i32
      %and3A_315 = arith.constant 7 : i32
      %and3A_316 = arith.andi %scan3A_294, %and3A_315 : i32
      %mul3A_317 = arith.constant 16 : i32
      %mul3A_318 = arith.muli %and3A_316, %mul3A_317 : i32
      %swap3A_319 = arith.index_cast %shift_right_arithmetic3A_314 : i32 to index
      %swap3A_320 = arith.index_cast %mul3A_318 : i32 to index
      %swap3A_321 = tpu.vector_load %arg12[%swap3A_319, %swap3A_320] {strides = array<i32>} : memref<64x128xi32, #tpu.memory_space<vmem>>, vector<16xi32>,
      tpu.vector_store %arg12[%swap3A_319, %swap3A_320], %add3A_312 {strides = array<i32>} : memref<64x128xi32, #tpu.memory_space<vmem>>, vector<16xi32>,
      %add3A_322 = arith.constant 1 : i32
      %add3A_323 = vector.broadcast %add3A_322 : i32 to vector<16xi32>
      %add3A_324 = arith.addi %and3A_307, %add3A_323 : vector<16xi32>
      tpu.vector_store_idx %arg13[%and3A_301], %add3A_324 masked %gt3A_310 {add = true} : memref<2048xi32, #tpu.memory_space<vmem>>[vector<16xi32>], vector<16xi32>, vector<16xi1>
      %scan3A_325 = arith.constant 0 : i32
      %scan3A_326 = arith.constant 3 : i32
      %scan3A_327 = arith.addi %scan3A_230, %scan3A_326 : i32
      %mul3A_328 = arith.constant 16 : i32
      %mul3A_329 = arith.muli %scan3A_327, %mul3A_328 : i32
      %get3A_330 = arith.index_cast %mul3A_329 : i32 to index
      %get3A_331 = tpu.vector_load %arg11[%get3A_330] {strides = array<i32>} : memref<8192xi32, #tpu.memory_space<vmem>>, vector<16xi32>,
      %and3A_332 = arith.constant 2047 : i32
      %and3A_333 = vector.broadcast %and3A_332 : i32 to vector<16xi32>
      %and3A_334 = arith.andi %get3A_331, %and3A_333 : vector<16xi32>
      %shift_right_arithmetic3A_335 = arith.constant 11 : i32
      %shift_right_arithmetic3A_336 = vector.broadcast %shift_right_arithmetic3A_335 : i32 to vector<16xi32>
      %shift_right_arithmetic3A_337 = arith.shrsi %get3A_331, %shift_right_arithmetic3A_336 : vector<16xi32>
      %and3A_338 = arith.constant 15 : i32
      %and3A_339 = vector.broadcast %and3A_338 : i32 to vector<16xi32>
      %and3A_340 = arith.andi %shift_right_arithmetic3A_337, %and3A_339 : vector<16xi32>
      %gt3A_341 = arith.constant 32767 : i32
      %gt3A_342 = vector.broadcast %gt3A_341 : i32 to vector<16xi32>
      %gt3A_343 = arith.cmpi sgt, %get3A_331, %gt3A_342 : vector<16xi32>
      %gather3A_344 = tpu.vector_load_idx %arg13[%and3A_334] : memref<2048xi32, #tpu.memory_space<vmem>>[vector<16xi32>], vector<16xi32>,
      %add3A_345 = arith.addi %gather3A_344, %and3A_340 : vector<16xi32>
      %shift_right_arithmetic3A_346 = arith.constant 3 : i32
      %shift_right_arithmetic3A_347 = arith.shrsi %scan3A_327, %shift_right_arithmetic3A_346 : i32
      %and3A_348 = arith.constant 7 : i32
      %and3A_349 = arith.andi %scan3A_327, %and3A_348 : i32
      %mul3A_350 = arith.constant 16 : i32
      %mul3A_351 = arith.muli %and3A_349, %mul3A_350 : i32
      %swap3A_352 = arith.index_cast %shift_right_arithmetic3A_347 : i32 to index
      %swap3A_353 = arith.index_cast %mul3A_351 : i32 to index
      %swap3A_354 = tpu.vector_load %arg12[%swap3A_352, %swap3A_353] {strides = array<i32>} : memref<64x128xi32, #tpu.memory_space<vmem>>, vector<16xi32>,
      tpu.vector_store %arg12[%swap3A_352, %swap3A_353], %add3A_345 {strides = array<i32>} : memref<64x128xi32, #tpu.memory_space<vmem>>, vector<16xi32>,
      %add3A_355 = arith.constant 1 : i32
      %add3A_356 = vector.broadcast %add3A_355 : i32 to vector<16xi32>
      %add3A_357 = arith.addi %and3A_340, %add3A_356 : vector<16xi32>
      tpu.vector_store_idx %arg13[%and3A_334], %add3A_357 masked %gt3A_343 {add = true} : memref<2048xi32, #tpu.memory_space<vmem>>[vector<16xi32>], vector<16xi32>, vector<16xi1>
      %scan3A_358 = arith.constant 0 : i32
      scf.yield %scan3A_358 : i32
    }
    %scan3A_182 = arith.constant 512 : i32
    %scan3A_183 = arith.constant 0 : i32
    %scan3A_184 = arith.constant 0 : i32
    %scan3A_185 = arith.constant 64 : i32
    %scan3A_186 = arith.addi %scan3A_184, %scan3A_185 : i32
    %scan3A_187 = arith.constant 1 : i32
    %scan3A_188 = scf.for %scan3A_230 = %scan3A_184 to %scan3A_186 step %scan3A_187 iter_args(%scan3A_231 = %scan3A_183) -> (i32)  : i32 {
      %mul3A_232 = arith.constant 128 : i32
      %mul3A_233 = arith.muli %scan3A_230, %mul3A_232 : i32
      %dma_start3A = tpu.memref_slice %arg10[%mul3A_233] : memref<8192xf32, #tpu.memory_space<vmem>> -> memref<128xf32, #tpu.memory_space<vmem>>
      %dma_start3A_234 = arith.constant 0 : i32
      %dma_start3A_235 = tpu.memref_slice %arg12[%scan3A_230, %dma_start3A_234] : memref<64x128xi32, #tpu.memory_space<vmem>> -> memref<1x128xi32, #tpu.memory_space<vmem>>
      %dma_start3A_236 = tpu.memref_squeeze %dma_start3A_235 : memref<1x128xi32, #tpu.memory_space<vmem>> -> memref<128xi32, #tpu.memory_space<vmem>>
      %dma_start3A_237 = arith.constant 0 : i32
      %dma_start3A_238 = tpu.memref_slice %arg20[%dma_start3A_237] : memref<131072xf32, #tpu.memory_space<vmem_shared>> -> memref<131072xf32, #tpu.memory_space<vmem_shared>>
      tpu.enqueue_indirect_dma source(%dma_start3A : memref<128xf32, #tpu.memory_space<vmem>>) target(%dma_start3A_238 : memref<131072xf32, #tpu.memory_space<vmem_shared>>) offsets(%dma_start3A_236 : memref<128xi32, #tpu.memory_space<vmem>>) semaphore(%arg18 : memref<!tpu.dma_semaphore, #tpu.memory_space<semaphore_mem>>)
      %scan3A_239 = arith.constant 0 : i32
      scf.yield %scan3A_239 : i32
    }
    %scan3A_189 = arith.constant 64 : i32
    %scan3A_190 = arith.constant 0 : i32
    %scan3A_191 = arith.constant 0 : i32
    %scan3A_192 = arith.constant 64 : i32
    %scan3A_193 = arith.addi %scan3A_191, %scan3A_192 : i32
    %scan3A_194 = arith.constant 1 : i32
    %scan3A_195 = scf.for %scan3A_230 = %scan3A_191 to %scan3A_193 step %scan3A_194 iter_args(%scan3A_231 = %scan3A_190) -> (i32)  : i32 {
      %mul3A_232 = arith.constant 128 : i32
      %mul3A_233 = arith.muli %scan3A_230, %mul3A_232 : i32
      %dma_wait3A = tpu.memref_slice %arg10[%mul3A_233] : memref<8192xf32, #tpu.memory_space<vmem>> -> memref<128xf32, #tpu.memory_space<vmem>>
      %dma_wait3A_234 = arith.constant 0 : i32
      %dma_wait3A_235 = tpu.memref_slice %arg12[%scan3A_230, %dma_wait3A_234] : memref<64x128xi32, #tpu.memory_space<vmem>> -> memref<1x128xi32, #tpu.memory_space<vmem>>
      %dma_wait3A_236 = tpu.memref_squeeze %dma_wait3A_235 : memref<1x128xi32, #tpu.memory_space<vmem>> -> memref<128xi32, #tpu.memory_space<vmem>>
      %dma_wait3A_237 = arith.constant 0 : i32
      %dma_wait3A_238 = tpu.memref_slice %arg20[%dma_wait3A_237] : memref<131072xf32, #tpu.memory_space<vmem_shared>> -> memref<131072xf32, #tpu.memory_space<vmem_shared>>
      tpu.wait_indirect_dma semaphore(%arg18 : memref<!tpu.dma_semaphore, #tpu.memory_space<semaphore_mem>>) src(%dma_wait3A : memref<128xf32, #tpu.memory_space<vmem>>) dst(%dma_wait3A_238 : memref<131072xf32, #tpu.memory_space<vmem_shared>>)
      %scan3A_239 = arith.constant 0 : i32
      scf.yield %scan3A_239 : i32
    }
    %scan3A_196 = arith.constant 64 : i32
    %barrier3A_197 = arith.constant 0 : index
    tpu.barrier barrier_id(%barrier3A_197)
    %mul3A_198 = arith.constant 8192 : i32
    %mul3A_199 = arith.muli %select_n3A_28, %mul3A_198 : i32
    %add3A_200 = arith.addi %mul3A_37, %mul3A_199 : i32
    "tpu.region"() ({
      %run_scoped3A = tpu.sem_alloc : memref<!tpu.dma_semaphore, #tpu.memory_space<semaphore_mem>>
      %dma_start3A = tpu.memref_slice %arg20[%add3A_200] : memref<131072xf32, #tpu.memory_space<vmem_shared>> -> memref<8192xf32, #tpu.memory_space<vmem_shared>>
      %dma_start3A_230 = tpu.memref_slice %arg20[%add3A_200] : memref<131072xf32, #tpu.memory_space<vmem_shared>> -> memref<8192xf32, #tpu.memory_space<vmem_shared>>
      tpu.enqueue_dma source(%dma_start3A_230 : memref<8192xf32, #tpu.memory_space<vmem_shared>>) target(%arg9 : memref<8192xf32, #tpu.memory_space<vmem>>) target_semaphore(%run_scoped3A : memref<!tpu.dma_semaphore, #tpu.memory_space<semaphore_mem>>)
      %dma_wait3A = tpu.memref_slice %arg20[%add3A_200] : memref<131072xf32, #tpu.memory_space<vmem_shared>> -> memref<8192xf32, #tpu.memory_space<vmem_shared>>
      %dma_wait3A_231 = tpu.memref_slice %arg20[%add3A_200] : memref<131072xf32, #tpu.memory_space<vmem_shared>> -> memref<8192xf32, #tpu.memory_space<vmem_shared>>
      tpu.wait_dma2 semaphore(%run_scoped3A : memref<!tpu.dma_semaphore, #tpu.memory_space<semaphore_mem>>) src(%dma_wait3A_231 : memref<8192xf32, #tpu.memory_space<vmem_shared>>) dst(%arg9 : memref<8192xf32, #tpu.memory_space<vmem>>)
      tpu.yield
    }) : () -> ()
    %parallel_loop3A_201 = arith.constant 0 : i32
    %parallel_loop3A_202 = arith.constant 512 : i32
    %parallel_loop3A_203 = arith.constant 1 : i32
    scf.for %parallel_loop3A_230 = %parallel_loop3A_201 to %parallel_loop3A_202 step %parallel_loop3A_203  : i32 {
      %parallel_loop3A_231 = arith.constant 16 : i32
      %parallel_loop3A_232 = arith.muli %parallel_loop3A_230, %parallel_loop3A_231 : i32
      %parallel_loop3A_233 = arith.index_cast %parallel_loop3A_232 : i32 to index
      %parallel_loop3A_234 = tpu.vector_load %arg9[%parallel_loop3A_233] {strides = array<i32>} : memref<8192xf32, #tpu.memory_space<vmem>>, vector<16xf32>,
      %parallel_loop3A_235 = arith.constant 15 : i32
      %parallel_loop3A_236 = vector.broadcast %parallel_loop3A_235 : i32 to vector<16xi32>
      %parallel_loop3A_237 = tpu.iota {dimensions = array<i32: 0>} : vector<16xi32>
      %parallel_loop3A_238 = arith.subi %parallel_loop3A_236, %parallel_loop3A_237 : vector<16xi32>
      %parallel_loop3A_239 = tpu.dynamic_gather %parallel_loop3A_234[%parallel_loop3A_238] in [0] : vector<16xf32>, vector<16xi32> -> vector<16xf32>
      %parallel_loop3A_240 = arith.constant true
      %parallel_loop3A_241 = vector.broadcast %parallel_loop3A_240 : i1 to vector<16xi1>
      %parallel_loop3A_242 = tpu.scan <sum>, %parallel_loop3A_239 masked %parallel_loop3A_241 : vector<16xf32>, vector<16xi1> -> vector<16xf32>
      %parallel_loop3A_243 = arith.constant 15 : i32
      %parallel_loop3A_244 = vector.broadcast %parallel_loop3A_243 : i32 to vector<16xi32>
      %parallel_loop3A_245 = tpu.iota {dimensions = array<i32: 0>} : vector<16xi32>
      %parallel_loop3A_246 = arith.subi %parallel_loop3A_244, %parallel_loop3A_245 : vector<16xi32>
      %parallel_loop3A_247 = tpu.dynamic_gather %parallel_loop3A_242[%parallel_loop3A_246] in [0] : vector<16xf32>, vector<16xi32> -> vector<16xf32>
      %parallel_loop3A_248 = arith.constant 16 : i32
      %parallel_loop3A_249 = arith.muli %parallel_loop3A_230, %parallel_loop3A_248 : i32
      %parallel_loop3A_250 = arith.index_cast %parallel_loop3A_249 : i32 to index
      %parallel_loop3A_251 = tpu.vector_load %arg15[%parallel_loop3A_250] {strides = array<i32>} : memref<8192xf32, #tpu.memory_space<vmem>>, vector<16xf32>,
      tpu.vector_store %arg15[%parallel_loop3A_250], %parallel_loop3A_247 {strides = array<i32>} : memref<8192xf32, #tpu.memory_space<vmem>>, vector<16xf32>,
    } {sc.loop_unroll_factor = 1 : i64, sc.parallel_access}
    %iota3A = tpu.iota {dimensions = array<i32: 0>} : vector<16xi32>
    %mul3A_204 = arith.constant 16 : i32
    %mul3A_205 = vector.broadcast %mul3A_204 : i32 to vector<16xi32>
    %mul3A_206 = arith.muli %iota3A, %mul3A_205 : vector<16xi32>
    %scan3A_207 = arith.constant 0.000000e+00 : f32
    %scan3A_208 = arith.constant 0 : i32
    %scan3A_209 = arith.constant 32 : i32
    %scan3A_210 = arith.addi %scan3A_208, %scan3A_209 : i32
    %scan3A_211 = arith.constant 1 : i32
    %scan3A_212 = scf.for %scan3A_230 = %scan3A_208 to %scan3A_210 step %scan3A_211 iter_args(%scan3A_231 = %scan3A_207) -> (f32)  : i32 {
      %sub3A_232 = arith.constant 31 : i32
      %sub3A_233 = arith.subi %sub3A_232, %scan3A_230 : i32
      %mul3A_234 = arith.constant 256 : i32
      %mul3A_235 = arith.muli %sub3A_233, %mul3A_234 : i32
      %add3A_236 = vector.broadcast %mul3A_235 : i32 to vector<16xi32>
      %add3A_237 = arith.addi %add3A_236, %mul3A_206 : vector<16xi32>
      %gather3A = tpu.vector_load_idx %arg15[%add3A_237] : memref<8192xf32, #tpu.memory_space<vmem>>[vector<16xi32>], vector<16xf32>,
      %rev3A = arith.constant 15 : i32
      %rev3A_238 = vector.broadcast %rev3A : i32 to vector<16xi32>
      %rev3A_239 = tpu.iota {dimensions = array<i32: 0>} : vector<16xi32>
      %rev3A_240 = arith.subi %rev3A_238, %rev3A_239 : vector<16xi32>
      %rev3A_241 = tpu.dynamic_gather %gather3A[%rev3A_240] in [0] : vector<16xf32>, vector<16xi32> -> vector<16xf32>
      %broadcast_in_dim3A_242 = arith.constant true
      %broadcast_in_dim3A_243 = vector.broadcast %broadcast_in_dim3A_242 : i1 to vector<16xi1>
      %masked_cumsum3A = tpu.scan <sum>, %rev3A_241 masked %broadcast_in_dim3A_243 : vector<16xf32>, vector<16xi1> -> vector<16xf32>
      %rev3A_244 = arith.constant 15 : i32
      %rev3A_245 = vector.broadcast %rev3A_244 : i32 to vector<16xi32>
      %rev3A_246 = tpu.iota {dimensions = array<i32: 0>} : vector<16xi32>
      %rev3A_247 = arith.subi %rev3A_245, %rev3A_246 : vector<16xi32>
      %rev3A_248 = tpu.dynamic_gather %masked_cumsum3A[%rev3A_247] in [0] : vector<16xf32>, vector<16xi32> -> vector<16xf32>
      %sub3A_249 = arith.subf %rev3A_248, %gather3A : vector<16xf32>
      %add3A_250 = vector.broadcast %scan3A_231 : f32 to vector<16xf32>
      %add3A_251 = arith.addf %sub3A_249, %add3A_250 : vector<16xf32>
      %mul3A_252 = arith.constant 16 : i32
      %mul3A_253 = arith.muli %sub3A_233, %mul3A_252 : i32
      %swap3A_254 = arith.index_cast %mul3A_253 : i32 to index
      %swap3A_255 = tpu.vector_load %arg16[%swap3A_254] {strides = array<i32>} : memref<528xf32, #tpu.memory_space<vmem>>, vector<16xf32>,
      tpu.vector_store %arg16[%swap3A_254], %add3A_251 {strides = array<i32>} : memref<528xf32, #tpu.memory_space<vmem>>, vector<16xf32>,
      %reduce_max3A_256 = arith.constant true
      %reduce_max3A_257 = vector.broadcast %reduce_max3A_256 : i1 to vector<16xi1>
      %reduce_max3A_258 = tpu.scan <max>, %rev3A_248 masked %reduce_max3A_257 : vector<16xf32>, vector<16xi1> -> vector<16xf32>
      %reduce_max3A_259 = vector.extract %reduce_max3A_258[15] : f32 from vector<16xf32>
      %add3A_260 = arith.addf %scan3A_231, %reduce_max3A_259 : f32
      scf.yield %add3A_260 : f32
    }
    %scan3A_213 = arith.constant 32 : i32
    %broadcast_in_dim3A_214 = vector.broadcast %scan3A_212 : f32 to vector<16xf32>
    %swap3A_215 = arith.constant 0 : index
    %swap3A_216 = tpu.vector_load %arg17[%swap3A_215] {strides = array<i32>} : memref<16xf32, #tpu.memory_space<vmem>>, vector<16xf32>,
    tpu.vector_store %arg17[%swap3A_215], %broadcast_in_dim3A_214 {strides = array<i32>} : memref<16xf32, #tpu.memory_space<vmem>>, vector<16xf32>,
    %mul3A_217 = arith.constant 16 : i32
    %mul3A_218 = arith.muli %add3A_40, %mul3A_217 : i32
    "tpu.region"() ({
      %run_scoped3A = tpu.sem_alloc : memref<!tpu.dma_semaphore, #tpu.memory_space<semaphore_mem>>
      %dma_start3A = tpu.memref_slice %arg22[%mul3A_218] : memref<256xf32, #tpu.memory_space<vmem_shared>> -> memref<16xf32, #tpu.memory_space<vmem_shared>>
      %dma_start3A_230 = tpu.memref_slice %arg22[%mul3A_218] : memref<256xf32, #tpu.memory_space<vmem_shared>> -> memref<16xf32, #tpu.memory_space<vmem_shared>>
      tpu.enqueue_dma source(%arg17 : memref<16xf32, #tpu.memory_space<vmem>>) target(%dma_start3A_230 : memref<16xf32, #tpu.memory_space<vmem_shared>>) target_semaphore(%run_scoped3A : memref<!tpu.dma_semaphore, #tpu.memory_space<semaphore_mem>>)
      %dma_wait3A = tpu.memref_slice %arg22[%mul3A_218] : memref<256xf32, #tpu.memory_space<vmem_shared>> -> memref<16xf32, #tpu.memory_space<vmem_shared>>
      %dma_wait3A_231 = tpu.memref_slice %arg22[%mul3A_218] : memref<256xf32, #tpu.memory_space<vmem_shared>> -> memref<16xf32, #tpu.memory_space<vmem_shared>>
      tpu.wait_dma2 semaphore(%run_scoped3A : memref<!tpu.dma_semaphore, #tpu.memory_space<semaphore_mem>>) src(%arg17 : memref<16xf32, #tpu.memory_space<vmem>>) dst(%dma_wait3A_231 : memref<16xf32, #tpu.memory_space<vmem_shared>>)
      tpu.yield
    }) : () -> ()
    %barrier3A_219 = arith.constant 0 : index
    tpu.barrier barrier_id(%barrier3A_219)
    %mul3A_220 = arith.constant 16 : i32
    %mul3A_221 = arith.muli %add3A_45, %mul3A_220 : i32
    "tpu.region"() ({
      %run_scoped3A = tpu.sem_alloc : memref<!tpu.dma_semaphore, #tpu.memory_space<semaphore_mem>>
      %dma_start3A = tpu.memref_slice %arg22[%mul3A_221] : memref<256xf32, #tpu.memory_space<vmem_shared>> -> memref<16xf32, #tpu.memory_space<vmem_shared>>
      %dma_start3A_230 = tpu.memref_slice %arg22[%mul3A_221] : memref<256xf32, #tpu.memory_space<vmem_shared>> -> memref<16xf32, #tpu.memory_space<vmem_shared>>
      tpu.enqueue_dma source(%dma_start3A_230 : memref<16xf32, #tpu.memory_space<vmem_shared>>) target(%arg17 : memref<16xf32, #tpu.memory_space<vmem>>) target_semaphore(%run_scoped3A : memref<!tpu.dma_semaphore, #tpu.memory_space<semaphore_mem>>)
      %dma_wait3A = tpu.memref_slice %arg22[%mul3A_221] : memref<256xf32, #tpu.memory_space<vmem_shared>> -> memref<16xf32, #tpu.memory_space<vmem_shared>>
      %dma_wait3A_231 = tpu.memref_slice %arg22[%mul3A_221] : memref<256xf32, #tpu.memory_space<vmem_shared>> -> memref<16xf32, #tpu.memory_space<vmem_shared>>
      tpu.wait_dma2 semaphore(%run_scoped3A : memref<!tpu.dma_semaphore, #tpu.memory_space<semaphore_mem>>) src(%dma_wait3A_231 : memref<16xf32, #tpu.memory_space<vmem_shared>>) dst(%arg17 : memref<16xf32, #tpu.memory_space<vmem>>)
      tpu.yield
    }) : () -> ()
    %get3A_222 = arith.constant 0 : index
    %get3A_223 = tpu.vector_load %arg17[%get3A_222] {strides = array<i32>} : memref<16xf32, #tpu.memory_space<vmem>>, vector<16xf32>,
    %slice3A = vector.extract_strided_slice %get3A_223 {offsets = [0], sizes = [1], strides = [1]} : vector<16xf32> to vector<1xf32>
    %squeeze3A = vector.extract %slice3A[0] : f32 from vector<1xf32>
    %sub3A_224 = arith.constant 1 : i32
    %sub3A_225 = arith.subi %sub3A_224, %select_n3A_28 : i32
    %convert_element_type3A = arith.sitofp %sub3A_225 : i32 to f32
    %mul3A_226 = arith.mulf %squeeze3A, %convert_element_type3A : f32
    %parallel_loop3A_227 = arith.constant 0 : i32
    %parallel_loop3A_228 = arith.constant 512 : i32
    %parallel_loop3A_229 = arith.constant 1 : i32
    scf.for %parallel_loop3A_230 = %parallel_loop3A_227 to %parallel_loop3A_228 step %parallel_loop3A_229  : i32 {
      %parallel_loop3A_231 = arith.index_cast %parallel_loop3A_230 : i32 to index
      %parallel_loop3A_232 = tpu.vector_load %arg16[%parallel_loop3A_231] {strides = array<i32>} : memref<528xf32, #tpu.memory_space<vmem>>, vector<16xf32>,
      %parallel_loop3A_233 = arith.constant 16 : i32
      %parallel_loop3A_234 = arith.muli %parallel_loop3A_230, %parallel_loop3A_233 : i32
      %parallel_loop3A_235 = arith.index_cast %parallel_loop3A_234 : i32 to index
      %parallel_loop3A_236 = tpu.vector_load %arg15[%parallel_loop3A_235] {strides = array<i32>} : memref<8192xf32, #tpu.memory_space<vmem>>, vector<16xf32>,
      %parallel_loop3A_237 = vector.extract_strided_slice %parallel_loop3A_232 {offsets = [0], sizes = [1], strides = [1]} : vector<16xf32> to vector<1xf32>
      %parallel_loop3A_238 = vector.extract %parallel_loop3A_237[0] : f32 from vector<1xf32>
      %parallel_loop3A_239 = arith.addf %parallel_loop3A_238, %mul3A_226 : f32
      %parallel_loop3A_240 = vector.broadcast %parallel_loop3A_239 : f32 to vector<16xf32>
      %parallel_loop3A_241 = arith.addf %parallel_loop3A_236, %parallel_loop3A_240 : vector<16xf32>
      %parallel_loop3A_242 = arith.constant 16 : i32
      %parallel_loop3A_243 = arith.muli %parallel_loop3A_230, %parallel_loop3A_242 : i32
      %parallel_loop3A_244 = arith.index_cast %parallel_loop3A_243 : i32 to index
      %parallel_loop3A_245 = tpu.vector_load %arg15[%parallel_loop3A_244] {strides = array<i32>} : memref<8192xf32, #tpu.memory_space<vmem>>, vector<16xf32>,
      tpu.vector_store %arg15[%parallel_loop3A_244], %parallel_loop3A_241 {strides = array<i32>} : memref<8192xf32, #tpu.memory_space<vmem>>, vector<16xf32>,
    } {sc.loop_unroll_factor = 1 : i64, sc.parallel_access}
    "tpu.region"() ({
      %run_scoped3A = tpu.sem_alloc : memref<!tpu.dma_semaphore, #tpu.memory_space<semaphore_mem>>
      %dma_start3A = tpu.memref_slice %arg4[%add3A_35] : memref<262144xf32, #tpu.memory_space<hbm>> -> memref<8192xf32, #tpu.memory_space<hbm>>
      %dma_start3A_230 = tpu.memref_slice %arg4[%add3A_35] : memref<262144xf32, #tpu.memory_space<hbm>> -> memref<8192xf32, #tpu.memory_space<hbm>>
      tpu.enqueue_dma source(%arg15 : memref<8192xf32, #tpu.memory_space<vmem>>) target(%dma_start3A_230 : memref<8192xf32, #tpu.memory_space<hbm>>) target_semaphore(%run_scoped3A : memref<!tpu.dma_semaphore, #tpu.memory_space<semaphore_mem>>)
      %dma_wait3A = tpu.memref_slice %arg4[%add3A_35] : memref<262144xf32, #tpu.memory_space<hbm>> -> memref<8192xf32, #tpu.memory_space<hbm>>
      %dma_wait3A_231 = tpu.memref_slice %arg4[%add3A_35] : memref<262144xf32, #tpu.memory_space<hbm>> -> memref<8192xf32, #tpu.memory_space<hbm>>
      tpu.wait_dma2 semaphore(%run_scoped3A : memref<!tpu.dma_semaphore, #tpu.memory_space<semaphore_mem>>) src(%arg15 : memref<8192xf32, #tpu.memory_space<vmem>>) dst(%dma_wait3A_231 : memref<8192xf32, #tpu.memory_space<hbm>>)
      tpu.yield
    }) : () -> ()
    return
  }
}

module attributes {stable_mosaic.version = 14 : i64} {
  func.func @body(%arg0: memref<262144xf32, #tpu.memory_space<vmem>>, %arg1: memref<16384x16xf32, #tpu.memory_space<vmem>>, %arg2: memref<1x1xf32, #tpu.memory_space<smem>>) attributes {dimension_semantics = [], scalar_prefetch = 0 : i64, scratch_operands = 0 : i64, tpu.core_type = #tpu.core_type<tc>} {
    %get3A = arith.constant 0 : index
    %get3A_0 = vector.load %arg0[%get3A] : memref<262144xf32, #tpu.memory_space<vmem>>, vector<262144xf32>
    %add3A = arith.constant 9.99999996E-13 : f32
    %add3A_1 = vector.broadcast %add3A : f32 to vector<262144xf32>
    %add3A_2 = arith.addf %get3A_0, %add3A_1 : vector<262144xf32>
    %log3A = math.log %add3A_2 : vector<262144xf32>
    %reduce_sum3A = vector.shape_cast %log3A : vector<262144xf32> to vector<1x262144xf32>
    %reduce_sum3A_3 = arith.constant dense<0.000000e+00> : vector<1xf32>
    %reduce_sum3A_4 = vector.multi_reduction <add>, %reduce_sum3A, %reduce_sum3A_3 [1] : vector<1x262144xf32> to vector<1xf32>
    %reduce_sum3A_5 = vector.shape_cast %reduce_sum3A_4 : vector<1xf32> to vector<1x1xf32>
    %reduce_sum3A_6 = vector.extract %reduce_sum3A_5[0, 0] : f32 from vector<1x1xf32>
    %get3A_7 = arith.constant 0 : index
    %get3A_8 = arith.constant 0 : index
    %get3A_9 = vector.load %arg1[%get3A_7, %get3A_8] : memref<16384x16xf32, #tpu.memory_space<vmem>>, vector<16384x16xf32>
    %reduce_sum3A_10 = vector.shape_cast %get3A_9 : vector<16384x16xf32> to vector<1x16384x16xf32>
    %reduce_sum3A_11 = arith.constant dense<0.000000e+00> : vector<1xf32>
    %reduce_sum3A_12 = vector.multi_reduction <add>, %reduce_sum3A_10, %reduce_sum3A_11 [1, 2] : vector<1x16384x16xf32> to vector<1xf32>
    %reduce_sum3A_13 = vector.shape_cast %reduce_sum3A_12 : vector<1xf32> to vector<1x1x1xf32>
    %reduce_sum3A_14 = vector.extract %reduce_sum3A_13[0, 0, 0] : f32 from vector<1x1x1xf32>
    %sub3A = arith.subf %reduce_sum3A_6, %reduce_sum3A_14 : f32
    %div3A = arith.constant 2.621440e+05 : f32
    %div3A_15 = arith.divf %sub3A, %div3A : f32
    %swap3A = arith.constant 0 : index
    %swap3A_16 = arith.constant 0 : index
    %swap3A_17 = memref.load %arg2[%swap3A, %swap3A_16] : memref<1x1xf32, #tpu.memory_space<smem>>
    memref.store %div3A_15, %arg2[%swap3A, %swap3A_16] : memref<1x1xf32, #tpu.memory_space<smem>>
    return
  }
}

</mosaic_0001>

<sc_bundles>
// kernel: kernel.4.cloned.1.call-start
scs
__scs_entry_jumppad:
0x0: {  	(pc) =	sbr.rel $0x88, $3  }
0x1: {  	(tag) =	ssettag $0x0;
	lr =	simm.s32 $0x1  }
0x2: {  	[smem:$0x3F9F] =	sst lr;
	_ =	strace $0xD0000000  }
0x3: {  	_ = 	snop  }
0x4: {  	_ = 	snop  }
0x5: {  	_ = 	snop  }
0x6: {  	_ = 	snop  }
0x7: {  	_ = 	snop  }
__scs_overlays_trampoline_lowered:
0x8: {  	[smem:$0x3FAE] =	sst s0  }
0x9: {  	[smem:$0x3FAF] =	sst s1  }
0xa: {  	[smem:$0x3FB0] =	sst s2  }
0xb: {  	[smem:$0x3FB1] =	sst s3  }
0xc: {  	[smem:$0x3FB2] =	sst s4  }
0xd: {  	[smem:$0x3FB3] =	sst s5  }
0xe: {  	[smem:$0x3FB4] =	sst s6  }
0xf: {  	[smem:$0x3FB5] =	sst s7  }
0x10: {  	[smem:$0x3FB6] =	sst s8  }
0x11: {  	[smem:$0x3FB7] =	sst s9;
	s0 =	simm.s32 @!p0 $0x0  }
0x12: {  	s1 =	sld [smem:$0x3F9D];
	s0 =	simm.s32 @p0 $0x1  }
0x13: {  	[smem:$0x3FB8] =	sst s0;
	s0 =	simm.s32 @!p1 $0x0  }
0x14: {  	s2 =	sld [smem:$0x3F9C];
	s0 =	simm.s32 @p1 $0x1  }
0x15: {  	[smem:$0x3FB9] =	sst s0;
	s0 =	simm.s32 @!p2 $0x0  }
0x16: {  	s3 =	sld [smem:$0x3FDB];
	s0 =	simm.s32 @p2 $0x1  }
0x17: {  	s4 =	simm.s32 $0x1BF5;
	[smem:$0x3FBB] =	sst s0  }
0x18: {  	s0 =	sld [smem:$0x3F9E];
	_ =	swait.ge [sflag:s4], $0x0  }
0x19: {  	s7 =	sld [smem:$0x3F9F]  }
0x1a: {  	s8 =	sadd.s32 $0xFFFFE003, lr  }
0x1b: {  	s9 =	sadd.s32 $0xFFFFFEF7, lr;
	s5 =	simm.s32 $0xFFFFFFFF;
	p2 =	slt.u32 s8, $0xFFFFF086  }
0x1c: {  	p1 =	slt.u32 s9, $0xF7A;
	s5 =	simm.s32 @!p2 $0x0  }
0x1d: {  	s5 =	simm.s32 @p1 $0x1;
	p0 =	seq.s32 s7, s2  }
0x1e: {  	s7 =	smul.u32 @!p0 $0xF7A, s2;
	p2 =	seq.s32 @!p0 s5, $0x0  }
0x1f: {  	s9 =	smul.u32 $0xF7A, s1;
	s8 =	simm.s32 @!p0 $0x1BF5;
	p2 =	por !p2, p0  }
0x20: {  	[sflag:s8] =	ssyncset.s32 @!p0 $0xFFFFF086;
	s6 =	sadd.s32 @!p0 s3, s7;
	s7 =	simm.s32 @!p0 $0x108  }
0x21: {  	s3 =	sadd.s32 s3, s9;
	s6 =	sadd.s32 @!p0 $0x88, s6;
	s7 =	simm.s32 @p2 $0x1082  }
0x22: {  	[simem:s7], [sflag:s8] =	dma.local @!p0 [hbm:s6], $0xF7A  }
0x23: {  	s9 =	sor.u32 $0xD0000000, s2;
	s6 =	simm.s32 $0x108;
	_ =	swait.ge @!p0 [sflag:s8], $0x0  }
0x24: {  	s3 =	sadd.s32 $0x88, s3;
	s6 =	simm.s32 @!p1 $0x1082;
	[sflag:s4] =	ssyncset.s32 $0xFFFFF086  }
0x25: {  	[simem:s6], [sflag:s4] =	dma.local [hbm:s3], $0xF7A  }
0x26: {  	[smem:$0x3F9F] =	sst s1;
	(tag) =	ssettag s2;
	_ =	strace s9  }
0x27: {  	s1 =	sld [smem:$0x3FAF]  }
0x28: {  	s2 =	sld [smem:$0x3FB0]  }
0x29: {  	s4 =	sld [smem:$0x3FB2]  }
0x2a: {  	p0 =	seq.s32 s5, $0x0;
	s5 =	sld [smem:$0x3FB3]  }
0x2b: {  	s6 =	sld [smem:$0x3FB4]  }
0x2c: {  	s7 =	sld [smem:$0x3FB5]  }
0x2d: {  	s3 =	simm.s32 $0x108;
	s8 =	sld [smem:$0x3FB6]  }
0x2e: {  	s3 =	simm.s32 @!p0 $0x1082;
	s9 =	sld [smem:$0x3FB7]  }
0x2f: {  	lr =	sadd.s32 s0, s3;
	s0 =	sld [smem:$0x3FAE]  }
0x30: {  	s3 =	sld [smem:$0x3FB1]  }
0x31: {  	[smem:$0x3FBA] =	sst s10  }
0x32: {  	s10 =	sld [smem:$0x3FB8];
	_ =	sdelay $0x3  }
0x33: {  	p0 =	seq.s32 s10, $0x1;
	s10 =	sld [smem:$0x3FBA];
	_ =	sdelay $0x3  }
0x34: {  	[smem:$0x3FBA] =	sst s10  }
0x35: {  	s10 =	sld [smem:$0x3FB9];
	_ =	sdelay $0x3  }
0x36: {  	p1 =	seq.s32 s10, $0x1;
	s10 =	sld [smem:$0x3FBA];
	_ =	sdelay $0x3  }
0x37: {  	[smem:$0x3FBA] =	sst s10  }
0x38: {  	s10 =	sld [smem:$0x3FBB]  }
0x39: {  	_ = 	snop;
	(pc) =	sbr.ind lr, $3  }
0x3a: {  	_ = 	snop  }
0x3b: {  	_ = 	snop  }
0x3c: {  	p2 =	seq.s32 s10, $0x1;
	s10 =	sld [smem:$0x3FBA]  }
0x3d: {  	_ =	shalt  }
0x3e: {  	_ =	shalt  }
0x3f: {  	_ =	shalt  }
0x40: {  	_ =	shalt  }
0x41: {  	_ =	shalt  }
0x42: {  	_ =	shalt  }
0x43: {  	_ =	shalt  }
0x44: {  	_ =	shalt  }
0x45: {  	_ =	shalt  }
0x46: {  	_ =	shalt  }
0x47: {  	_ =	shalt  }
0x48: {  	_ =	shalt  }
0x49: {  	_ =	shalt  }
0x4a: {  	_ =	shalt  }
0x4b: {  	_ =	shalt  }
0x4c: {  	_ =	shalt  }
0x4d: {  	_ =	shalt  }
0x4e: {  	_ =	shalt  }
0x4f: {  	_ =	shalt  }
0x50: {  	_ =	shalt  }
0x51: {  	_ =	shalt  }
0x52: {  	_ =	shalt  }
0x53: {  	_ =	shalt  }
0x54: {  	_ =	shalt  }
0x55: {  	_ =	shalt  }
0x56: {  	_ =	shalt  }
0x57: {  	_ =	shalt  }
0x58: {  	_ =	shalt  }
0x59: {  	_ =	shalt  }
0x5a: {  	_ =	shalt  }
0x5b: {  	_ =	shalt  }
0x5c: {  	_ =	shalt  }
0x5d: {  	_ =	shalt  }
0x5e: {  	_ =	shalt  }
0x5f: {  	_ =	shalt  }
0x60: {  	_ =	shalt  }
0x61: {  	_ =	shalt  }
0x62: {  	_ =	shalt  }
0x63: {  	_ =	shalt  }
0x64: {  	_ =	shalt  }
0x65: {  	_ =	shalt  }
0x66: {  	_ =	shalt  }
0x67: {  	_ =	shalt  }
0x68: {  	_ =	shalt  }
0x69: {  	_ =	shalt  }
0x6a: {  	_ =	shalt  }
0x6b: {  	_ =	shalt  }
0x6c: {  	_ =	shalt  }
0x6d: {  	_ =	shalt  }
0x6e: {  	_ =	shalt  }
0x6f: {  	_ =	shalt  }
0x70: {  	_ =	shalt  }
0x71: {  	_ =	shalt  }
0x72: {  	_ =	shalt  }
0x73: {  	_ =	shalt  }
0x74: {  	_ =	shalt  }
0x75: {  	_ =	shalt  }
0x76: {  	_ =	shalt  }
0x77: {  	_ =	shalt  }
0x78: {  	_ =	shalt  }
0x79: {  	_ =	shalt  }
0x7a: {  	_ =	shalt  }
0x7b: {  	_ =	shalt  }
0x7c: {  	_ =	shalt  }
0x7d: {  	_ =	shalt  }
0x7e: {  	_ =	shalt  }
0x7f: {  	_ =	shalt  }
0x80: {  	_ =	shalt  }
0x81: {  	_ =	shalt  }
0x82: {  	_ =	shalt  }
0x83: {  	_ =	shalt  }
0x84: {  	_ =	shalt  }
0x85: {  	_ =	shalt  }
0x86: {  	_ =	shalt  }
0x87: {  	_ =	shalt  }
.Lfunc_end0:
.L_simem_size_0:
called_computation_lowered:
.L_overlay_start_0:
0x88: {  	s2 =	sld [smem:$0x3FD9]  }
0x89: {  	s3 =	sld [smem:$0x3FFE];
	_ =	sdelay $0x1  }
0x8a: {  	s1 =	srdreg.scid  }
0x8b: {  	s0 =	sand.u32 $0x1, s1  }
0x8c: {  	s16 =	sshll.u32 s0, $0xA;
	s2 =	sadd.s32 s3, s2  }
0x8d: {  	s2 =	sadd.s32 s2, s16  }
0x8e: {  	[smem:$0x3FC6] =	sst s2  }
0x8f: {  	_ = 	snop  }
0x90: {  	(tm) =	ssettm $0x1  }
0x91: {  	s17 =	sld [smem:$0x3FFB];
	_ =	sdelay $0x3  }
0x92: {  	_ =	strace s17  }
0x93: {  	s2 =	sld [smem:$0x3FFC];
	_ =	sdelay $0x3  }
0x94: {  	_ =	strace s2  }
0x95: {  	s2 =	sld [smem:$0x3FFD];
	_ =	sdelay $0x3  }
0x96: {  	_ =	strace s2  }
0x97: {  	_ =	strace $0x8FFFFFFF  }
0x98: {  	s18 =	sld [smem:$0x3FDB];
	_ =	sdelay $0x1  }
0x99: {  	s19 =	simm.s32 $_scs_section_size  }
0x9a: {  	s4 =	simm.s32 $_size__tile_overlayer_lowered;
	s5 =	simm.s32 $_tile_overlayer_lowered  }
0x9b: {  	s22 =	simm.s32 $0x1BFF;
	s21 =	sshll.u32 s5, $0x1;
	s2 =	sadd.s32 s19, s18  }
0x9c: {  	s6 =	simm.s32 $0x0;
	s20 =	sshll.u32 s4, $0x1;
	s4 =	sadd.s32 s21, s2  }
0x9d: {  	[timem:s6], [sflag:s22] =	dma.local [hbm:s4], s20  }
0x9e: {  	_ =	swait.ge [sflag:s22], s20  }
0x9f: {  	s3 =	ssub.s32 $0x0, s20;
	[sflag:s22] =	ssyncset.done $0x0  }
0xa0: {  	[sflag:s22] =	ssyncadd.s32 s3;
	_ =	sdelay $0x1  }
0xa1: {  	s23 =	simm.s32 $0x1B8B  }
0xa2: {  	_ =	swait.ge [sflag:s23], $0x1  }
0xa3: {  	[sflag:s23] =	ssyncset.done $0x0  }
0xa4: {  	s25 =	simm.s32 $0x1B8E;
	s24 =	sld [smem:$0x3FFE];
	[sflag:s23] =	ssyncadd.s32 $0xFFFFFFFF  }
0xa5: {  	s26 =	simm.s32 $execute0_lowered;
	[smem:$0x3FD2] =	sst s25  }
0xa6: {  	s4 =	sshll.u32 s26, $0x1;
	_ =	strace $0x80000046;
	[dreg:$0x1] =	wrdreg $0xFFFFFFFF  }
0xa7: {  	s28 =	simm.s32 $_size_execute0_lowered;
	s2 =	sadd.s32 s2, s4;
	[dreg:$0x0] =	wrdreg $0x0  }
0xa8: {  	s4 =	sshll.u32 s28, $0x1;
	[dreg:$0x2] =	wrdreg s2  }
0xa9: {  	[dreg:$0x3] =	wrdreg s4  }
0xaa: {  	[dreg:$0x4] =	wrdreg $0xC0  }
0xab: {  	_ =	task [dreg:s6], $0x5FFFF  }
0xac: {  	[dreg:$0x1] =	wrdreg $0xFFFFFFFF  }
0xad: {  	[dreg:$0x0] =	wrdreg $0x60  }
0xae: {  	[dreg:$0x2] =	wrdreg s24  }
0xaf: {  	[dreg:$0x3] =	wrdreg $0x173000  }
0xb0: {  	[dreg:$0x4] =	wrdreg $0x17B000  }
0xb1: {  	[dreg:$0x5] =	wrdreg $0x133000  }
0xb2: {  	[dreg:$0x6] =	wrdreg $0x153000  }
0xb3: {  	[dreg:$0x7] =	wrdreg $0x9  }
0xb4: {  	_ =	task.clear_ibuf [dreg:s6], $0x8FFFF;
	_ =	strace $0x90000046  }
0xb5: {  	s29 =	simm.s32 $0x9;
	_ =	strace $0x80000048  }
0xb6: {  	_ =	swait.ge [sflag:s29], $0x1  }
0xb7: {  	[sflag:s29] =	ssyncadd.s32 $0xFFFFFFFF  }
0xb8: {  	_ =	strace $0x90000048  }
0xb9: {  	_ =	sfence  }
0xba: {  	s30 =	sld [smem:$0x0];
	_ =	sdelay $0x2  }
0xbb: {  	s31 =	sshll.u32 s1, $0xD;
	s1 =	sshrl.u32 s1, $0x2  }
0xbc: {  	s3 =	sand.u32 $0x4000, s31;
	s1 =	sadd.s32 s1, s30  }
0xbd: {  	s0 =	sor.u32 s3, s0;
	s1 =	sshll.u32 s1, $0x11  }
0xbe: {  	s0 =	sor.u32 s1, s0  }
0xbf: {  	s0 =	sadd.s32 $0x8F2B, s0  }
0xc0: {  	[sflag:s0] =	ssyncadd.remote.s32 $0x1  }
0xc1: {  	_ =	sfence.sel $0xFFFF  }
0xc2: {  	[dreg:$0x0] =	wrdreg $0xFFFFFFFF;
	(pc) =	sbr.abs _section_cstart, $3  }
0xc3: {  	[dreg:$0x1] =	wrdreg $0xFFFFFFFF  }
0xc4: {  	_ =	task.clear_ibuf [dreg:s6], $0x2FFFF;
	_ =	strace $0x9FFFFFFF  }
0xc5: {  	(tm) =	ssettm $0x7FFFFFFF  }
tec
execute0_lowered:
.L_overlay_start_1:
0x0: {  	(tag) =	ssettag $0x1  }
0x1: {  	s0 =	rddreg [dreg:$0x0]  }
0x2: {  	s4 =	rddreg [dreg:$0x1]  }
0x3: {  	s10 =	rddreg [dreg:$0x2]  }
0x4: {  	s1 =	rddreg [dreg:$0x3];
	s3 =	simm.s32 $0x0  }
0x5: {  	[smem:$0x7FF] =	sst s3  }
0x6: {  	s2 =	rddreg [dreg:$0x4];
	v0 =	vimm.s32 $0x0;
	_ =	strace $0x80000047  }
0x7: {  	(xrf1) =	vunique.msk.u32 $0xffff, v0;
	_ =	sdelay $0xd  }
0x8: {  	_, v1, _ =	vpop (xrf1)  }
0x9: {  	v1 =	vxor.u32 $0x80000000, v1  }
0xa: {  	(xrf0) =	vmin.scan.msk.u32 $0xffff, v1;
	_ =	sdelay $0x5  }
0xb: {  	v1, _, _ =	vpop (xrf0)  }
0xc: {  	(v2sf) =	vpush v1, $0xF;
	_ =	sdelay $0x2  }
0xd: {  	s7 =	stileid.u32;
	s5 =	srdreg.scid;
	s17 =	simm.s32 $0x2  }
0xe: {  	s19 =	simm.s32 $0x10000;
	s20 =	simm.s32 $0x13280;
	s21 =	simm.s32 $0x10800  }
0xf: {  	s22 =	simm.s32 $0x80;
	s23 =	simm.s32 $0x1;
	s28 =	simm.s32 $0x11000  }
0x10: {  	s29 =	simm.s32 $0x0;
	s6 =	sand.u32 $0x7, s7;
	s18 =	sshrl.u32 s7, $0x3  }
0x11: {  	s24 =	sand.u32 $0x1, s5;
	s8 =	sshll.u32 s18, $0xD;
	s5 =	sshll.u32 s6, $0xE  }
0x12: {  	s9 =	sshll.u32 s24, $0x11;
	s7 =	ssub.s32 $0x2, s24;
	s6 =	sshll.u32 s6, $0x1  }
0x13: {  	s14 =	sxor.u32 $0x1, s18;
	s13 =	sor.u32 s8, s5;
	s25 =	sshrl.u32 s7, $0x1  }
0x14: {  	s26 =	sor.u32 s18, s6;
	s11 =	sor.u32 s14, s6;
	s14 =	scvt.s32.f32 s14  }
0x15: {  	s8 =	sor.u32 s9, s13;
	s16 =	ssub.s32 s7, s25;
	s31 =	sshll.u32 s26, $0xB  }
0x16: {  	s9 =	sshll.u32 s26, $0x4;
	s12 =	sshll.u32 s11, $0x4;
	s11 =	sshll.u32 s11, $0xB  }
0x17: {  	s25 =	simm.s32 $0x2000;
	s8 =	sshrl.u32 s8, $0x3;
	s9 =	sadd.s32 s9, s10  }
0x18: {  	s10 =	sadd.s32 s12, s10;
	s11 =	sadd.s32 s11, s4;
	s12 =	sadd.s32 s13, s1;
	v1 =	vlaneseq.u32  }
0x19: {  	s13 =	sadd.s32 s13, s2;
	s16 =	smax.u32 s16, $0x1;
	v4 =	vmul.u32 $0xFFFFFFFF, v1;
	s30 =	spop (v2sf)  }
0x1a: {  	s0 =	sadd.s32 s8, s0;
	s8 =	sadd.s32 s31, s4;
	s24 =	sxor.u32 $0x80000000, s30  }
0x1b: {  	v3 =	vmov s18;
	s6 =	sadd.s32 $0x800, s0;
	s7 =	sadd.s32 $0x8800, s0;
	s15 =	sadd.s32 $0x10800, s0;
	v4 =	vadd.s32 $0xF, v4;
	v2 =	vmov s24  }
.LBB2_1:
0x1c: {  	[tilespmem:s3], [sflag:$0x2] =	stream.linear.gather [hbm4b:s6+s3], $0x2000, $0x38;
	[tilespmem:$0x17B10] =	vst v63  }
0x1d: {  	_ =	swait.ge [sflag:s17], $0x2000  }
0x1e: {  	[sflag:s17] =	ssyncset.done $0x0  }
0x1f: {  	[sflag:s17] =	ssyncadd.s32 $0xFFFFE000  }
0x20: {  	[tilespmem:s25], [sflag:$0x2] =	stream.linear.gather [hbm4b:s7+s3], $0x2000, $0x38;
	[tilespmem:$0x17B10] =	vst v63  }
0x21: {  	_ =	swait.ge [sflag:s17], $0x2000  }
0x22: {  	[sflag:s17] =	ssyncset.done $0x0  }
0x23: {  	s0 =	simm.s32 $0x0;
	[sflag:s17] =	ssyncadd.s32 $0xFFFFE000  }
.LBB2_2:
0x24: {  	p0 =	sne.s32 s0, $0x1FC0  }
.Ltmp0:
0x25: {  	_ = 	snop;
	(pc) =	sbr.rel @p0 .LBB2_2-.Ltmp0, $3  }
0x26: {  	_ =	sdelay $0x1  }
0x27: {  	s4 =	sshra.s32 s0, $0x2  }
0x28: {  	s0 =	sadd.s32 $0x40, s0;
	[tilespmem:s4+$0x10000] =	vst v0  }
0x29: {  	s24 =	simm.s32 $0x0  }
0x2a: {  	v5 =	vld [tilespmem:s24+$0x0];
	_ =	sdelay $0x4  }
0x2b: {  	v6 =	vxor.u32 $0x7FFFFFFF, v5;
	vm0 =	vlt.s32 v5, $0x0  }
0x2c: {  	v5 =	vsel vm0, v5, v6  }
0x2d: {  	v14 =	vand.u32 $0x7FF, v5  }
0x2e: {  	(xrf1) =	vunique.msk.u32 $0xffff, v14  }
0x2f: {  	s0 =	simm.s32 $0x10  }
0x30: {  	v7 =	vld [tilespmem:s0+$0x0];
	_ =	sdelay $0x4  }
0x31: {  	s30 =	simm.s32 $0x20;
	v6 =	vxor.u32 $0x7FFFFFFF, v7;
	vm0 =	vlt.s32 v7, $0x0  }
0x32: {  	s4 =	simm.s32 $0x30;
	v8 =	vsel vm0, v7, v6;
	v7 =	vld [tilespmem:s30+$0x0]  }
0x33: {  	v9 =	vld [tilespmem:s4+$0x0]  }
0x34: {  	v6 =	vand.u32 $0x7FF, v8  }
0x35: {  	(xrf1) =	vunique.msk.u32 $0xffff, v6;
	_ =	sdelay $0x1  }
0x36: {  	v10 =	vxor.u32 $0x7FFFFFFF, v7;
	vm0 =	vlt.s32 v7, $0x0  }
0x37: {  	v12 =	vxor.u32 $0x7FFFFFFF, v9;
	v7 =	vsel vm0, v7, v10;
	vm0 =	vlt.s32 v9, $0x0;
	_, v11, vm1 =	vpop (xrf1)  }
0x38: {  	v9 =	vsel vm0, v9, v12;
	v13 =	vsub.s32 v11, v2;
	v10 =	vsel vm1, $0x8000, v0  }
0x39: {  	v11 =	vshll.u32 v13, $0xB;
	v15 =	vor.u32 v14, v10;
	v10 =	vand.u32 $0x7FF, v7  }
0x3a: {  	[tilespmem:s24+$0x4000] =	vst v5;
	v5 =	vadd.s32 v11, v15;
	(xrf1) =	vunique.msk.u32 $0xffff, v10;
	v11 =	vand.u32 $0x7FF, v9  }
0x3b: {  	(xrf1) =	vunique.msk.u32 $0xffff, v11;
	_ =	sdelay $0x1  }
0x3c: {  	s31 =	simm.s32 $0x40  }
0x3d: {  	v12 =	vld [tilespmem:s31+$0x0];
	_ =	sdelay $0x2  }
0x3e: {  	v15 =	vadd.s32 $0x1, v13;
	[tilespmem:s24+$0xC000] =	vst v5  }
0x3f: {  	s26 =	simm.s32 $0x140;
	v5 =	vimm.f32 $-Inf;
	_, v13, vm0 =	vpop (xrf1);
	[tilespmem:v14+s19+$0x0] =	vst.idx.add.s32.msk vm1, v15  }
.LBB2_4:
0x40: {  	s18 =	sshra.s32 s26, $0x2;
	p0 =	sne.s32 s26, $0x7FC0;
	s26 =	sadd.s32 $0x40, s26;
	v14 =	vxor.u32 $0x7FFFFFFF, v12;
	vm1 =	vlt.s32 v12, $0x0;
	v15 =	vld [tilespmem:s24+$0x2000];
	v16 =	vmov v11  }
.Ltmp1:
0x41: {  	v13 =	vsub.s32 v13, v2;
	v17 =	vsel vm0, $0x8000, v0;
	s24 =	smov.u32 s0;
	s0 =	smov.u32 s30;
	v14 =	vsel vm1, v12, v14;
	v12 =	vld [tilespmem:s18+$0x0];
	(pc) =	sbr.rel @p0 .LBB2_4-.Ltmp1, $4  }
0x42: {  	s30 =	smov.u32 s4;
	s4 =	smov.u32 s31;
	v18 =	vshll.u32 v13, $0xB;
	v17 =	vor.u32 v6, v17;
	s31 =	smov.u32 s18;
	v11 =	vand.u32 $0x7FF, v14  }
0x43: {  	v17 =	vadd.s32 v18, v17;
	(xrf1) =	vunique.msk.u32 $0xffff, v11;
	[tilespmem:s24+$0x4000] =	vst v8;
	v8 =	vmovc v7;
	v7 =	vmov v9  }
0x44: {  	v9 =	vmov v14;
	[tilespmem:s24+$0xC000] =	vst v17;
	v17 =	vadd.s32 $0x1, v13;
	_ =	sdelay $0x1  }
0x45: {  	[tilespmem:v6+s19+$0x0] =	vst.idx.add.s32.msk vm0, v17;
	_, v13, vm0 =	vpop (xrf1);
	v5 =	vmax.f32 v5, v15;
	v6 =	vmov v10;
	v10 =	vmov v16  }
0x46: {  	v14 =	vxor.u32 $0x7FFFFFFF, v12;
	vm1 =	vlt.s32 v12, $0x0  }
0x47: {  	v12 =	vsel vm1, v12, v14  }
0x48: {  	v14 =	vand.u32 $0x7FF, v12  }
0x49: {  	(xrf1) =	vunique.msk.u32 $0xffff, v14;
	_ =	sdelay $0x6  }
0x4a: {  	v13 =	vsub.s32 v13, v2;
	v15 =	vsel vm0, $0x8000, v0  }
0x4b: {  	_, v17, vm14 =	vpop (xrf1);
	v16 =	vshll.u32 v13, $0xB;
	v15 =	vor.u32 v6, v15  }
0x4c: {  	[tilespmem:s0+$0x4000] =	vst v8;
	v8 =	vadd.s32 v16, v15  }
0x4d: {  	v60 =	vsub.s32 v17, v2;
	v61 =	vsel vm14, $0x8000, v0;
	[tilespmem:s0+$0xC000] =	vst v8;
	v8 =	vadd.s32 $0x1, v13  }
0x4e: {  	[tilespmem:v6+s19+$0x0] =	vst.idx.add.s32.msk vm0, v8;
	v6 =	vshll.u32 v60, $0xB;
	v8 =	vor.u32 v10, v61;
	_, v62, vm15 =	vpop (xrf1)  }
0x4f: {  	[tilespmem:s30+$0x4000] =	vst v7;
	v6 =	vadd.s32 v6, v8  }
0x50: {  	[tilespmem:s30+$0xC000] =	vst v6;
	v6 =	vadd.s32 $0x1, v60;
	v7 =	vsub.s32 v62, v2;
	v8 =	vsel vm15, $0x8000, v0  }
0x51: {  	[tilespmem:v10+s19+$0x0] =	vst.idx.add.s32.msk vm14, v6;
	v6 =	vshll.u32 v7, $0xB;
	v8 =	vor.u32 v11, v8;
	_, v10, vm1 =	vpop (xrf1)  }
0x52: {  	v63 =	vld [tilespmem:s24+$0x2000];
	[tilespmem:s4+$0x4000] =	vst v9;
	v6 =	vadd.s32 v6, v8  }
0x53: {  	v8 =	vld [tilespmem:s0+$0x2000];
	[tilespmem:s4+$0xC000] =	vst v6;
	v6 =	vadd.s32 $0x1, v7;
	v7 =	vsub.s32 v10, v2;
	v9 =	vsel vm1, $0x8000, v0  }
0x54: {  	[tilespmem:v11+s19+$0x0] =	vst.idx.add.s32.msk vm15, v6;
	v6 =	vshll.u32 v7, $0xB;
	v9 =	vor.u32 v14, v9  }
0x55: {  	[tilespmem:s31+$0x4000] =	vst v12;
	v10 =	vld [tilespmem:s30+$0x2000];
	v6 =	vadd.s32 v6, v9  }
0x56: {  	v9 =	vld [tilespmem:s4+$0x2000];
	[tilespmem:s31+$0xC000] =	vst v6;
	v6 =	vadd.s32 $0x1, v7  }
0x57: {  	[tilespmem:v14+s19+$0x0] =	vst.idx.add.s32.msk vm1, v6  }
0x58: {  	v6 =	vld [tilespmem:s31+$0x2000]  }
0x59: {  	v5 =	vmax.f32 v5, v63  }
0x5a: {  	v5 =	vmax.f32 v5, v8;
	[spmem:s8] =	stream.linear.scatter [tilespmem:s19], [sflag:$0x2], $0x800, $0x38;
	[tilespmem:$0x17B10] =	vst v63  }
0x5b: {  	v5 =	vmax.f32 v5, v10;
	_ =	swait.ge [sflag:s17], $0x800  }
0x5c: {  	v5 =	vmax.f32 v5, v9;
	[sflag:s17] =	ssyncset.done $0x0  }
0x5d: {  	[sflag:s17] =	ssyncadd.s32 $0xFFFFF800;
	v5 =	vmax.f32 v5, v6  }
0x5e: {  	[tilespmem:$0x13280] =	vst v5  }
0x5f: {  	[spmem:s9] =	stream.linear.scatter [tilespmem:s20], [sflag:$0x2], $0x10, $0x38;
	[tilespmem:$0x17B10] =	vst v63  }
0x60: {  	_ =	swait.ge [sflag:s17], $0x10  }
0x61: {  	[sflag:s17] =	ssyncset.done $0x0  }
0x62: {  	[sflag:s17] =	ssyncadd.s32 $0xFFFFFFF0  }
0x63: {  	[bflag:$0x0] =	sbarrier.arrive $0xFFFF  }
0x64: {  	[tilespmem:s20], [sflag:$0x2] =	stream.linear.gather [spmem:s10], $0x10, $0x38;
	[tilespmem:$0x17B10] =	vst v63  }
0x65: {  	_ =	swait.ge [sflag:s17], $0x10  }
0x66: {  	[sflag:s17] =	ssyncset.done $0x0  }
0x67: {  	[sflag:s17] =	ssyncadd.s32 $0xFFFFFFF0  }
0x68: {  	v6 =	vld [tilespmem:$0x13280];
	[tilespmem:s21], [sflag:$0x2] =	stream.linear.gather [spmem:s11], $0x800, $0x38  }
0x69: {  	_ =	swait.ge [sflag:s17], $0x800  }
0x6a: {  	[sflag:s17] =	ssyncset.done $0x0  }
0x6b: {  	s0 =	simm.s32 $0x10020;
	[sflag:s17] =	ssyncadd.s32 $0xFFFFF800  }
0x6c: {  	s31 =	simm.s32 $0x10820;
	v7 =	vld [tilespmem:s0+$0xFFFFFFE0]  }
0x6d: {  	v8 =	vld [tilespmem:s31+$0xFFFFFFE0];
	_ =	sdelay $0x4  }
0x6e: {  	v7 =	vadd.s32 v7, v8  }
0x6f: {  	(xrf0) =	vadd.scan.msk.s32 $0xffff, v7;
	_ =	sdelay $0x4  }
0x70: {  	v8 =	vmul.u32 v3, v8  }
0x71: {  	v7 =	vsub.s32 s5, v7;
	v9, _, _ =	vpop (xrf0)  }
0x72: {  	v7 =	vadd.s32 v8, v7;
	(v2sf) =	vpush v9, $0xF  }
0x73: {  	v7 =	vadd.s32 v9, v7  }
0x74: {  	[tilespmem:s0+$0xFFFFFFE0] =	vst v7;
	v7 =	vld [tilespmem:s0+$0xFFFFFFF0]  }
0x75: {  	v8 =	vld [tilespmem:s31+$0xFFFFFFF0];
	_ =	sdelay $0x4  }
0x76: {  	v7 =	vadd.s32 v7, v8  }
0x77: {  	(xrf0) =	vadd.scan.msk.s32 $0xffff, v7;
	_ =	sdelay $0x1  }
0x78: {  	v8 =	vmul.u32 v3, v8;
	_ =	sdelay $0x3  }
0x79: {  	v7 =	vsub.s32 v8, v7;
	v8, _, _ =	vpop (xrf0);
	s18 =	spop (v2sf)  }
0x7a: {  	v7 =	vadd.s32 v8, v7;
	(v2sf) =	vpush v8, $0xF;
	s18 =	sadd.s32 s5, s18  }
0x7b: {  	v7 =	vadd.s32 s18, v7  }
0x7c: {  	[tilespmem:s0+$0xFFFFFFF0] =	vst v7;
	v7 =	vld [tilespmem:s0+$0x0]  }
0x7d: {  	v8 =	vld [tilespmem:s31+$0x0];
	_ =	sdelay $0x4  }
0x7e: {  	v7 =	vadd.s32 v7, v8  }
0x7f: {  	(xrf0) =	vadd.scan.msk.s32 $0xffff, v7;
	_ =	sdelay $0x1  }
0x80: {  	v8 =	vmul.u32 v3, v8;
	_ =	sdelay $0x3  }
0x81: {  	v7 =	vsub.s32 v8, v7;
	s26 =	spop (v2sf);
	v8, _, _ =	vpop (xrf0)  }
0x82: {  	s18 =	sadd.s32 s18, s26;
	v7 =	vadd.s32 v8, v7  }
0x83: {  	(v2sf) =	vpush v8, $0xF;
	v7 =	vadd.s32 s18, v7  }
0x84: {  	[tilespmem:s0+$0x0] =	vst v7;
	v7 =	vld [tilespmem:s0+$0x10]  }
0x85: {  	v9 =	vld [tilespmem:s31+$0x10];
	_ =	sdelay $0x4  }
0x86: {  	v7 =	vadd.s32 v7, v9  }
0x87: {  	(xrf0) =	vadd.scan.msk.s32 $0xffff, v7;
	_ =	sdelay $0x4  }
0x88: {  	v9 =	vmul.u32 v3, v9  }
0x89: {  	v8, _, _ =	vpop (xrf0)  }
0x8a: {  	v7 =	vsub.s32 v9, v7;
	s31 =	spop (v2sf);
	(v2sf) =	vpush v8, $0xF  }
0x8b: {  	s26 =	sadd.s32 s18, s31;
	v7 =	vadd.s32 v8, v7  }
0x8c: {  	v7 =	vadd.s32 s26, v7  }
0x8d: {  	[tilespmem:s0+$0x10] =	vst v7;
	s0 =	simm.s32 $0x10060  }
0x8e: {  	s4 =	simm.s32 $0x10860;
	v7 =	vld [tilespmem:s0+$0xFFFFFFE0]  }
0x8f: {  	v9 =	vld [tilespmem:s4+$0xFFFFFFE0];
	_ =	sdelay $0x4  }
0x90: {  	v8 =	vadd.s32 v7, v9  }
0x91: {  	(xrf0) =	vadd.scan.msk.s32 $0xffff, v8;
	_ =	sdelay $0x3  }
0x92: {  	s24 =	simm.s32 $0x4;
	s30 =	simm.s32 $0xFFFFFFFC;
	v7 =	vmul.u32 v3, v9;
	s18 =	spop (v2sf)  }
.LBB2_6:
0x93: {  	s24 =	sadd.s32 $0x4, s24;
	s18 =	sadd.s32 s26, s18;
	s31 =	simm.s32 $0x30  }
0x94: {  	p0 =	slt.u32 s24, $0x7C;
	v8 =	vsub.s32 s18, v8;
	v9, _, _ =	vpop (xrf0)  }
0x95: {  	v7 =	vadd.s32 v7, v8;
	(v2sf) =	vpush v9, $0xF  }
0x96: {  	v7 =	vadd.s32 v9, v7  }
0x97: {  	[tilespmem:s0+$0xFFFFFFE0] =	vst v7;
	v7 =	vld [tilespmem:s0+$0xFFFFFFF0]  }
0x98: {  	v8 =	vld [tilespmem:s4+$0xFFFFFFF0];
	_ =	sdelay $0x4  }
0x99: {  	v7 =	vadd.s32 v7, v8;
	v8 =	vmul.u32 v3, v8  }
0x9a: {  	(xrf0) =	vadd.scan.msk.s32 $0xffff, v7  }
0x9b: {  	v7 =	vsub.s32 v8, v7;
	_ =	sdelay $0x4  }
0x9c: {  	s26 =	spop (v2sf);
	v8, _, _ =	vpop (xrf0)  }
0x9d: {  	s18 =	sadd.s32 s18, s26;
	v7 =	vadd.s32 v8, v7;
	(v2sf) =	vpush v8, $0xF  }
0x9e: {  	v7 =	vadd.s32 s18, v7  }
0x9f: {  	[tilespmem:s0+$0xFFFFFFF0] =	vst v7;
	v7 =	vld [tilespmem:s0+$0x0]  }
0xa0: {  	v8 =	vld [tilespmem:s4+$0x0];
	_ =	sdelay $0x4  }
0xa1: {  	v7 =	vadd.s32 v7, v8;
	v8 =	vmul.u32 v3, v8  }
0xa2: {  	(xrf0) =	vadd.scan.msk.s32 $0xffff, v7  }
0xa3: {  	v7 =	vsub.s32 v8, v7;
	_ =	sdelay $0x4  }
0xa4: {  	s26 =	spop (v2sf);
	v8, _, _ =	vpop (xrf0)  }
0xa5: {  	s18 =	sadd.s32 s18, s26;
	v7 =	vadd.s32 v8, v7;
	(v2sf) =	vpush v8, $0xF  }
0xa6: {  	v7 =	vadd.s32 s18, v7  }
0xa7: {  	[tilespmem:s0+$0x0] =	vst v7;
	v7 =	vld [tilespmem:s0+$0x10]  }
0xa8: {  	v8 =	vld [tilespmem:s4+$0x10];
	_ =	sdelay $0x4  }
0xa9: {  	v7 =	vadd.s32 v7, v8;
	v8 =	vmul.u32 v3, v8  }
0xaa: {  	(xrf0) =	vadd.scan.msk.s32 $0xffff, v7  }
0xab: {  	v7 =	vsub.s32 v8, v7;
	_ =	sdelay $0x4  }
0xac: {  	s26 =	spop (v2sf);
	v8, _, _ =	vpop (xrf0)  }
0xad: {  	s26 =	sadd.s32 s18, s26;
	v7 =	vadd.s32 v8, v7;
	(v2sf) =	vpush v8, $0xF  }
0xae: {  	v7 =	vadd.s32 s26, v7  }
0xaf: {  	[tilespmem:s0+$0x10] =	vst v7  }
0xb0: {  	s0 =	sadd.s32 $0x40, s0  }
0xb1: {  	s4 =	sadd.s32 $0x40, s4;
	v7 =	vld [tilespmem:s0+$0xFFFFFFE0]  }
0xb2: {  	v9 =	vld [tilespmem:s4+$0xFFFFFFE0];
	_ =	sdelay $0x4  }
0xb3: {  	v8 =	vadd.s32 v7, v9;
	v7 =	vmul.u32 v3, v9  }
.Ltmp2:
0xb4: {  	(xrf0) =	vadd.scan.msk.s32 $0xffff, v8;
	(pc) =	sbr.rel @p0 .LBB2_6-.Ltmp2, $2  }
0xb5: {  	_ =	sdelay $0x2  }
0xb6: {  	s18 =	spop (v2sf)  }
0xb7: {  	s18 =	sadd.s32 s26, s18  }
0xb8: {  	v8 =	vsub.s32 s18, v8;
	v9, _, _ =	vpop (xrf0)  }
0xb9: {  	v7 =	vadd.s32 v7, v8;
	(v2sf) =	vpush v9, $0xF  }
0xba: {  	v7 =	vadd.s32 v9, v7  }
0xbb: {  	[tilespmem:s0+$0xFFFFFFE0] =	vst v7;
	v7 =	vld [tilespmem:s0+$0xFFFFFFF0]  }
0xbc: {  	v8 =	vld [tilespmem:s4+$0xFFFFFFF0];
	_ =	sdelay $0x4  }
0xbd: {  	v7 =	vadd.s32 v7, v8  }
0xbe: {  	(xrf0) =	vadd.scan.msk.s32 $0xffff, v7;
	_ =	sdelay $0x1  }
0xbf: {  	v8 =	vmul.u32 v3, v8;
	_ =	sdelay $0x3  }
0xc0: {  	v7 =	vsub.s32 v8, v7;
	s24 =	spop (v2sf);
	v8, _, _ =	vpop (xrf0)  }
0xc1: {  	s18 =	sadd.s32 s18, s24;
	v7 =	vadd.s32 v8, v7;
	(v2sf) =	vpush v8, $0xF  }
0xc2: {  	v7 =	vadd.s32 s18, v7  }
0xc3: {  	[tilespmem:s0+$0xFFFFFFF0] =	vst v7;
	v7 =	vld [tilespmem:s0+$0x0]  }
0xc4: {  	v8 =	vld [tilespmem:s4+$0x0];
	_ =	sdelay $0x4  }
0xc5: {  	v7 =	vadd.s32 v7, v8  }
0xc6: {  	(xrf0) =	vadd.scan.msk.s32 $0xffff, v7;
	_ =	sdelay $0x1  }
0xc7: {  	v8 =	vmul.u32 v3, v8;
	_ =	sdelay $0x3  }
0xc8: {  	v7 =	vsub.s32 v8, v7;
	s26 =	spop (v2sf);
	v8, _, _ =	vpop (xrf0)  }
0xc9: {  	s18 =	sadd.s32 s18, s26;
	v7 =	vadd.s32 v8, v7  }
0xca: {  	v7 =	vadd.s32 s18, v7  }
0xcb: {  	[tilespmem:s0+$0x0] =	vst v7;
	v7 =	vld [tilespmem:s0+$0x10]  }
0xcc: {  	v63 =	vld [tilespmem:s4+$0x10];
	_ =	sdelay $0x4  }
0xcd: {  	v7 =	vadd.s32 v7, v63  }
0xce: {  	(xrf0) =	vadd.scan.msk.s32 $0xffff, v7;
	_ =	sdelay $0x3  }
0xcf: {  	(v2sf) =	vpush v8, $0xF;
	_ =	sdelay $0x1  }
0xd0: {  	v8, _, _ =	vpop (xrf0)  }
0xd1: {  	(v2sf) =	vpush v8, $0xF;
	_ =	sdelay $0x9  }
0xd2: {  	v9 =	vmul.u32 v3, v63;
	_ =	sdelay $0x1  }
0xd3: {  	v7 =	vsub.s32 v9, v7;
	s24 =	spop (v2sf)  }
0xd4: {  	s4 =	sadd.s32 s18, s24;
	v7 =	vadd.s32 v8, v7  }
0xd5: {  	v7 =	vadd.s32 s4, v7  }
0xd6: {  	[tilespmem:s0+$0x10] =	vst v7;
	s0 =	simm.s32 $0xC020;
	s26 =	spop (v2sf)  }
.LBB2_8:
0xd7: {  	v7 =	vld [tilespmem:s0+$0xFFFFFFE0];
	_ =	sdelay $0x4  }
0xd8: {  	v8 =	vand.u32 $0x7FF, v7;
	_ =	sdelay $0x4  }
0xd9: {  	v9 =	vld.idx.msk [tilespmem:v8+s19+$0x0], $0xffff  }
0xda: {  	vm0 =	vgt.s32 v7, $0x7FFF  }
0xdb: {  	s4 =	sadd.s32 $0xFFFFFFD0, s31  }
0xdc: {  	s18 =	sand.u32 $0x1F80, s4;
	v7 =	vshrl.u32 v7, $0xB  }
0xdd: {  	s4 =	sand.u32 $0x40, s4;
	s18 =	sor.u32 $0xE000, s18;
	v7 =	vand.u32 $0xF, v7  }
0xde: {  	s4 =	sor.u32 s4, s18;
	v9 =	vadd.s32 v9, v7  }
0xdf: {  	v7 =	vadd.s32 $0x1, v7;
	[tilespmem:s4+$0x0] =	vst v9  }
0xe0: {  	[tilespmem:v8+s19+$0x0] =	vst.idx.add.s32.msk vm0, v7  }
0xe1: {  	v7 =	vld [tilespmem:s0+$0xFFFFFFF0];
	_ =	sdelay $0x4  }
0xe2: {  	v8 =	vand.u32 $0x7FF, v7;
	_ =	sdelay $0x4  }
0xe3: {  	v9 =	vld.idx.msk [tilespmem:v8+s19+$0x0], $0xffff  }
0xe4: {  	vm13 =	vgt.s32 v7, $0x7FFF;
	_ =	sdelay $0x1  }
0xe5: {  	s26 =	sadd.s32 $0xFFFFFFE0, s31;
	v7 =	vshrl.u32 v7, $0xB  }
0xe6: {  	s4 =	sand.u32 $0x50, s26;
	v7 =	vand.u32 $0xF, v7  }
0xe7: {  	s4 =	sor.u32 s4, s18;
	v9 =	vadd.s32 v9, v7  }
0xe8: {  	v7 =	vadd.s32 $0x1, v7;
	[tilespmem:s4+$0x0] =	vst v9  }
0xe9: {  	[tilespmem:v8+s19+$0x0] =	vst.idx.add.s32.msk vm13, v7  }
0xea: {  	v7 =	vld [tilespmem:s0+$0x0];
	_ =	sdelay $0x4  }
0xeb: {  	v8 =	vand.u32 $0x7FF, v7;
	_ =	sdelay $0x4  }
0xec: {  	v9 =	vld.idx.msk [tilespmem:v8+s19+$0x0], $0xffff  }
0xed: {  	vm14 =	vgt.s32 v7, $0x7FFF;
	_ =	sdelay $0x1  }
0xee: {  	s24 =	sadd.s32 $0xFFFFFFF0, s31;
	v7 =	vshrl.u32 v7, $0xB  }
0xef: {  	s4 =	sand.u32 $0x60, s24;
	v7 =	vand.u32 $0xF, v7  }
0xf0: {  	s4 =	sor.u32 s4, s18;
	v9 =	vadd.s32 v9, v7  }
0xf1: {  	v7 =	vadd.s32 $0x1, v7;
	[tilespmem:s4+$0x0] =	vst v9  }
0xf2: {  	[tilespmem:v8+s19+$0x0] =	vst.idx.add.s32.msk vm14, v7  }
0xf3: {  	v7 =	vld [tilespmem:s0+$0x10];
	_ =	sdelay $0x4  }
0xf4: {  	v8 =	vand.u32 $0x7FF, v7;
	_ =	sdelay $0x4  }
0xf5: {  	v9 =	vld.idx.msk [tilespmem:v8+s19+$0x0], $0xffff  }
0xf6: {  	s30 =	sadd.s32 $0x4, s30;
	vm15 =	vgt.s32 v7, $0x7FFF  }
0xf7: {  	p0 =	slt.u32 s30, $0x1FC  }
.Ltmp3:
0xf8: {  	v7 =	vshrl.u32 v7, $0xB;
	(pc) =	sbr.rel @p0 .LBB2_8-.Ltmp3, $4  }
0xf9: {  	s26 =	sand.u32 $0x70, s31;
	v7 =	vand.u32 $0xF, v7  }
0xfa: {  	s4 =	sor.u32 s26, s18;
	v9 =	vadd.s32 v9, v7  }
0xfb: {  	v7 =	vadd.s32 $0x1, v7;
	[tilespmem:s4+$0x0] =	vst v9  }
0xfc: {  	s31 =	sadd.s32 $0x40, s31;
	s0 =	sadd.s32 $0x40, s0;
	[tilespmem:v8+s19+$0x0] =	vst.idx.add.s32.msk vm15, v7  }
0xfd: {  	s0 =	simm.s32 $0x4000;
	s4 =	simm.s32 $0xE000  }
0xfe: {  	[spmem:s1] =	stream.indirect.scatter [tilespmem:s0], [sflag:$0x1], $0x1, s4, s22, $0xb8;
	[tilespmem:$0x17B10] =	vst v63  }
0xff: {  	s18 =	simm.s32 $0x2000;
	s0 =	simm.s32 $0x200  }
.LBB2_10:
0x100: {  	[spmem:s2] =	stream.indirect.scatter [tilespmem:s18], [sflag:$0x1], $0x1, s4, s22, $0xb8;
	[tilespmem:$0x17B10] =	vst v63  }
0x101: {  	s4 =	smov.u32 s0;
	p0 =	sne.s32 s0, $0x7E00  }
.Ltmp4:
0x102: {  	s0 =	sadd.s32 $0x200, s0;
	(pc) =	sbr.rel @p0 .LBB2_10-.Ltmp4, $4  }
0x103: {  	s18 =	sshra.s32 s4, $0x2  }
0x104: {  	s24 =	sadd.s32 $0x4000, s18;
	s4 =	sadd.s32 $0xE000, s18  }
0x105: {  	[spmem:s1] =	stream.indirect.scatter [tilespmem:s24], [sflag:$0x1], $0x1, s4, s22, $0xb8;
	[tilespmem:$0x17B10] =	vst v63  }
0x106: {  	s18 =	sadd.s32 $0x2000, s18  }
0x107: {  	[spmem:s2] =	stream.indirect.scatter [tilespmem:s18], [sflag:$0x1], $0x1, s4, s22, $0xb8;
	[tilespmem:$0x17B10] =	vst v63  }
0x108: {  	_ =	swait.ge [sflag:s23], $0x80  }
0x109: {  	[sflag:s23] =	ssyncset.done $0x0  }
0x10a: {  	[sflag:s23] =	ssyncadd.s32 $0xFFFFFF80  }
0x10b: {  	_ =	swait.ge [sflag:s23], $0x80  }
0x10c: {  	s0 =	simm.s32 $0x3F;
	[sflag:s23] =	ssyncset.done $0x0  }
.LBB2_12:
0x10d: {  	p0 =	sne.s32 s0, $0x1;
	s0 =	sadd.s32 $0xFFFFFFFF, s0;
	[sflag:s23] =	ssyncadd.s32 $0xFFFFFF80  }
.Ltmp5:
0x10e: {  	_ =	swait.ge [sflag:s23], $0x80;
	(pc) =	sbr.rel @p0 .LBB2_12-.Ltmp5, $4  }
0x10f: {  	[sflag:s23] =	ssyncset.done $0x0  }
0x110: {  	[sflag:s23] =	ssyncadd.s32 $0xFFFFFF80  }
0x111: {  	_ =	swait.ge [sflag:s23], $0x80  }
0x112: {  	[sflag:s23] =	ssyncset.done $0x0  }
0x113: {  	[sflag:s23] =	ssyncadd.s32 $0xFFFFFF80  }
0x114: {  	s0 =	simm.s32 $0x6000;
	[bflag:$0x0] =	sbarrier.arrive $0xFFFF  }
0x115: {  	[tilespmem:s0], [sflag:$0x2] =	stream.linear.gather [spmem:s12], $0x2000, $0x38;
	[tilespmem:$0x17B10] =	vst v63  }
0x116: {  	_ =	swait.ge [sflag:s17], $0x2000  }
0x117: {  	[sflag:s17] =	ssyncset.done $0x0  }
0x118: {  	s31 =	simm.s32 $0x8000;
	[sflag:s17] =	ssyncadd.s32 $0xFFFFE000  }
0x119: {  	[tilespmem:s31], [sflag:$0x2] =	stream.linear.gather [spmem:s13], $0x2000, $0x38;
	[tilespmem:$0x17B10] =	vst v63  }
0x11a: {  	_ =	swait.ge [sflag:s17], $0x2000  }
0x11b: {  	[sflag:s17] =	ssyncset.done $0x0  }
0x11c: {  	s4 =	simm.s32 $0x0;
	s0 =	simm.s32 $0x40;
	[sflag:s17] =	ssyncadd.s32 $0xFFFFE000  }
.LBB2_14:
0x11d: {  	p0 =	sne.s32 s0, $0x1FC0;
	[tilespmem:s4+$0x10000] =	vst v0;
	s4 =	smov.u32 s0;
	s0 =	sadd.s32 $0x40, s0  }
.Ltmp6:
0x11e: {  	(pc) =	sbr.rel @p0 .LBB2_14-.Ltmp6, $2  }
0x11f: {  	_ =	sdelay $0x2  }
0x120: {  	s4 =	sshra.s32 s4, $0x2  }
0x121: {  	[tilespmem:s4+$0x10000] =	vst v0;
	s30 =	simm.s32 $0x0  }
0x122: {  	v7 =	vld [tilespmem:s30+$0x6000];
	_ =	sdelay $0x4  }
0x123: {  	s4 =	simm.s32 $0x10;
	v7 =	vshrl.u32 v7, $0xB  }
0x124: {  	s0 =	simm.s32 $0x20;
	v9 =	vand.u32 $0x7FF, v7;
	v7 =	vld [tilespmem:s4+$0x6000]  }
0x125: {  	v10 =	vld [tilespmem:s0+$0x6000];
	(xrf1) =	vunique.msk.u32 $0xffff, v9;
	_ =	sdelay $0x3  }
0x126: {  	v7 =	vshrl.u32 v7, $0xB  }
0x127: {  	v8 =	vand.u32 $0x7FF, v7;
	v7 =	vshrl.u32 v10, $0xB  }
0x128: {  	(xrf1) =	vunique.msk.u32 $0xffff, v8;
	v7 =	vand.u32 $0x7FF, v7  }
0x129: {  	(xrf1) =	vunique.msk.u32 $0xffff, v7;
	_ =	sdelay $0x2  }
0x12a: {  	s24 =	simm.s32 $0x30  }
0x12b: {  	v10 =	vld [tilespmem:s24+$0x6000];
	_ =	sdelay $0x2  }
0x12c: {  	s26 =	simm.s32 $0x100;
	_, v11, vm0 =	vpop (xrf1)  }
.LBB2_16:
0x12d: {  	p0 =	sne.s32 s26, $0x7FC0  }
.Ltmp7:
0x12e: {  	s18 =	sshra.s32 s26, $0x2;
	s26 =	sadd.s32 $0x40, s26;
	v11 =	vsub.s32 v11, v2;
	v13 =	vsel vm0, $0x8000, v0;
	v12 =	vshrl.u32 v10, $0xB;
	(pc) =	sbr.rel @p0 .LBB2_16-.Ltmp7, $4  }
0x12f: {  	v14 =	vshll.u32 v11, $0xB;
	v13 =	vor.u32 v9, v13;
	v10 =	vld [tilespmem:s18+$0x6000];
	v12 =	vand.u32 $0x7FF, v12  }
0x130: {  	v13 =	vadd.s32 v14, v13;
	(xrf1) =	vunique.msk.u32 $0xffff, v12  }
0x131: {  	[tilespmem:s30+$0xC000] =	vst v13;
	v13 =	vadd.s32 $0x1, v11;
	s30 =	smov.u32 s4;
	s4 =	smov.u32 s0;
	s0 =	smov.u32 s24  }
0x132: {  	s24 =	smov.u32 s18;
	[tilespmem:v9+s19+$0x0] =	vst.idx.add.s32.msk vm0, v13;
	_, v11, vm0 =	vpop (xrf1);
	v9 =	vmov v8;
	v8 =	vmov v7;
	v7 =	vmov v12  }
0x133: {  	_ = 	snop  }
0x134: {  	v10 =	vshrl.u32 v10, $0xB  }
0x135: {  	v10 =	vand.u32 $0x7FF, v10  }
0x136: {  	(xrf1) =	vunique.msk.u32 $0xffff, v10;
	_ =	sdelay $0x9  }
0x137: {  	v11 =	vsub.s32 v11, v2;
	v12 =	vsel vm0, $0x8000, v0;
	_, v13, vm1 =	vpop (xrf1)  }
0x138: {  	v14 =	vshll.u32 v11, $0xB;
	v12 =	vor.u32 v9, v12  }
0x139: {  	v13 =	vsub.s32 v13, v2;
	v58 =	vsel vm1, $0x8000, v0;
	v12 =	vadd.s32 v14, v12;
	_, v15, vm2 =	vpop (xrf1)  }
0x13a: {  	v11 =	vadd.s32 $0x1, v11;
	v59 =	vshll.u32 v13, $0xB;
	v14 =	vor.u32 v8, v58;
	[tilespmem:s30+$0xC000] =	vst v12  }
0x13b: {  	[tilespmem:v9+s19+$0x0] =	vst.idx.add.s32.msk vm0, v11;
	v9 =	vadd.s32 v59, v14;
	v11 =	vsub.s32 v15, v2;
	v60 =	vsel vm2, $0x8000, v0;
	_, v61, vm15 =	vpop (xrf1)  }
0x13c: {  	[tilespmem:s4+$0xC000] =	vst v9;
	v9 =	vadd.s32 $0x1, v13;
	v62 =	vshll.u32 v11, $0xB;
	v12 =	vor.u32 v7, v60  }
0x13d: {  	[tilespmem:v8+s19+$0x0] =	vst.idx.add.s32.msk vm1, v9;
	v8 =	vadd.s32 v62, v12;
	v9 =	vsub.s32 v61, v2;
	v63 =	vsel vm15, $0x8000, v0  }
0x13e: {  	[tilespmem:s0+$0xC000] =	vst v8;
	v8 =	vadd.s32 $0x1, v11;
	v11 =	vshll.u32 v9, $0xB;
	v12 =	vor.u32 v10, v63  }
0x13f: {  	[tilespmem:v7+s19+$0x0] =	vst.idx.add.s32.msk vm2, v8;
	v7 =	vadd.s32 v11, v12  }
0x140: {  	[tilespmem:s24+$0xC000] =	vst v7;
	v7 =	vadd.s32 $0x1, v9  }
0x141: {  	[tilespmem:v10+s19+$0x0] =	vst.idx.add.s32.msk vm15, v7  }
0x142: {  	[spmem:s8] =	stream.linear.scatter [tilespmem:s19], [sflag:$0x2], $0x800, $0x38;
	[tilespmem:$0x17B10] =	vst v63  }
0x143: {  	_ =	swait.ge [sflag:s17], $0x800  }
0x144: {  	[sflag:s17] =	ssyncset.done $0x0  }
0x145: {  	[sflag:s17] =	ssyncadd.s32 $0xFFFFF800  }
0x146: {  	[bflag:$0x0] =	sbarrier.arrive $0xFFFF  }
0x147: {  	[tilespmem:s21], [sflag:$0x2] =	stream.linear.gather [spmem:s11], $0x800, $0x38;
	[tilespmem:$0x17B10] =	vst v63  }
0x148: {  	_ =	swait.ge [sflag:s17], $0x800  }
0x149: {  	[sflag:s17] =	ssyncset.done $0x0  }
0x14a: {  	s0 =	simm.s32 $0x10020;
	[sflag:s17] =	ssyncadd.s32 $0xFFFFF800  }
0x14b: {  	s31 =	simm.s32 $0x10820;
	v7 =	vld [tilespmem:s0+$0xFFFFFFE0]  }
0x14c: {  	v8 =	vld [tilespmem:s31+$0xFFFFFFE0];
	_ =	sdelay $0x4  }
0x14d: {  	v7 =	vadd.s32 v7, v8  }
0x14e: {  	(xrf0) =	vadd.scan.msk.s32 $0xffff, v7;
	_ =	sdelay $0x4  }
0x14f: {  	v8 =	vmul.u32 v3, v8  }
0x150: {  	v7 =	vsub.s32 s5, v7;
	v9, _, _ =	vpop (xrf0)  }
0x151: {  	v7 =	vadd.s32 v8, v7;
	(v2sf) =	vpush v9, $0xF  }
0x152: {  	v7 =	vadd.s32 v9, v7  }
0x153: {  	[tilespmem:s0+$0xFFFFFFE0] =	vst v7;
	v7 =	vld [tilespmem:s0+$0xFFFFFFF0]  }
0x154: {  	v8 =	vld [tilespmem:s31+$0xFFFFFFF0];
	_ =	sdelay $0x4  }
0x155: {  	v7 =	vadd.s32 v7, v8  }
0x156: {  	(xrf0) =	vadd.scan.msk.s32 $0xffff, v7;
	_ =	sdelay $0x1  }
0x157: {  	v8 =	vmul.u32 v3, v8;
	_ =	sdelay $0x3  }
0x158: {  	v7 =	vsub.s32 v8, v7;
	v8, _, _ =	vpop (xrf0);
	s18 =	spop (v2sf)  }
0x159: {  	v7 =	vadd.s32 v8, v7;
	(v2sf) =	vpush v8, $0xF;
	s18 =	sadd.s32 s5, s18  }
0x15a: {  	v7 =	vadd.s32 s18, v7  }
0x15b: {  	[tilespmem:s0+$0xFFFFFFF0] =	vst v7;
	v7 =	vld [tilespmem:s0+$0x0]  }
0x15c: {  	v8 =	vld [tilespmem:s31+$0x0];
	_ =	sdelay $0x4  }
0x15d: {  	v7 =	vadd.s32 v7, v8  }
0x15e: {  	(xrf0) =	vadd.scan.msk.s32 $0xffff, v7;
	_ =	sdelay $0x1  }
0x15f: {  	v8 =	vmul.u32 v3, v8;
	_ =	sdelay $0x3  }
0x160: {  	v7 =	vsub.s32 v8, v7;
	s26 =	spop (v2sf);
	v8, _, _ =	vpop (xrf0)  }
0x161: {  	s18 =	sadd.s32 s18, s26;
	v7 =	vadd.s32 v8, v7  }
0x162: {  	(v2sf) =	vpush v8, $0xF;
	v7 =	vadd.s32 s18, v7  }
0x163: {  	[tilespmem:s0+$0x0] =	vst v7;
	v7 =	vld [tilespmem:s0+$0x10]  }
0x164: {  	v9 =	vld [tilespmem:s31+$0x10];
	_ =	sdelay $0x4  }
0x165: {  	v7 =	vadd.s32 v7, v9  }
0x166: {  	(xrf0) =	vadd.scan.msk.s32 $0xffff, v7;
	_ =	sdelay $0x4  }
0x167: {  	v9 =	vmul.u32 v3, v9  }
0x168: {  	v8, _, _ =	vpop (xrf0)  }
0x169: {  	v7 =	vsub.s32 v9, v7;
	s31 =	spop (v2sf);
	(v2sf) =	vpush v8, $0xF  }
0x16a: {  	s26 =	sadd.s32 s18, s31;
	v7 =	vadd.s32 v8, v7  }
0x16b: {  	v7 =	vadd.s32 s26, v7  }
0x16c: {  	[tilespmem:s0+$0x10] =	vst v7;
	s0 =	simm.s32 $0x10060  }
0x16d: {  	s4 =	simm.s32 $0x10860;
	v7 =	vld [tilespmem:s0+$0xFFFFFFE0]  }
0x16e: {  	v9 =	vld [tilespmem:s4+$0xFFFFFFE0];
	_ =	sdelay $0x4  }
0x16f: {  	v8 =	vadd.s32 v7, v9  }
0x170: {  	(xrf0) =	vadd.scan.msk.s32 $0xffff, v8;
	_ =	sdelay $0x3  }
0x171: {  	s30 =	simm.s32 $0xFFFFFFFC;
	s24 =	simm.s32 $0x4;
	v7 =	vmul.u32 v3, v9;
	s18 =	spop (v2sf)  }
.LBB2_18:
0x172: {  	s24 =	sadd.s32 $0x4, s24;
	s18 =	sadd.s32 s26, s18  }
0x173: {  	p0 =	slt.u32 s24, $0x7C;
	v8 =	vsub.s32 s18, v8;
	v9, _, _ =	vpop (xrf0)  }
0x174: {  	v7 =	vadd.s32 v7, v8;
	(v2sf) =	vpush v9, $0xF  }
0x175: {  	v7 =	vadd.s32 v9, v7  }
0x176: {  	[tilespmem:s0+$0xFFFFFFE0] =	vst v7;
	v7 =	vld [tilespmem:s0+$0xFFFFFFF0]  }
0x177: {  	v8 =	vld [tilespmem:s4+$0xFFFFFFF0];
	_ =	sdelay $0x4  }
0x178: {  	v7 =	vadd.s32 v7, v8;
	v8 =	vmul.u32 v3, v8  }
0x179: {  	(xrf0) =	vadd.scan.msk.s32 $0xffff, v7  }
0x17a: {  	v7 =	vsub.s32 v8, v7;
	_ =	sdelay $0x4  }
0x17b: {  	s26 =	spop (v2sf);
	v8, _, _ =	vpop (xrf0)  }
0x17c: {  	s18 =	sadd.s32 s18, s26;
	v7 =	vadd.s32 v8, v7;
	(v2sf) =	vpush v8, $0xF  }
0x17d: {  	v7 =	vadd.s32 s18, v7  }
0x17e: {  	[tilespmem:s0+$0xFFFFFFF0] =	vst v7;
	v7 =	vld [tilespmem:s0+$0x0]  }
0x17f: {  	v8 =	vld [tilespmem:s4+$0x0];
	_ =	sdelay $0x4  }
0x180: {  	v7 =	vadd.s32 v7, v8;
	v8 =	vmul.u32 v3, v8  }
0x181: {  	(xrf0) =	vadd.scan.msk.s32 $0xffff, v7  }
0x182: {  	v7 =	vsub.s32 v8, v7;
	_ =	sdelay $0x4  }
0x183: {  	s26 =	spop (v2sf);
	v8, _, _ =	vpop (xrf0)  }
0x184: {  	s18 =	sadd.s32 s18, s26;
	v7 =	vadd.s32 v8, v7;
	(v2sf) =	vpush v8, $0xF  }
0x185: {  	v7 =	vadd.s32 s18, v7  }
0x186: {  	[tilespmem:s0+$0x0] =	vst v7;
	v7 =	vld [tilespmem:s0+$0x10]  }
0x187: {  	v8 =	vld [tilespmem:s4+$0x10];
	_ =	sdelay $0x4  }
0x188: {  	v7 =	vadd.s32 v7, v8;
	v8 =	vmul.u32 v3, v8  }
0x189: {  	(xrf0) =	vadd.scan.msk.s32 $0xffff, v7  }
0x18a: {  	v7 =	vsub.s32 v8, v7;
	_ =	sdelay $0x4  }
0x18b: {  	s26 =	spop (v2sf);
	v8, _, _ =	vpop (xrf0)  }
0x18c: {  	s26 =	sadd.s32 s18, s26;
	v7 =	vadd.s32 v8, v7;
	(v2sf) =	vpush v8, $0xF  }
0x18d: {  	v7 =	vadd.s32 s26, v7  }
0x18e: {  	[tilespmem:s0+$0x10] =	vst v7  }
0x18f: {  	s0 =	sadd.s32 $0x40, s0  }
0x190: {  	s4 =	sadd.s32 $0x40, s4;
	v7 =	vld [tilespmem:s0+$0xFFFFFFE0]  }
0x191: {  	v9 =	vld [tilespmem:s4+$0xFFFFFFE0];
	_ =	sdelay $0x4  }
0x192: {  	v8 =	vadd.s32 v7, v9;
	v7 =	vmul.u32 v3, v9  }
.Ltmp8:
0x193: {  	(xrf0) =	vadd.scan.msk.s32 $0xffff, v8;
	(pc) =	sbr.rel @p0 .LBB2_18-.Ltmp8, $2  }
0x194: {  	_ =	sdelay $0x2  }
0x195: {  	s18 =	spop (v2sf)  }
0x196: {  	s18 =	sadd.s32 s26, s18  }
0x197: {  	v8 =	vsub.s32 s18, v8;
	v9, _, _ =	vpop (xrf0)  }
0x198: {  	v7 =	vadd.s32 v7, v8;
	(v2sf) =	vpush v9, $0xF  }
0x199: {  	v7 =	vadd.s32 v9, v7  }
0x19a: {  	[tilespmem:s0+$0xFFFFFFE0] =	vst v7;
	v7 =	vld [tilespmem:s0+$0xFFFFFFF0]  }
0x19b: {  	v8 =	vld [tilespmem:s4+$0xFFFFFFF0];
	_ =	sdelay $0x4  }
0x19c: {  	v7 =	vadd.s32 v7, v8  }
0x19d: {  	(xrf0) =	vadd.scan.msk.s32 $0xffff, v7;
	_ =	sdelay $0x1  }
0x19e: {  	v8 =	vmul.u32 v3, v8;
	_ =	sdelay $0x3  }
0x19f: {  	v7 =	vsub.s32 v8, v7;
	s24 =	spop (v2sf);
	v8, _, _ =	vpop (xrf0)  }
0x1a0: {  	s18 =	sadd.s32 s18, s24;
	v7 =	vadd.s32 v8, v7;
	(v2sf) =	vpush v8, $0xF  }
0x1a1: {  	v7 =	vadd.s32 s18, v7  }
0x1a2: {  	[tilespmem:s0+$0xFFFFFFF0] =	vst v7;
	v7 =	vld [tilespmem:s0+$0x0]  }
0x1a3: {  	v8 =	vld [tilespmem:s4+$0x0];
	_ =	sdelay $0x4  }
0x1a4: {  	v7 =	vadd.s32 v7, v8  }
0x1a5: {  	(xrf0) =	vadd.scan.msk.s32 $0xffff, v7;
	_ =	sdelay $0x1  }
0x1a6: {  	v8 =	vmul.u32 v3, v8;
	_ =	sdelay $0x3  }
0x1a7: {  	v7 =	vsub.s32 v8, v7;
	s31 =	spop (v2sf);
	v8, _, _ =	vpop (xrf0)  }
0x1a8: {  	s18 =	sadd.s32 s18, s31;
	v7 =	vadd.s32 v8, v7  }
0x1a9: {  	v7 =	vadd.s32 s18, v7  }
0x1aa: {  	[tilespmem:s0+$0x0] =	vst v7;
	v7 =	vld [tilespmem:s0+$0x10]  }
0x1ab: {  	v63 =	vld [tilespmem:s4+$0x10];
	_ =	sdelay $0x4  }
0x1ac: {  	v7 =	vadd.s32 v7, v63  }
0x1ad: {  	(xrf0) =	vadd.scan.msk.s32 $0xffff, v7;
	_ =	sdelay $0x3  }
0x1ae: {  	(v2sf) =	vpush v8, $0xF;
	_ =	sdelay $0x1  }
0x1af: {  	v8, _, _ =	vpop (xrf0)  }
0x1b0: {  	(v2sf) =	vpush v8, $0xF;
	_ =	sdelay $0x9  }
0x1b1: {  	v9 =	vmul.u32 v3, v63;
	_ =	sdelay $0x1  }
0x1b2: {  	v7 =	vsub.s32 v9, v7;
	s26 =	spop (v2sf)  }
0x1b3: {  	s4 =	sadd.s32 s18, s26;
	v7 =	vadd.s32 v8, v7  }
0x1b4: {  	v7 =	vadd.s32 s4, v7  }
0x1b5: {  	s4 =	simm.s32 $0x30;
	[tilespmem:s0+$0x10] =	vst v7;
	s0 =	simm.s32 $0xC020;
	s31 =	spop (v2sf)  }
.LBB2_20:
0x1b6: {  	v7 =	vld [tilespmem:s0+$0xFFFFFFE0];
	_ =	sdelay $0x4  }
0x1b7: {  	v8 =	vand.u32 $0x7FF, v7;
	_ =	sdelay $0x4  }
0x1b8: {  	v9 =	vld.idx.msk [tilespmem:v8+s19+$0x0], $0xffff  }
0x1b9: {  	vm0 =	vgt.s32 v7, $0x7FFF  }
0x1ba: {  	s18 =	sadd.s32 $0xFFFFFFD0, s4  }
0x1bb: {  	s24 =	sand.u32 $0x1F80, s18;
	v7 =	vshrl.u32 v7, $0xB  }
0x1bc: {  	s18 =	sand.u32 $0x40, s18;
	s24 =	sor.u32 $0xE000, s24;
	v7 =	vand.u32 $0xF, v7  }
0x1bd: {  	s18 =	sor.u32 s18, s24;
	v9 =	vadd.s32 v9, v7  }
0x1be: {  	v7 =	vadd.s32 $0x1, v7;
	[tilespmem:s18+$0x0] =	vst v9  }
0x1bf: {  	[tilespmem:v8+s19+$0x0] =	vst.idx.add.s32.msk vm0, v7  }
0x1c0: {  	v7 =	vld [tilespmem:s0+$0xFFFFFFF0];
	_ =	sdelay $0x4  }
0x1c1: {  	v8 =	vand.u32 $0x7FF, v7;
	_ =	sdelay $0x4  }
0x1c2: {  	v9 =	vld.idx.msk [tilespmem:v8+s19+$0x0], $0xffff  }
0x1c3: {  	vm13 =	vgt.s32 v7, $0x7FFF;
	_ =	sdelay $0x1  }
0x1c4: {  	s31 =	sadd.s32 $0xFFFFFFE0, s4;
	v7 =	vshrl.u32 v7, $0xB  }
0x1c5: {  	s18 =	sand.u32 $0x50, s31;
	v7 =	vand.u32 $0xF, v7  }
0x1c6: {  	s18 =	sor.u32 s18, s24;
	v9 =	vadd.s32 v9, v7  }
0x1c7: {  	v7 =	vadd.s32 $0x1, v7;
	[tilespmem:s18+$0x0] =	vst v9  }
0x1c8: {  	[tilespmem:v8+s19+$0x0] =	vst.idx.add.s32.msk vm13, v7  }
0x1c9: {  	v7 =	vld [tilespmem:s0+$0x0];
	_ =	sdelay $0x4  }
0x1ca: {  	v8 =	vand.u32 $0x7FF, v7;
	_ =	sdelay $0x4  }
0x1cb: {  	v9 =	vld.idx.msk [tilespmem:v8+s19+$0x0], $0xffff  }
0x1cc: {  	vm14 =	vgt.s32 v7, $0x7FFF;
	_ =	sdelay $0x1  }
0x1cd: {  	s26 =	sadd.s32 $0xFFFFFFF0, s4;
	v7 =	vshrl.u32 v7, $0xB  }
0x1ce: {  	s18 =	sand.u32 $0x60, s26;
	v7 =	vand.u32 $0xF, v7  }
0x1cf: {  	s18 =	sor.u32 s18, s24;
	v9 =	vadd.s32 v9, v7  }
0x1d0: {  	v7 =	vadd.s32 $0x1, v7;
	[tilespmem:s18+$0x0] =	vst v9  }
0x1d1: {  	[tilespmem:v8+s19+$0x0] =	vst.idx.add.s32.msk vm14, v7  }
0x1d2: {  	v7 =	vld [tilespmem:s0+$0x10];
	_ =	sdelay $0x4  }
0x1d3: {  	v8 =	vand.u32 $0x7FF, v7;
	_ =	sdelay $0x4  }
0x1d4: {  	v9 =	vld.idx.msk [tilespmem:v8+s19+$0x0], $0xffff  }
0x1d5: {  	s30 =	sadd.s32 $0x4, s30;
	vm15 =	vgt.s32 v7, $0x7FFF  }
0x1d6: {  	p0 =	slt.u32 s30, $0x1FC  }
.Ltmp9:
0x1d7: {  	v7 =	vshrl.u32 v7, $0xB;
	(pc) =	sbr.rel @p0 .LBB2_20-.Ltmp9, $4  }
0x1d8: {  	s31 =	sand.u32 $0x70, s4;
	v7 =	vand.u32 $0xF, v7  }
0x1d9: {  	s18 =	sor.u32 s31, s24;
	v9 =	vadd.s32 v9, v7  }
0x1da: {  	v7 =	vadd.s32 $0x1, v7;
	[tilespmem:s18+$0x0] =	vst v9  }
0x1db: {  	s4 =	sadd.s32 $0x40, s4;
	s0 =	sadd.s32 $0x40, s0;
	[tilespmem:v8+s19+$0x0] =	vst.idx.add.s32.msk vm15, v7  }
0x1dc: {  	s0 =	simm.s32 $0x6000;
	s4 =	simm.s32 $0xE000  }
0x1dd: {  	[spmem:s1] =	stream.indirect.scatter [tilespmem:s0], [sflag:$0x1], $0x1, s4, s22, $0xb8;
	[tilespmem:$0x17B10] =	vst v63  }
0x1de: {  	s18 =	simm.s32 $0x8000;
	s0 =	simm.s32 $0x200  }
.LBB2_22:
0x1df: {  	[spmem:s2] =	stream.indirect.scatter [tilespmem:s18], [sflag:$0x1], $0x1, s4, s22, $0xb8;
	[tilespmem:$0x17B10] =	vst v63  }
0x1e0: {  	s4 =	smov.u32 s0;
	p0 =	sne.s32 s0, $0x7E00  }
.Ltmp10:
0x1e1: {  	s0 =	sadd.s32 $0x200, s0;
	(pc) =	sbr.rel @p0 .LBB2_22-.Ltmp10, $4  }
0x1e2: {  	s18 =	sshra.s32 s4, $0x2  }
0x1e3: {  	s24 =	sadd.s32 $0x6000, s18;
	s4 =	sadd.s32 $0xE000, s18  }
0x1e4: {  	[spmem:s1] =	stream.indirect.scatter [tilespmem:s24], [sflag:$0x1], $0x1, s4, s22, $0xb8;
	[tilespmem:$0x17B10] =	vst v63  }
0x1e5: {  	s18 =	sadd.s32 $0x8000, s18  }
0x1e6: {  	[spmem:s2] =	stream.indirect.scatter [tilespmem:s18], [sflag:$0x1], $0x1, s4, s22, $0xb8;
	[tilespmem:$0x17B10] =	vst v63  }
0x1e7: {  	_ =	swait.ge [sflag:s23], $0x80  }
0x1e8: {  	[sflag:s23] =	ssyncset.done $0x0  }
0x1e9: {  	[sflag:s23] =	ssyncadd.s32 $0xFFFFFF80  }
0x1ea: {  	_ =	swait.ge [sflag:s23], $0x80  }
0x1eb: {  	s0 =	simm.s32 $0x3F;
	[sflag:s23] =	ssyncset.done $0x0  }
.LBB2_24:
0x1ec: {  	p0 =	sne.s32 s0, $0x1;
	s0 =	sadd.s32 $0xFFFFFFFF, s0;
	[sflag:s23] =	ssyncadd.s32 $0xFFFFFF80  }
.Ltmp11:
0x1ed: {  	_ =	swait.ge [sflag:s23], $0x80;
	(pc) =	sbr.rel @p0 .LBB2_24-.Ltmp11, $4  }
0x1ee: {  	[sflag:s23] =	ssyncset.done $0x0  }
0x1ef: {  	[sflag:s23] =	ssyncadd.s32 $0xFFFFFF80  }
0x1f0: {  	_ =	swait.ge [sflag:s23], $0x80  }
0x1f1: {  	[sflag:s23] =	ssyncset.done $0x0  }
0x1f2: {  	[sflag:s23] =	ssyncadd.s32 $0xFFFFFF80  }
0x1f3: {  	s0 =	simm.s32 $0x4000;
	[bflag:$0x0] =	sbarrier.arrive $0xFFFF  }
0x1f4: {  	[tilespmem:s0], [sflag:$0x2] =	stream.linear.gather [spmem:s12], $0x2000, $0x38;
	[tilespmem:$0x17B10] =	vst v63  }
0x1f5: {  	_ =	swait.ge [sflag:s17], $0x2000  }
0x1f6: {  	[sflag:s17] =	ssyncset.done $0x0  }
0x1f7: {  	[sflag:s17] =	ssyncadd.s32 $0xFFFFE000  }
0x1f8: {  	[tilespmem:s25], [sflag:$0x2] =	stream.linear.gather [spmem:s13], $0x2000, $0x38;
	[tilespmem:$0x17B10] =	vst v63  }
0x1f9: {  	_ =	swait.ge [sflag:s17], $0x2000  }
0x1fa: {  	[sflag:s17] =	ssyncset.done $0x0  }
0x1fb: {  	s4 =	simm.s32 $0x0;
	s0 =	simm.s32 $0x40;
	[sflag:s17] =	ssyncadd.s32 $0xFFFFE000  }
.LBB2_26:
0x1fc: {  	p0 =	sne.s32 s0, $0x1FC0;
	[tilespmem:s4+$0x10000] =	vst v0;
	s4 =	smov.u32 s0;
	s0 =	sadd.s32 $0x40, s0  }
.Ltmp12:
0x1fd: {  	(pc) =	sbr.rel @p0 .LBB2_26-.Ltmp12, $2  }
0x1fe: {  	_ =	sdelay $0x2  }
0x1ff: {  	s4 =	sshra.s32 s4, $0x2  }
0x200: {  	[tilespmem:s4+$0x10000] =	vst v0;
	s30 =	simm.s32 $0x0  }
0x201: {  	v7 =	vld [tilespmem:s30+$0x4000];
	_ =	sdelay $0x4  }
0x202: {  	v9 =	vshrl.u32 v7, $0x16  }
0x203: {  	(xrf1) =	vunique.msk.u32 $0xffff, v9;
	_ =	sdelay $0x4  }
0x204: {  	s24 =	simm.s32 $0x10  }
0x205: {  	v7 =	vld [tilespmem:s24+$0x4000]  }
0x206: {  	s0 =	simm.s32 $0x20  }
0x207: {  	v10 =	vld [tilespmem:s0+$0x4000];
	_ =	sdelay $0x2  }
0x208: {  	v8 =	vshrl.u32 v7, $0x16  }
0x209: {  	(xrf1) =	vunique.msk.u32 $0xffff, v8  }
0x20a: {  	v7 =	vshrl.u32 v10, $0x16  }
0x20b: {  	_, v11, vm0 =	vpop (xrf1);
	(xrf1) =	vunique.msk.u32 $0xffff, v7;
	_ =	sdelay $0x2  }
0x20c: {  	s4 =	simm.s32 $0x30  }
0x20d: {  	v10 =	vld [tilespmem:s4+$0x4000];
	_ =	sdelay $0x3  }
0x20e: {  	s26 =	simm.s32 $0x100;
	v11 =	vsub.s32 v11, v2;
	v12 =	vsel vm0, $0x8000, v0  }
.LBB2_28:
0x20f: {  	s18 =	sshra.s32 s26, $0x2;
	p0 =	sne.s32 s26, $0x7FC0;
	s26 =	sadd.s32 $0x40, s26;
	v13 =	vshrl.u32 v10, $0x16;
	v14 =	vshll.u32 v11, $0xB;
	v12 =	vor.u32 v9, v12  }
.Ltmp13:
0x210: {  	v10 =	vld [tilespmem:s18+$0x4000];
	(xrf1) =	vunique.msk.u32 $0xffff, v13;
	v12 =	vadd.s32 v14, v12;
	(pc) =	sbr.rel @p0 .LBB2_28-.Ltmp13, $3  }
0x211: {  	[tilespmem:s30+$0xC000] =	vst v12;
	v12 =	vadd.s32 $0x1, v11;
	s30 =	smov.u32 s24;
	s24 =	smov.u32 s0;
	s0 =	smov.u32 s4  }
0x212: {  	s4 =	smov.u32 s18;
	[tilespmem:v9+s19+$0x0] =	vst.idx.add.s32.msk vm0, v12;
	_, v11, vm0 =	vpop (xrf1);
	v9 =	vmov v8;
	v8 =	vmov v7;
	v7 =	vmov v13;
	_ =	sdelay $0x1  }
0x213: {  	v11 =	vsub.s32 v11, v2;
	v12 =	vsel vm0, $0x8000, v0  }
0x214: {  	v10 =	vshrl.u32 v10, $0x16  }
0x215: {  	(xrf1) =	vunique.msk.u32 $0xffff, v10;
	_ =	sdelay $0x9  }
0x216: {  	_, v13, vm1 =	vpop (xrf1)  }
0x217: {  	v14 =	vshll.u32 v11, $0xB;
	v12 =	vor.u32 v9, v12  }
0x218: {  	v12 =	vadd.s32 v14, v12;
	v13 =	vsub.s32 v13, v2;
	v58 =	vsel vm1, $0x8000, v0;
	_, v15, vm2 =	vpop (xrf1)  }
0x219: {  	v11 =	vadd.s32 $0x1, v11;
	[tilespmem:s30+$0xC000] =	vst v12;
	v59 =	vshll.u32 v13, $0xB;
	v14 =	vor.u32 v8, v58  }
0x21a: {  	[tilespmem:v9+s19+$0x0] =	vst.idx.add.s32.msk vm0, v11;
	v9 =	vadd.s32 v59, v14;
	v11 =	vsub.s32 v15, v2;
	v60 =	vsel vm2, $0x8000, v0;
	_, v61, vm15 =	vpop (xrf1)  }
0x21b: {  	[tilespmem:s24+$0xC000] =	vst v9;
	v9 =	vadd.s32 $0x1, v13;
	v62 =	vshll.u32 v11, $0xB;
	v12 =	vor.u32 v7, v60  }
0x21c: {  	[tilespmem:v8+s19+$0x0] =	vst.idx.add.s32.msk vm1, v9;
	v8 =	vadd.s32 v62, v12;
	v9 =	vsub.s32 v61, v2;
	v63 =	vsel vm15, $0x8000, v0  }
0x21d: {  	[tilespmem:s0+$0xC000] =	vst v8;
	v8 =	vadd.s32 $0x1, v11;
	v11 =	vshll.u32 v9, $0xB;
	v12 =	vor.u32 v10, v63  }
0x21e: {  	[tilespmem:v7+s19+$0x0] =	vst.idx.add.s32.msk vm2, v8;
	v7 =	vadd.s32 v11, v12  }
0x21f: {  	[tilespmem:s4+$0xC000] =	vst v7;
	v7 =	vadd.s32 $0x1, v9  }
0x220: {  	[tilespmem:v10+s19+$0x0] =	vst.idx.add.s32.msk vm15, v7  }
0x221: {  	[spmem:s8] =	stream.linear.scatter [tilespmem:s19], [sflag:$0x2], $0x800, $0x38;
	[tilespmem:$0x17B10] =	vst v63  }
0x222: {  	_ =	swait.ge [sflag:s17], $0x800  }
0x223: {  	[sflag:s17] =	ssyncset.done $0x0  }
0x224: {  	[sflag:s17] =	ssyncadd.s32 $0xFFFFF800  }
0x225: {  	[bflag:$0x0] =	sbarrier.arrive $0xFFFF  }
0x226: {  	[tilespmem:s21], [sflag:$0x2] =	stream.linear.gather [spmem:s11], $0x800, $0x38;
	[tilespmem:$0x17B10] =	vst v63  }
0x227: {  	_ =	swait.ge [sflag:s17], $0x800  }
0x228: {  	[sflag:s17] =	ssyncset.done $0x0  }
0x229: {  	s0 =	simm.s32 $0x10020;
	[sflag:s17] =	ssyncadd.s32 $0xFFFFF800  }
0x22a: {  	s26 =	simm.s32 $0x10820;
	v7 =	vld [tilespmem:s0+$0xFFFFFFE0]  }
0x22b: {  	v8 =	vld [tilespmem:s26+$0xFFFFFFE0];
	_ =	sdelay $0x4  }
0x22c: {  	v7 =	vadd.s32 v7, v8  }
0x22d: {  	(xrf0) =	vadd.scan.msk.s32 $0xffff, v7;
	_ =	sdelay $0x4  }
0x22e: {  	v8 =	vmul.u32 v3, v8  }
0x22f: {  	v7 =	vsub.s32 s5, v7;
	v9, _, _ =	vpop (xrf0)  }
0x230: {  	v7 =	vadd.s32 v8, v7;
	(v2sf) =	vpush v9, $0xF  }
0x231: {  	v7 =	vadd.s32 v9, v7  }
0x232: {  	[tilespmem:s0+$0xFFFFFFE0] =	vst v7;
	v7 =	vld [tilespmem:s0+$0xFFFFFFF0]  }
0x233: {  	v8 =	vld [tilespmem:s26+$0xFFFFFFF0];
	_ =	sdelay $0x4  }
0x234: {  	v7 =	vadd.s32 v7, v8  }
0x235: {  	(xrf0) =	vadd.scan.msk.s32 $0xffff, v7;
	_ =	sdelay $0x1  }
0x236: {  	v8 =	vmul.u32 v3, v8;
	_ =	sdelay $0x3  }
0x237: {  	v7 =	vsub.s32 v8, v7;
	v8, _, _ =	vpop (xrf0);
	s18 =	spop (v2sf)  }
0x238: {  	v7 =	vadd.s32 v8, v7;
	(v2sf) =	vpush v8, $0xF;
	s18 =	sadd.s32 s5, s18  }
0x239: {  	v7 =	vadd.s32 s18, v7  }
0x23a: {  	[tilespmem:s0+$0xFFFFFFF0] =	vst v7;
	v7 =	vld [tilespmem:s0+$0x0]  }
0x23b: {  	v8 =	vld [tilespmem:s26+$0x0];
	_ =	sdelay $0x4  }
0x23c: {  	v7 =	vadd.s32 v7, v8  }
0x23d: {  	(xrf0) =	vadd.scan.msk.s32 $0xffff, v7;
	_ =	sdelay $0x1  }
0x23e: {  	v8 =	vmul.u32 v3, v8;
	_ =	sdelay $0x3  }
0x23f: {  	v7 =	vsub.s32 v8, v7;
	s25 =	spop (v2sf);
	v8, _, _ =	vpop (xrf0)  }
0x240: {  	s18 =	sadd.s32 s18, s25;
	v7 =	vadd.s32 v8, v7  }
0x241: {  	v7 =	vadd.s32 s18, v7  }
0x242: {  	(v2sf) =	vpush v8, $0xF;
	[tilespmem:s0+$0x0] =	vst v7;
	v7 =	vld [tilespmem:s0+$0x10]  }
0x243: {  	v9 =	vld [tilespmem:s26+$0x10];
	_ =	sdelay $0x4  }
0x244: {  	v7 =	vadd.s32 v7, v9  }
0x245: {  	(xrf0) =	vadd.scan.msk.s32 $0xffff, v7;
	_ =	sdelay $0x5  }
0x246: {  	v9 =	vmul.u32 v3, v9;
	v8, _, _ =	vpop (xrf0)  }
0x247: {  	(v2sf) =	vpush v8, $0xF  }
0x248: {  	v7 =	vsub.s32 v9, v7;
	s26 =	spop (v2sf)  }
0x249: {  	v7 =	vadd.s32 v8, v7;
	s24 =	sadd.s32 s18, s26  }
0x24a: {  	s30 =	simm.s32 $0x10060;
	v7 =	vadd.s32 s24, v7  }
0x24b: {  	s4 =	simm.s32 $0x10860;
	v8 =	vld [tilespmem:s30+$0xFFFFFFE0];
	[tilespmem:s0+$0x10] =	vst v7  }
0x24c: {  	v7 =	vld [tilespmem:s4+$0xFFFFFFE0];
	_ =	sdelay $0x4  }
0x24d: {  	v8 =	vadd.s32 v8, v7  }
0x24e: {  	(xrf0) =	vadd.scan.msk.s32 $0xffff, v8;
	_ =	sdelay $0x3  }
0x24f: {  	s31 =	simm.s32 $0x4;
	s0 =	simm.s32 $0x10060;
	v7 =	vmul.u32 v3, v7;
	s26 =	spop (v2sf)  }
.LBB2_30:
0x250: {  	s31 =	sadd.s32 $0x4, s31;
	s18 =	sadd.s32 s24, s26  }
0x251: {  	p0 =	slt.u32 s31, $0x7C;
	v8 =	vsub.s32 s18, v8;
	v9, _, _ =	vpop (xrf0)  }
0x252: {  	v7 =	vadd.s32 v7, v8;
	(v2sf) =	vpush v9, $0xF  }
0x253: {  	v7 =	vadd.s32 v9, v7  }
0x254: {  	[tilespmem:s30+$0xFFFFFFE0] =	vst v7;
	v7 =	vld [tilespmem:s30+$0xFFFFFFF0]  }
0x255: {  	v8 =	vld [tilespmem:s4+$0xFFFFFFF0];
	_ =	sdelay $0x4  }
0x256: {  	v7 =	vadd.s32 v7, v8;
	v8 =	vmul.u32 v3, v8  }
0x257: {  	(xrf0) =	vadd.scan.msk.s32 $0xffff, v7  }
0x258: {  	v7 =	vsub.s32 v8, v7;
	_ =	sdelay $0x4  }
0x259: {  	s24 =	spop (v2sf);
	v8, _, _ =	vpop (xrf0)  }
0x25a: {  	s18 =	sadd.s32 s18, s24;
	v7 =	vadd.s32 v8, v7;
	(v2sf) =	vpush v8, $0xF  }
0x25b: {  	v7 =	vadd.s32 s18, v7  }
0x25c: {  	[tilespmem:s30+$0xFFFFFFF0] =	vst v7;
	v7 =	vld [tilespmem:s30+$0x0]  }
0x25d: {  	v8 =	vld [tilespmem:s4+$0x0];
	_ =	sdelay $0x4  }
0x25e: {  	v7 =	vadd.s32 v7, v8;
	v8 =	vmul.u32 v3, v8  }
0x25f: {  	(xrf0) =	vadd.scan.msk.s32 $0xffff, v7  }
0x260: {  	v7 =	vsub.s32 v8, v7;
	_ =	sdelay $0x4  }
0x261: {  	s24 =	spop (v2sf);
	v8, _, _ =	vpop (xrf0)  }
0x262: {  	s18 =	sadd.s32 s18, s24;
	v7 =	vadd.s32 v8, v7  }
0x263: {  	v7 =	vadd.s32 s18, v7  }
0x264: {  	[tilespmem:s30+$0x0] =	vst v7;
	v7 =	vld [tilespmem:s30+$0x10];
	(v2sf) =	vpush v8, $0xF  }
0x265: {  	v8 =	vld [tilespmem:s4+$0x10];
	_ =	sdelay $0x4  }
0x266: {  	v7 =	vadd.s32 v7, v8;
	v8 =	vmul.u32 v3, v8  }
0x267: {  	(xrf0) =	vadd.scan.msk.s32 $0xffff, v7  }
0x268: {  	v7 =	vsub.s32 v8, v7;
	_ =	sdelay $0x4  }
0x269: {  	v8, _, _ =	vpop (xrf0)  }
0x26a: {  	v7 =	vadd.s32 v8, v7;
	(v2sf) =	vpush v8, $0xF  }
0x26b: {  	s24 =	spop (v2sf)  }
0x26c: {  	s24 =	sadd.s32 s18, s24  }
0x26d: {  	s30 =	sadd.s32 $0x40, s30;
	v7 =	vadd.s32 s24, v7  }
0x26e: {  	s4 =	sadd.s32 $0x40, s4;
	v8 =	vld [tilespmem:s30+$0xFFFFFFE0];
	[tilespmem:s0+$0x10] =	vst v7;
	s0 =	smov.u32 s30  }
0x26f: {  	v7 =	vld [tilespmem:s4+$0xFFFFFFE0];
	_ =	sdelay $0x4  }
0x270: {  	v8 =	vadd.s32 v8, v7;
	v7 =	vmul.u32 v3, v7  }
.Ltmp14:
0x271: {  	(xrf0) =	vadd.scan.msk.s32 $0xffff, v8;
	(pc) =	sbr.rel @p0 .LBB2_30-.Ltmp14, $2  }
0x272: {  	_ =	sdelay $0x2  }
0x273: {  	s26 =	spop (v2sf)  }
0x274: {  	s18 =	sadd.s32 s24, s26  }
0x275: {  	v8 =	vsub.s32 s18, v8;
	v9, _, _ =	vpop (xrf0)  }
0x276: {  	v7 =	vadd.s32 v7, v8;
	(v2sf) =	vpush v9, $0xF  }
0x277: {  	v7 =	vadd.s32 v9, v7  }
0x278: {  	[tilespmem:s30+$0xFFFFFFE0] =	vst v7;
	v7 =	vld [tilespmem:s30+$0xFFFFFFF0]  }
0x279: {  	v8 =	vld [tilespmem:s4+$0xFFFFFFF0];
	_ =	sdelay $0x4  }
0x27a: {  	v7 =	vadd.s32 v7, v8  }
0x27b: {  	(xrf0) =	vadd.scan.msk.s32 $0xffff, v7;
	_ =	sdelay $0x1  }
0x27c: {  	v8 =	vmul.u32 v3, v8;
	_ =	sdelay $0x3  }
0x27d: {  	v7 =	vsub.s32 v8, v7;
	s31 =	spop (v2sf);
	v8, _, _ =	vpop (xrf0)  }
0x27e: {  	s18 =	sadd.s32 s18, s31;
	v7 =	vadd.s32 v8, v7;
	(v2sf) =	vpush v8, $0xF  }
0x27f: {  	v7 =	vadd.s32 s18, v7  }
0x280: {  	[tilespmem:s30+$0xFFFFFFF0] =	vst v7;
	v7 =	vld [tilespmem:s30+$0x0]  }
0x281: {  	v8 =	vld [tilespmem:s4+$0x0];
	_ =	sdelay $0x4  }
0x282: {  	v7 =	vadd.s32 v7, v8  }
0x283: {  	(xrf0) =	vadd.scan.msk.s32 $0xffff, v7;
	_ =	sdelay $0x1  }
0x284: {  	v8 =	vmul.u32 v3, v8;
	_ =	sdelay $0x3  }
0x285: {  	v7 =	vsub.s32 v8, v7;
	s25 =	spop (v2sf);
	v8, _, _ =	vpop (xrf0)  }
0x286: {  	s18 =	sadd.s32 s18, s25;
	v7 =	vadd.s32 v8, v7  }
0x287: {  	v7 =	vadd.s32 s18, v7  }
0x288: {  	[tilespmem:s30+$0x0] =	vst v7;
	v7 =	vld [tilespmem:s30+$0x10]  }
0x289: {  	v63 =	vld [tilespmem:s4+$0x10];
	_ =	sdelay $0x4  }
0x28a: {  	v7 =	vadd.s32 v7, v63  }
0x28b: {  	(xrf0) =	vadd.scan.msk.s32 $0xffff, v7;
	_ =	sdelay $0x5  }
0x28c: {  	(v2sf) =	vpush v8, $0xF;
	v8, _, _ =	vpop (xrf0)  }
0x28d: {  	(v2sf) =	vpush v8, $0xF;
	_ =	sdelay $0x6  }
0x28e: {  	(xrf0) =	vmax.scan.msk.f32 $0xffff, v5  }
0x28f: {  	(xrf0) =	vmax.scan.msk.f32 $0xffff, v6;
	_ =	sdelay $0x4  }
0x290: {  	v5, _, _ =	vpop (xrf0)  }
0x291: {  	s26 =	spop (v2sf);
	(v2sf) =	vpush v5, $0xF;
	v5, _, _ =	vpop (xrf0)  }
0x292: {  	s30 =	spop (v2sf);
	(v2sf) =	vpush v5, $0xF;
	_ =	sdelay $0x8  }
0x293: {  	v9 =	vmul.u32 v3, v63;
	_ =	sdelay $0x1  }
0x294: {  	v7 =	vsub.s32 v9, v7  }
0x295: {  	v7 =	vadd.s32 v8, v7;
	s4 =	sadd.s32 s18, s26  }
0x296: {  	v7 =	vadd.s32 s4, v7  }
0x297: {  	[tilespmem:s0+$0x10] =	vst v7;
	s0 =	spop (v2sf)  }
0x298: {  	s31 =	spop (v2sf)  }
0x299: {  	s0 =	smax.f32 s0, s31  }
0x29a: {  	v5 =	vmov s0;
	s0 =	simm.s32 $0x0  }
0x29b: {  	v6 =	vld [tilespmem:s0+$0x2000];
	_ =	sdelay $0x1  }
0x29c: {  	s4 =	simm.s32 $0x10  }
0x29d: {  	v7 =	vld [tilespmem:s4+$0x2000];
	_ =	sdelay $0x1  }
0x29e: {  	v6 =	vsub.f32 v6, v5;
	_ =	sdelay $0x1  }
0x29f: {  	v6 =	vmul.f32 $1.442695020e+00, v6  }
0x2a0: {  	v7 =	vsub.f32 v7, v5  }
0x2a1: {  	(erf) = vpow2.f32 v6  }
0x2a2: {  	v7 =	vmul.f32 $1.442695020e+00, v7  }
0x2a3: {  	s24 =	simm.s32 $0x20  }
0x2a4: {  	v6 =	vld [tilespmem:s24+$0x2000];
	(erf) = vpow2.f32 v7;
	_ =	sdelay $0x2  }
0x2a5: {  	s26 =	simm.s32 $0xC0  }
.LBB2_32:
0x2a6: {  	p0 =	sne.s32 s26, $0x7FC0  }
.Ltmp15:
0x2a7: {  	s18 =	sshra.s32 s26, $0x2;
	s26 =	sadd.s32 $0x40, s26;
	v7 =	vsub.f32 v6, v5;
	(pc) =	sbr.rel @p0 .LBB2_32-.Ltmp15, $4  }
0x2a8: {  	v6 =	vld [tilespmem:s18+$0x2000];
	v8 =	vpop (erf)  }
0x2a9: {  	v7 =	vmul.f32 $1.442695020e+00, v7;
	[tilespmem:s0+$0xA000] =	vst v8;
	s0 =	smov.u32 s4;
	s4 =	smov.u32 s24;
	s24 =	smov.u32 s18  }
0x2aa: {  	_ = 	snop  }
0x2ab: {  	(erf) = vpow2.f32 v7  }
0x2ac: {  	_ = 	snop  }
0x2ad: {  	v5 =	vsub.f32 v6, v5;
	_ =	sdelay $0x1  }
0x2ae: {  	v5 =	vmul.f32 $1.442695020e+00, v5;
	_ =	sdelay $0x1  }
0x2af: {  	(erf) = vpow2.f32 v5;
	_ =	sdelay $0x6  }
0x2b0: {  	v5 =	vpop (erf)  }
0x2b1: {  	[tilespmem:s0+$0xA000] =	vst v5;
	v5 =	vpop (erf)  }
0x2b2: {  	[tilespmem:s4+$0xA000] =	vst v5;
	v5 =	vpop (erf)  }
0x2b3: {  	s0 =	simm.s32 $0xFFFFFFFC;
	s4 =	simm.s32 $0x30;
	[tilespmem:s24+$0xA000] =	vst v5;
	s24 =	simm.s32 $0xC020  }
.LBB2_34:
0x2b4: {  	v5 =	vld [tilespmem:s24+$0xFFFFFFE0];
	_ =	sdelay $0x4  }
0x2b5: {  	v6 =	vand.u32 $0x7FF, v5;
	_ =	sdelay $0x4  }
0x2b6: {  	v7 =	vld.idx.msk [tilespmem:v6+s19+$0x0], $0xffff  }
0x2b7: {  	vm0 =	vgt.s32 v5, $0x7FFF  }
0x2b8: {  	s18 =	sadd.s32 $0xFFFFFFD0, s4  }
0x2b9: {  	s26 =	sand.u32 $0x1F80, s18;
	v5 =	vshrl.u32 v5, $0xB  }
0x2ba: {  	s18 =	sand.u32 $0x40, s18;
	s26 =	sor.u32 $0xE000, s26;
	v5 =	vand.u32 $0xF, v5  }
0x2bb: {  	s18 =	sor.u32 s18, s26;
	v7 =	vadd.s32 v7, v5  }
0x2bc: {  	v5 =	vadd.s32 $0x1, v5;
	[tilespmem:s18+$0x0] =	vst v7  }
0x2bd: {  	[tilespmem:v6+s19+$0x0] =	vst.idx.add.s32.msk vm0, v5  }
0x2be: {  	v5 =	vld [tilespmem:s24+$0xFFFFFFF0];
	_ =	sdelay $0x4  }
0x2bf: {  	v6 =	vand.u32 $0x7FF, v5;
	_ =	sdelay $0x4  }
0x2c0: {  	v7 =	vld.idx.msk [tilespmem:v6+s19+$0x0], $0xffff  }
0x2c1: {  	vm13 =	vgt.s32 v5, $0x7FFF;
	_ =	sdelay $0x1  }
0x2c2: {  	s25 =	sadd.s32 $0xFFFFFFE0, s4;
	v5 =	vshrl.u32 v5, $0xB  }
0x2c3: {  	s18 =	sand.u32 $0x50, s25;
	v5 =	vand.u32 $0xF, v5  }
0x2c4: {  	s18 =	sor.u32 s18, s26;
	v7 =	vadd.s32 v7, v5  }
0x2c5: {  	v5 =	vadd.s32 $0x1, v5;
	[tilespmem:s18+$0x0] =	vst v7  }
0x2c6: {  	[tilespmem:v6+s19+$0x0] =	vst.idx.add.s32.msk vm13, v5  }
0x2c7: {  	v5 =	vld [tilespmem:s24+$0x0];
	_ =	sdelay $0x4  }
0x2c8: {  	v6 =	vand.u32 $0x7FF, v5;
	_ =	sdelay $0x4  }
0x2c9: {  	v7 =	vld.idx.msk [tilespmem:v6+s19+$0x0], $0xffff  }
0x2ca: {  	vm14 =	vgt.s32 v5, $0x7FFF;
	_ =	sdelay $0x1  }
0x2cb: {  	s30 =	sadd.s32 $0xFFFFFFF0, s4;
	v5 =	vshrl.u32 v5, $0xB  }
0x2cc: {  	s18 =	sand.u32 $0x60, s30;
	v5 =	vand.u32 $0xF, v5  }
0x2cd: {  	s18 =	sor.u32 s18, s26;
	v7 =	vadd.s32 v7, v5  }
0x2ce: {  	v5 =	vadd.s32 $0x1, v5;
	[tilespmem:s18+$0x0] =	vst v7  }
0x2cf: {  	[tilespmem:v6+s19+$0x0] =	vst.idx.add.s32.msk vm14, v5  }
0x2d0: {  	v5 =	vld [tilespmem:s24+$0x10];
	_ =	sdelay $0x4  }
0x2d1: {  	v6 =	vand.u32 $0x7FF, v5;
	_ =	sdelay $0x4  }
0x2d2: {  	v7 =	vld.idx.msk [tilespmem:v6+s19+$0x0], $0xffff  }
0x2d3: {  	s0 =	sadd.s32 $0x4, s0;
	vm15 =	vgt.s32 v5, $0x7FFF  }
0x2d4: {  	p0 =	slt.u32 s0, $0x1FC  }
.Ltmp16:
0x2d5: {  	v5 =	vshrl.u32 v5, $0xB;
	(pc) =	sbr.rel @p0 .LBB2_34-.Ltmp16, $4  }
0x2d6: {  	s31 =	sand.u32 $0x70, s4;
	v5 =	vand.u32 $0xF, v5  }
0x2d7: {  	s18 =	sor.u32 s31, s26;
	v7 =	vadd.s32 v7, v5  }
0x2d8: {  	v5 =	vadd.s32 $0x1, v5;
	[tilespmem:s18+$0x0] =	vst v7  }
0x2d9: {  	s4 =	sadd.s32 $0x40, s4;
	s26 =	simm.s32 $0x0;
	s24 =	sadd.s32 $0x40, s24;
	[tilespmem:v6+s19+$0x0] =	vst.idx.add.s32.msk vm15, v5  }
.LBB2_35:
0x2da: {  	p0 =	sne.s32 s26, $0x7E00  }
.Ltmp17:
0x2db: {  	_ = 	snop;
	(pc) =	sbr.rel @p0 .LBB2_35-.Ltmp17, $4  }
0x2dc: {  	_ = 	snop  }
0x2dd: {  	s0 =	sshra.s32 s26, $0x2  }
0x2de: {  	s26 =	sadd.s32 $0x200, s26;
	s4 =	sadd.s32 $0xA000, s0;
	s0 =	sadd.s32 $0xE000, s0  }
0x2df: {  	[spmem:s2] =	stream.indirect.scatter [tilespmem:s4], [sflag:$0x1], $0x1, s0, s22, $0xb8;
	[tilespmem:$0x17B10] =	vst v63  }
0x2e0: {  	_ =	swait.ge [sflag:s23], $0x80  }
0x2e1: {  	s0 =	simm.s32 $0x3F;
	[sflag:s23] =	ssyncset.done $0x0  }
.LBB2_37:
0x2e2: {  	p0 =	sne.s32 s0, $0x1;
	s0 =	sadd.s32 $0xFFFFFFFF, s0;
	[sflag:s23] =	ssyncadd.s32 $0xFFFFFF80  }
.Ltmp18:
0x2e3: {  	(pc) =	sbr.rel @p0 .LBB2_37-.Ltmp18, $3  }
0x2e4: {  	_ =	sdelay $0x1  }
0x2e5: {  	_ =	swait.ge [sflag:s23], $0x80  }
0x2e6: {  	[sflag:s23] =	ssyncset.done $0x0  }
0x2e7: {  	[sflag:s23] =	ssyncadd.s32 $0xFFFFFF80  }
0x2e8: {  	s0 =	simm.s32 $0x8000;
	[bflag:$0x0] =	sbarrier.arrive $0xFFFF  }
0x2e9: {  	[tilespmem:s0], [sflag:$0x2] =	stream.linear.gather [spmem:s13], $0x2000, $0x38;
	[tilespmem:$0x17B10] =	vst v63  }
0x2ea: {  	_ =	swait.ge [sflag:s17], $0x2000  }
0x2eb: {  	[sflag:s17] =	ssyncset.done $0x0  }
0x2ec: {  	s0 =	simm.s32 $0x0;
	[sflag:s17] =	ssyncadd.s32 $0xFFFFE000  }
0x2ed: {  	v5 =	vld [tilespmem:s0+$0x8000];
	_ =	sdelay $0x1  }
0x2ee: {  	s4 =	simm.s32 $0x10  }
0x2ef: {  	v6 =	vld [tilespmem:s4+$0x8000];
	_ =	sdelay $0x1  }
0x2f0: {  	v5 =	vperm.xlane v5, v4;
	_ =	sdelay $0x1  }
0x2f1: {  	(xrf2) =	vadd.scan.msk.f32 $0xffff, v5  }
0x2f2: {  	v6 =	vperm.xlane v6, v4;
	_ =	sdelay $0x1  }
0x2f3: {  	(xrf2) =	vadd.scan.msk.f32 $0xffff, v6;
	_ =	sdelay $0x1  }
0x2f4: {  	s24 =	simm.s32 $0x20  }
0x2f5: {  	s26 =	simm.s32 $0xC0;
	v5 =	vld [tilespmem:s24+$0x8000]  }
.LBB2_39:
0x2f6: {  	_ = 	snop  }
0x2f7: {  	p0 =	sne.s32 s26, $0x7FC0  }
.Ltmp19:
0x2f8: {  	_ = 	snop;
	(pc) =	sbr.rel @p0 .LBB2_39-.Ltmp19, $4  }
0x2f9: {  	v7, _, _ =	vpop (xrf2)  }
0x2fa: {  	v7 =	vperm.xlane v7, v4;
	v6 =	vperm.xlane v5, v4  }
0x2fb: {  	s18 =	sshra.s32 s26, $0x2;
	s26 =	sadd.s32 $0x40, s26  }
0x2fc: {  	v5 =	vld [tilespmem:s18+$0x8000];
	[tilespmem:s0+$0x11000] =	vst v7;
	s0 =	smov.u32 s4;
	s4 =	smov.u32 s24;
	s24 =	smov.u32 s18;
	(xrf2) =	vadd.scan.msk.f32 $0xffff, v6  }
0x2fd: {  	_ =	sdelay $0x3  }
0x2fe: {  	v5 =	vperm.xlane v5, v4;
	_ =	sdelay $0x1  }
0x2ff: {  	(xrf2) =	vadd.scan.msk.f32 $0xffff, v5;
	_ =	sdelay $0x6  }
0x300: {  	v5 =	vmul.u32 $0x10, v1  }
0x301: {  	v6, _, _ =	vpop (xrf2);
	s18 =	simm.s32 $0x1F00  }
0x302: {  	v6 =	vperm.xlane v6, v4;
	v8 =	vor.u32 s18, v5;
	v7, _, _ =	vpop (xrf2)  }
0x303: {  	v7 =	vperm.xlane v7, v4;
	v9, _, _ =	vpop (xrf2)  }
0x304: {  	[tilespmem:s0+$0x11000] =	vst v6;
	v6 =	vperm.xlane v9, v4  }
0x305: {  	[tilespmem:s4+$0x11000] =	vst v7  }
0x306: {  	[tilespmem:s24+$0x11000] =	vst v6  }
0x307: {  	v6 =	vld.idx.msk [tilespmem:v8+s28+$0x0], $0xffff;
	_ =	sdelay $0x4  }
0x308: {  	v7 =	vperm.xlane v6, v4;
	_ =	sdelay $0x1  }
0x309: {  	(xrf2) =	vadd.scan.msk.f32 $0xffff, v7;
	_ =	sdelay $0x9  }
0x30a: {  	v7, _, _ =	vpop (xrf2)  }
0x30b: {  	v7 =	vperm.xlane v7, v4;
	_ =	sdelay $0x1  }
0x30c: {  	(xrf0) =	vmax.scan.msk.f32 $0xffff, v7;
	_ =	sdelay $0x5  }
0x30d: {  	s31 =	simm.s32 $0x1E00;
	v8, _, _ =	vpop (xrf0)  }
0x30e: {  	v6 =	vsub.f32 v7, v6;
	(v2sf) =	vpush v8, $0xF;
	v8 =	vor.u32 s31, v5  }
0x30f: {  	s4 =	simm.f32 $0.0e+00  }
0x310: {  	v6 =	vadd.f32 s4, v6  }
0x311: {  	s0 =	simm.s32 $0x131F0  }
0x312: {  	[tilespmem:s0+$0x0] =	vst v6  }
0x313: {  	v6 =	vld.idx.msk [tilespmem:v8+s28+$0x0], $0xffff;
	_ =	sdelay $0x4  }
0x314: {  	v7 =	vperm.xlane v6, v4;
	_ =	sdelay $0x1  }
0x315: {  	(xrf2) =	vadd.scan.msk.f32 $0xffff, v7;
	_ =	sdelay $0x7  }
0x316: {  	s26 =	simm.s32 $0x1D00;
	s24 =	spop (v2sf)  }
.LBB2_41:
0x317: {  	s4 =	sadd.f32 s24, s4  }
0x318: {  	v7, _, _ =	vpop (xrf2);
	s0 =	sadd.s32 $0xFFFFFFF0, s0;
	s18 =	smov.u32 s26;
	s30 =	sadd.s32 $0xFFFFFF00, s26  }
0x319: {  	p0 =	sne.s32 s26, $0x0;
	v7 =	vperm.xlane v7, v4;
	_ =	sdelay $0x1  }
0x31a: {  	v8 =	vor.u32 s18, v5;
	v6 =	vsub.f32 v7, v6;
	(xrf0) =	vmax.scan.msk.f32 $0xffff, v7;
	_ =	sdelay $0x1  }
0x31b: {  	v6 =	vadd.f32 s4, v6;
	_ =	sdelay $0x1  }
0x31c: {  	[tilespmem:s0+$0x0] =	vst v6  }
0x31d: {  	v6 =	vld.idx.msk [tilespmem:v8+s28+$0x0], $0xffff  }
0x31e: {  	v7, _, _ =	vpop (xrf0)  }
0x31f: {  	(v2sf) =	vpush v7, $0xF;
	_ =	sdelay $0x3  }
0x320: {  	v7 =	vperm.xlane v6, v4;
	_ =	sdelay $0x1  }
0x321: {  	(xrf2) =	vadd.scan.msk.f32 $0xffff, v7;
	_ =	sdelay $0x4  }
.Ltmp20:
0x322: {  	(pc) =	sbr.rel @p0 .LBB2_41-.Ltmp20, $2  }
0x323: {  	_ =	sdelay $0x2  }
0x324: {  	s26 =	smov.u32 s30;
	s24 =	spop (v2sf)  }
0x325: {  	v5, _, _ =	vpop (xrf2)  }
0x326: {  	v5 =	vperm.xlane v5, v4;
	_ =	sdelay $0x1  }
0x327: {  	(xrf0) =	vmax.scan.msk.f32 $0xffff, v5;
	_ =	sdelay $0x5  }
0x328: {  	v7, _, _ =	vpop (xrf0)  }
0x329: {  	(v2sf) =	vpush v7, $0xF;
	_ =	sdelay $0xd  }
0x32a: {  	s4 =	sadd.f32 s24, s4;
	v5 =	vsub.f32 v5, v6  }
0x32b: {  	s18 =	spop (v2sf)  }
0x32c: {  	v5 =	vadd.f32 s4, v5;
	s4 =	sadd.f32 s18, s4  }
0x32d: {  	s0 =	sadd.s32 $0xFFFFFFF0, s0  }
0x32e: {  	[tilespmem:s0+$0x0] =	vst v5;
	v5 =	vmov s4  }
0x32f: {  	[tilespmem:$0x13280] =	vst v5  }
0x330: {  	[spmem:s9] =	stream.linear.scatter [tilespmem:s20], [sflag:$0x2], $0x10, $0x38;
	[tilespmem:$0x17B10] =	vst v63  }
0x331: {  	_ =	swait.ge [sflag:s17], $0x10  }
0x332: {  	[sflag:s17] =	ssyncset.done $0x0  }
0x333: {  	[sflag:s17] =	ssyncadd.s32 $0xFFFFFFF0  }
0x334: {  	[bflag:$0x0] =	sbarrier.arrive $0xFFFF  }
0x335: {  	[tilespmem:s20], [sflag:$0x2] =	stream.linear.gather [spmem:s10], $0x10, $0x38;
	[tilespmem:$0x17B10] =	vst v63  }
0x336: {  	_ =	swait.ge [sflag:s17], $0x10  }
0x337: {  	[sflag:s17] =	ssyncset.done $0x0  }
0x338: {  	[sflag:s17] =	ssyncadd.s32 $0xFFFFFFF0  }
0x339: {  	v5 =	vld [tilespmem:$0x13280]  }
0x33a: {  	s31 =	simm.s32 $0x0  }
0x33b: {  	v6 =	vld [tilespmem:s31+$0x13000];
	_ =	sdelay $0x2  }
0x33c: {  	(v2sf) =	vpush v5, $0x0;
	_ =	sdelay $0x1  }
0x33d: {  	(v2sf) =	vpush v6, $0x0;
	_ =	sdelay $0x6  }
0x33e: {  	s4 =	simm.s32 $0x1  }
0x33f: {  	v5 =	vld [tilespmem:s4+$0x13000]  }
0x340: {  	s18 =	simm.s32 $0x2  }
0x341: {  	v6 =	vld [tilespmem:s18+$0x13000];
	_ =	sdelay $0x2  }
0x342: {  	s24 =	spop (v2sf);
	(v2sf) =	vpush v5, $0x0;
	_ =	sdelay $0x1  }
0x343: {  	s31 =	spop (v2sf);
	(v2sf) =	vpush v6, $0x0;
	_ =	sdelay $0x2  }
0x344: {  	s4 =	simm.s32 $0x11000  }
0x345: {  	s25 =	simm.s32 $0x3;
	v5 =	vld [tilespmem:s4+$0x0]  }
0x346: {  	v6 =	vld [tilespmem:s25+$0x13000]  }
0x347: {  	s0 =	smul.f32 s14, s24;
	_ =	sdelay $0x1  }
0x348: {  	s30 =	sadd.f32 s31, s0  }
0x349: {  	s26 =	simm.s32 $0x10;
	s24 =	simm.s32 $0x11010  }
.LBB2_43:
0x34a: {  	s18 =	sshra.s32 s26, $0x2;
	p0 =	sne.s32 s26, $0x7FC;
	s26 =	sadd.s32 $0x4, s26;
	(v2sf) =	vpush v6, $0x0;
	v7 =	vadd.f32 s30, v5;
	v5 =	vld [tilespmem:s24+$0x0]  }
.Ltmp21:
0x34b: {  	v6 =	vld [tilespmem:s18+$0x13000];
	(pc) =	sbr.rel @p0 .LBB2_43-.Ltmp21, $4  }
0x34c: {  	[tilespmem:s4+$0x0] =	vst v7;
	s4 =	smov.u32 s24  }
0x34d: {  	s18 =	spop (v2sf)  }
0x34e: {  	s30 =	sadd.f32 s18, s0  }
0x34f: {  	s24 =	sadd.s32 $0x10, s24  }
0x350: {  	(v2sf) =	vpush v6, $0x0;
	_ =	sdelay $0xa  }
0x351: {  	v6 =	vld [tilespmem:s24+$0x0];
	s18 =	sadd.s32 $0x10, s24  }
0x352: {  	v7 =	vld [tilespmem:s18+$0x0];
	s26 =	sadd.s32 $0x10, s18  }
0x353: {  	s31 =	spop (v2sf);
	v8 =	vld [tilespmem:s26+$0x0]  }
0x354: {  	s31 =	sadd.f32 s31, s0;
	s25 =	spop (v2sf)  }
0x355: {  	v5 =	vadd.f32 s30, v5;
	s25 =	sadd.f32 s25, s0;
	s30 =	spop (v2sf)  }
0x356: {  	v6 =	vadd.f32 s31, v6;
	s31 =	sadd.f32 s30, s0  }
0x357: {  	[tilespmem:s4+$0x0] =	vst v5;
	v5 =	vadd.f32 s25, v7  }
0x358: {  	s29 =	sadd.s32 $0x1, s29;
	[tilespmem:s24+$0x0] =	vst v6;
	v6 =	vadd.f32 s31, v8  }
0x359: {  	p0 =	sne.s32 s29, s16;
	[tilespmem:s18+$0x0] =	vst v5  }
.Ltmp22:
0x35a: {  	[tilespmem:s26+$0x0] =	vst v6;
	(pc) =	sbr.rel @p0 .LBB2_1-.Ltmp22, $4  }
0x35b: {  	[hbm4b:s15+s3] =	stream.linear.scatter [tilespmem:s28], [sflag:$0x2], $0x2000, $0x38;
	[tilespmem:$0x17B10] =	vst v63  }
0x35c: {  	_ =	swait.ge [sflag:s17], $0x2000  }
0x35d: {  	[sflag:s17] =	ssyncset.done $0x0  }
0x35e: {  	s25 =	simm.s32 $0x2000;
	[sflag:s17] =	ssyncadd.s32 $0xFFFFE000  }
0x35f: {  	_ =	sfence.sel $0x180000  }
0x360: {  	[bflag:$0x0] =	sbarrier.arrive $0xFFFF  }
0x361: {  	_ =	strace $0x90000047  }
0x362: {  	s0 =	stileid.u32;
	[bflag:$0x2] =	sbarrier.arrive $0xFFFF  }
0x363: {  	p0 =	sne.s32 s0, $0x0;
	s0 =	rddreg [dreg:$0x5]  }
0x364: {  	s0 =	sadd.s32 @!p0 $0x100000, s0  }
0x365: {  	[sflag:s0] =	ssyncadd.tile.s32 @!p0 $0x1;
	_ =	shalt  }
.Lfunc_end2:
_tile_overlayer_lowered:
.L_overlay_start_2:
0x366: {  	(tag) =	ssettag $0x2  }
0x367: {  	s0 =	rddreg [dreg:$0x0];
	s2 =	stileid.u32  }
0x368: {  	s1 =	rddreg [dreg:$0x1];
	p0 =	sne.s32 s2, $0x0  }
0x369: {  	s3 =	rddreg [dreg:$0x2];
	[bflag:$0x3] =	sbarrier.arrive $0xFFFF;
	s2 =	simm.s32 @!p0 $0x1C02  }
0x36a: {  	[timem:s3], [sflag:s2] =	dma.local @!p0 [hbm:s0], s1  }
0x36b: {  	s0 =	simm.s32 @!p0 $0x2  }
0x36c: {  	_ =	swait.ge @!p0 [sflag:s0], s1  }
0x36d: {  	s1 =	ssub.s32 @!p0 $0x0, s1;
	[sflag:s0] =	ssyncset.done @!p0 $0x0  }
0x36e: {  	[sflag:s0] =	ssyncadd.s32 @!p0 s1  }
0x36f: {  	[bflag:$0x3] =	sbarrier.arrive $0xFFFF  }
0x370: {  	_ =	shalt  }

</sc_bundles>
